<compile_context>
chip_gen: v7x
topology: tpu7x:2x2x1
jax: 0.10.2.dev20260603
libtpu: 0.0.44.dev20260713+nightly
codegen_flags: <defaults>
</compile_context>

<pallas_src>
import functools

import jax
import jax.numpy as jnp
from jax import lax
from jax.experimental import pallas as pl
from jax.experimental.pallas import tpu as pltpu
from jax.experimental.pallas import tpu_sc as plsc

VOCAB = 100000
DIM = 64
B = 1024
T = 200
NGRAM_COUNT = 4 * T - 10
NCHUNK = 10
CHUNK = 80
IDS_PAD = NCHUNK * CHUNK

NC = 2
NS = 16
NW = NC * NS
ROWS_PER_W = B // NW

CHUNK_COUNTS = tuple(CHUNK if k < NCHUNK - 1 else NGRAM_COUNT - (NCHUNK - 1) * CHUNK
                     for k in range(NCHUNK))


def _ids_body(x_ref, out_ref):
    xp = x_ref[...] + 1
    i2 = xp[:, 0:199] * 257 + xp[:, 1:200]
    i3 = (i2[:, 0:198] * 257 + xp[:, 2:200]) % VOCAB
    i4 = (i3[:, 0:197] * 257 + xp[:, 3:200]) % VOCAB
    i5 = (i4[:, 0:196] * 257 + xp[:, 4:200]) % VOCAB
    pad = jnp.zeros((B, IDS_PAD - NGRAM_COUNT), dtype=jnp.int32)
    ids_all = jnp.concatenate([i2, i3, i4, i5, pad], axis=1)
    out_ref[...] = ids_all.reshape(B, NCHUNK, CHUNK)


def _compute_ids(x32):
    return pl.pallas_call(
        _ids_body,
        out_shape=jax.ShapeDtypeStruct((B, NCHUNK, CHUNK), jnp.int32),
    )(x32)



_CROWS = 200
_CCHUNKS = VOCAB // _CROWS


def _conv_body(embt_hbm, out_hbm, fbuf, bbuf):
    wid = lax.axis_index("s") * NC + lax.axis_index("c")
    iota = lax.iota(jnp.int32, 16)

    def step(j, _):
        c = wid + j * NW
        row0 = c * _CROWS
        pltpu.sync_copy(embt_hbm.at[:, pl.ds(row0, _CROWS)], fbuf)

        def pack_row(i):
            vsplat = jnp.zeros((16,), jnp.int32) + i
            f0 = plsc.load_gather(fbuf, [iota, vsplat])
            f1 = plsc.load_gather(fbuf, [iota + 16, vsplat])
            f2 = plsc.load_gather(fbuf, [iota + 32, vsplat])
            f3 = plsc.load_gather(fbuf, [iota + 48, vsplat])
            bbuf[i, pl.ds(0, 32)] = plsc.pack(
                f0, f1, format=plsc.PackFormat.INTERLEAVED)
            bbuf[i, pl.ds(32, 32)] = plsc.pack(
                f2, f3, format=plsc.PackFormat.INTERLEAVED)

        plsc.parallel_loop(jnp.int32(0), jnp.int32(_CROWS), jnp.int32(1),
                           unroll=4)(pack_row)
        pltpu.sync_copy(bbuf, out_hbm.at[pl.ds(row0, _CROWS)])
        return _

    nch = jnp.int32(_CCHUNKS // NW) + (
        wid < jnp.int32(_CCHUNKS % NW)).astype(jnp.int32)
    lax.fori_loop(jnp.int32(0), nch, step, None)


@functools.cache
def _convert_fn():
    return pl.kernel(
        _conv_body,
        out_type=jax.ShapeDtypeStruct((VOCAB, DIM), jnp.bfloat16),
        mesh=plsc.VectorSubcoreMesh(core_axis_name="c", subcore_axis_name="s"),
        scratch_types=[
            pltpu.VMEM((DIM, _CROWS), jnp.float32),
            pltpu.VMEM((_CROWS, DIM), jnp.bfloat16),
        ],
        compiler_params=pltpu.CompilerParams(
            use_tc_tiling_on_sc=False, needs_layout_passes=False),
    )


def _sc_body(ids_hbm, table_hbm, out_hbm, idx_v, bufs, acc_v, sems):
    wid = lax.axis_index("s") * NC + lax.axis_index("c")
    base = wid * ROWS_PER_W

    pltpu.sync_copy(ids_hbm.at[pl.ds(base, ROWS_PER_W)], idx_v)

    def fire(r, k, slab):
        pltpu.async_copy(
            table_hbm.at[idx_v.at[r, jnp.int32(k)]],
            bufs[slab],
            sems[slab],
        )

    def wait(slab):
        pltpu.make_async_copy(
            table_hbm.at[pl.ds(0, CHUNK)], bufs[slab], sems[slab]
        ).wait()

    fire(jnp.int32(0), 0, 0)
    fire(jnp.int32(0), 1, 1)

    def row_body(r, _):
        z = jnp.zeros((16,), jnp.float32)
        acc = (z, z, z, z)
        hi_mask = jnp.full((16,), -65536, jnp.int32)

        for k in range(NCHUNK):
            slab = k % 2
            wait(slab)
            buf = bufs[slab]

            def acc_body(i, carry):
                ae0, ao0, ae1, ao1 = carry
                w0 = plsc.bitcast(buf[i, pl.ds(0, 32)], jnp.int32)
                w1 = plsc.bitcast(buf[i, pl.ds(32, 32)], jnp.int32)
                ae0 = ae0 + plsc.bitcast(w0 << 16, jnp.float32)
                ao0 = ao0 + plsc.bitcast(w0 & hi_mask, jnp.float32)
                ae1 = ae1 + plsc.bitcast(w1 << 16, jnp.float32)
                ao1 = ao1 + plsc.bitcast(w1 & hi_mask, jnp.float32)
                return (ae0, ao0, ae1, ao1)

            acc = plsc.parallel_loop(
                jnp.int32(0), jnp.int32(CHUNK_COUNTS[k]), jnp.int32(1),
                unroll=5, carry=acc)(acc_body)

            if k < NCHUNK - 2:
                fire(r, k + 2, slab)
            else:

                @pl.when(r < ROWS_PER_W - 1)
                def _():
                    fire(r + 1, k + 2 - NCHUNK, slab)

        a0, a1, a2, a3 = acc
        sq = a0 * a0 + a1 * a1 + a2 * a2 + a3 * a3
        n2 = lax.reduce_sum_p.bind(sq, axes=(0,))
        n2v = jnp.maximum(jnp.zeros((16,), jnp.float32) + n2,
                          jnp.float32(6.241e-19))
        u = plsc.bitcast(n2v, jnp.int32)
        y = plsc.bitcast(jnp.int32(0x5F3759DF) - (u >> 1), jnp.float32)
        for _i in range(3):
            y = y * (1.5 - 0.5 * n2v * y * y)
        acc_v[r, pl.ds(0, 16)] = a0 * y
        acc_v[r, pl.ds(16, 16)] = a1 * y
        acc_v[r, pl.ds(32, 16)] = a2 * y
        acc_v[r, pl.ds(48, 16)] = a3 * y
        return _

    lax.fori_loop(jnp.int32(0), jnp.int32(ROWS_PER_W), row_body, None)
    pltpu.sync_copy(acc_v, out_hbm.at[pl.ds(base, ROWS_PER_W)])


def _sc_entry(ids_hbm, table_hbm, out_hbm, idx_v, buf_a, buf_b, acc_v,
              sem_a, sem_b):
    _sc_body(ids_hbm, table_hbm, out_hbm, idx_v, (buf_a, buf_b), acc_v,
             (sem_a, sem_b))


@functools.cache
def _gather_sums_fn():
    return pl.kernel(
        _sc_entry,
        out_type=jax.ShapeDtypeStruct((B, DIM), jnp.float32),
        mesh=plsc.VectorSubcoreMesh(core_axis_name="c", subcore_axis_name="s"),
        scratch_types=[
            pltpu.VMEM((ROWS_PER_W, NCHUNK, CHUNK), jnp.int32),
            pltpu.VMEM((CHUNK, DIM), jnp.bfloat16),
            pltpu.VMEM((CHUNK, DIM), jnp.bfloat16),
            pltpu.VMEM((ROWS_PER_W, DIM), jnp.float32),
            pltpu.SemaphoreType.DMA,
            pltpu.SemaphoreType.DMA,
        ],
        compiler_params=pltpu.CompilerParams(
            use_tc_tiling_on_sc=False, needs_layout_passes=False),
    )




def kernel(x_bytes, emb_weight):
    x32 = x_bytes.astype(jnp.int32)
    ids = _compute_ids(x32)
    emb16 = _convert_fn()(emb_weight.T)
    return _gather_sums_fn()(ids, emb16)

# --- scband reference (transcript-rebuilt; emitter-appended) ---
"""Pipeline reference for scband-concept-bank-37306085933420 (READ-ONLY COPY).

The authoritative reference and input builder live on the scoring server;
editing this copy changes nothing except your own understanding.
"""

import jax, jax.numpy as jnp
import numpy as np
jax.config.update("jax_enable_x64", True)

VOCAB = 100000
DIM = 64
B = 1024
T = 200


def _hash_bytes(ints, mod, nmin=2, nmax=5):
    MOD = 2 ** 61 - 1
    base = 257
    idx = []
    for n in range(nmin, nmax + 1):
        h = 0
        p = pow(base, n - 1, MOD)
        for i, ch in enumerate(ints):
            ch = int(ch)
            if i < n:
                h = (h * base + ch + 1) % MOD
                if i == n - 1:
                    idx.append(h % mod)
            else:
                h = (h - (int(ints[i - n]) + 1) * p) % MOD
                h = (h * base + ch + 1) % MOD
                idx.append(h % mod)
    if not idx:
        idx = [0]
    return idx


_M61 = (1 << 61) - 1
_M32 = (1 << 32) - 1


def _red61(v):
    v = (v & _M61) + (v >> 61)
    v = (v & _M61) + (v >> 61)
    return jnp.where(v >= _M61, v - _M61, v)


def _mulmod61(a, b):
    a1 = a >> 32
    a0 = a & _M32
    b1 = b >> 32
    b0 = b & _M32
    t1 = _red61((a1 * b1) << 3)
    mid = a1 * b0 + a0 * b1
    t2 = _red61((mid >> 29) + ((mid & ((1 << 29) - 1)) << 32))
    t3 = _red61(a0 * b0)
    return _red61(t1 + t2 + t3)


def setup_inputs(seed: int = 0) -> dict:
    key = jax.random.key(seed)
    k1, k2 = jax.random.split(key)
    x_bytes = jax.random.randint(k1, (B, T), 0, 256, dtype=jnp.int64)
    emb_weight = 0.02 * jax.random.normal(k2, (VOCAB, DIM), dtype=jnp.float32)
    return {"x_bytes": x_bytes, "emb_weight": emb_weight}


def reference(x_bytes, emb_weight):
    nB, nT = x_bytes.shape
    base = jnp.uint64(257)
    bts = x_bytes.astype(jnp.uint64)

    def step(h, b):
        h2 = _red61(_mulmod61(h, base) + b + 1)
        return h2, h2

    init = jnp.zeros((nB,), dtype=jnp.uint64)
    _, Hs = jax.lax.scan(step, init, bts.T)  # [T, B] prefix hashes mod 2^61-1
    H = Hs.T  # [B, T]
    Hpad = jnp.concatenate([jnp.zeros((nB, 1), dtype=jnp.uint64), H], axis=1)
    ids = []
    for n in range(2, 6):
        pn = jnp.uint64(pow(257, n, _M61))
        w = _red61(H[:, n - 1:] + _M61 - _mulmod61(Hpad[:, : nT - n + 1], pn))
        ids.append((w % VOCAB).astype(jnp.int32))
    ids_all = jnp.concatenate(ids, axis=1)  # [B, 4*T - 10]
    em = jnp.take(emb_weight, ids_all, axis=0)  # [B, L, DIM]
    out = em.mean(axis=1)  # [B, DIM]
    norm = jnp.maximum(jnp.linalg.norm(out, axis=-1, keepdims=True), 1e-12)
    return out / norm

if __name__ == "__main__":
    import jax
    _d = setup_inputs()
    print(jax.jit(kernel)(*tuple(_d.values())))

</pallas_src>

<mosaic_0001>
#map = affine_map<(d0, d1) -> (0, 0)>
module attributes {stable_mosaic.version = 14 : i64} {
  func.func @_conv_body(%arg0: i32, %arg1: i32, %arg2: memref<64x100000xf32, #tpu.memory_space<hbm>>, %arg3: memref<100000x64xbf16, #tpu.memory_space<hbm>>, %arg4: memref<64x200xf32, #tpu.memory_space<vmem>>, %arg5: memref<200x64xbf16, #tpu.memory_space<vmem>>) attributes {dimension_semantics = [#tpu.dimension_semantics<core_parallel>, #tpu.dimension_semantics<subcore_parallel>], iteration_bounds = array<i64: 2, 16>, scalar_prefetch = 0 : i64, scratch_operands = 2 : i64, tpu.core_type = #tpu.core_type<sc_vector_subcore>, window_params = [{transform_indices = #map}, {transform_indices = #map}]} {
    %mul3A = arith.constant 2 : i32
    %mul3A_0 = arith.muli %arg1, %mul3A : i32
    %add3A = arith.addi %mul3A_0, %arg0 : i32
    %iota3A = tpu.iota {dimensions = array<i32: 0>} : vector<16xi32>
    %lt3A = arith.constant 20 : i32
    %lt3A_1 = arith.cmpi slt, %add3A, %lt3A : i32
    %convert_element_type3A = arith.extui %lt3A_1 : i1 to i32
    %add3A_2 = arith.constant 15 : i32
    %add3A_3 = arith.addi %add3A_2, %convert_element_type3A : i32
    %while3A = arith.constant 0 : i32
    %while3A_4 = arith.subi %add3A_3, %while3A : i32
    %while3A_5 = arith.addi %while3A, %while3A_4 : i32
    %while3A_6 = arith.constant 1 : i32
    %while3A_7 = arith.divsi %while3A_4, %while3A_6 : i32
    %while3A_8 = arith.muli %while3A_7, %while3A_6 : i32
    %while3A_9 = arith.addi %while3A, %while3A_8 : i32
    %while3A_10 = arith.constant 1 : i32
    scf.for %while3A_12 = %while3A to %while3A_9 step %while3A_10  : i32 {
      %mul3A_13 = arith.constant 32 : i32
      %mul3A_14 = arith.muli %while3A_12, %mul3A_13 : i32
      %add3A_15 = arith.addi %add3A, %mul3A_14 : i32
      %mul3A_16 = arith.constant 200 : i32
      %mul3A_17 = arith.muli %add3A_15, %mul3A_16 : i32
      "tpu.region"() ({
        %run_scoped3A = tpu.sem_alloc : memref<!tpu.dma_semaphore, #tpu.memory_space<semaphore_mem>>
        %dma_start3A = arith.constant 0 : i32
        %dma_start3A_20 = tpu.memref_slice %arg2[%dma_start3A, %mul3A_17] : memref<64x100000xf32, #tpu.memory_space<hbm>> -> memref<64x200xf32, #tpu.memory_space<hbm>>
        %dma_start3A_21 = arith.constant 0 : i32
        %dma_start3A_22 = tpu.memref_slice %arg2[%dma_start3A_21, %mul3A_17] : memref<64x100000xf32, #tpu.memory_space<hbm>> -> memref<64x200xf32, #tpu.memory_space<hbm>>
        tpu.enqueue_dma source(%dma_start3A_22 : memref<64x200xf32, #tpu.memory_space<hbm>>) target(%arg4 : memref<64x200xf32, #tpu.memory_space<vmem>>) target_semaphore(%run_scoped3A : memref<!tpu.dma_semaphore, #tpu.memory_space<semaphore_mem>>)
        %dma_wait3A = arith.constant 0 : i32
        %dma_wait3A_23 = tpu.memref_slice %arg2[%dma_wait3A, %mul3A_17] : memref<64x100000xf32, #tpu.memory_space<hbm>> -> memref<64x200xf32, #tpu.memory_space<hbm>>
        %dma_wait3A_24 = arith.constant 0 : i32
        %dma_wait3A_25 = tpu.memref_slice %arg2[%dma_wait3A_24, %mul3A_17] : memref<64x100000xf32, #tpu.memory_space<hbm>> -> memref<64x200xf32, #tpu.memory_space<hbm>>
        tpu.wait_dma2 semaphore(%run_scoped3A : memref<!tpu.dma_semaphore, #tpu.memory_space<semaphore_mem>>) src(%dma_wait3A_25 : memref<64x200xf32, #tpu.memory_space<hbm>>) dst(%arg4 : memref<64x200xf32, #tpu.memory_space<vmem>>)
        tpu.yield
      }) : () -> ()
      %parallel_loop3A = arith.constant 0 : i32
      %parallel_loop3A_18 = arith.constant 200 : i32
      %parallel_loop3A_19 = arith.constant 1 : i32
      scf.for %parallel_loop3A_20 = %parallel_loop3A to %parallel_loop3A_18 step %parallel_loop3A_19  : i32 {
        %parallel_loop3A_21 = arith.constant 0 : i32
        %parallel_loop3A_22 = vector.broadcast %parallel_loop3A_21 : i32 to vector<16xi32>
        %parallel_loop3A_23 = vector.broadcast %parallel_loop3A_20 : i32 to vector<16xi32>
        %parallel_loop3A_24 = arith.addi %parallel_loop3A_22, %parallel_loop3A_23 : vector<16xi32>
        %parallel_loop3A_25 = tpu.vector_load_idx %arg4[%iota3A, %parallel_loop3A_24] : memref<64x200xf32, #tpu.memory_space<vmem>>[vector<16xi32>, vector<16xi32>], vector<16xf32>,
        %parallel_loop3A_26 = arith.constant 16 : i32
        %parallel_loop3A_27 = vector.broadcast %parallel_loop3A_26 : i32 to vector<16xi32>
        %parallel_loop3A_28 = arith.addi %iota3A, %parallel_loop3A_27 : vector<16xi32>
        %parallel_loop3A_29 = tpu.vector_load_idx %arg4[%parallel_loop3A_28, %parallel_loop3A_24] : memref<64x200xf32, #tpu.memory_space<vmem>>[vector<16xi32>, vector<16xi32>], vector<16xf32>,
        %parallel_loop3A_30 = arith.constant 32 : i32
        %parallel_loop3A_31 = vector.broadcast %parallel_loop3A_30 : i32 to vector<16xi32>
        %parallel_loop3A_32 = arith.addi %iota3A, %parallel_loop3A_31 : vector<16xi32>
        %parallel_loop3A_33 = tpu.vector_load_idx %arg4[%parallel_loop3A_32, %parallel_loop3A_24] : memref<64x200xf32, #tpu.memory_space<vmem>>[vector<16xi32>, vector<16xi32>], vector<16xf32>,
        %parallel_loop3A_34 = arith.constant 48 : i32
        %parallel_loop3A_35 = vector.broadcast %parallel_loop3A_34 : i32 to vector<16xi32>
        %parallel_loop3A_36 = arith.addi %iota3A, %parallel_loop3A_35 : vector<16xi32>
        %parallel_loop3A_37 = tpu.vector_load_idx %arg4[%parallel_loop3A_36, %parallel_loop3A_24] : memref<64x200xf32, #tpu.memory_space<vmem>>[vector<16xi32>, vector<16xi32>], vector<16xf32>,
        %parallel_loop3A_38 = tpu.pack_subelements %parallel_loop3A_25, %parallel_loop3A_29 {pack_format = #tpu.pack_format<interleaved>, positions = array<i32: 0, 1>} : vector<16xf32>, vector<16xf32> -> vector<32xbf16>
        %parallel_loop3A_39 = arith.index_cast %parallel_loop3A_20 : i32 to index
        %parallel_loop3A_40 = arith.constant 0 : index
        %parallel_loop3A_41 = tpu.vector_load %arg5[%parallel_loop3A_39, %parallel_loop3A_40] {strides = array<i32>} : memref<200x64xbf16, #tpu.memory_space<vmem>>, vector<32xbf16>,
        tpu.vector_store %arg5[%parallel_loop3A_39, %parallel_loop3A_40], %parallel_loop3A_38 {strides = array<i32>} : memref<200x64xbf16, #tpu.memory_space<vmem>>, vector<32xbf16>,
        %parallel_loop3A_42 = tpu.pack_subelements %parallel_loop3A_33, %parallel_loop3A_37 {pack_format = #tpu.pack_format<interleaved>, positions = array<i32: 0, 1>} : vector<16xf32>, vector<16xf32> -> vector<32xbf16>
        %parallel_loop3A_43 = arith.index_cast %parallel_loop3A_20 : i32 to index
        %parallel_loop3A_44 = arith.constant 32 : index
        %parallel_loop3A_45 = tpu.vector_load %arg5[%parallel_loop3A_43, %parallel_loop3A_44] {strides = array<i32>} : memref<200x64xbf16, #tpu.memory_space<vmem>>, vector<32xbf16>,
        tpu.vector_store %arg5[%parallel_loop3A_43, %parallel_loop3A_44], %parallel_loop3A_42 {strides = array<i32>} : memref<200x64xbf16, #tpu.memory_space<vmem>>, vector<32xbf16>,
      } {sc.loop_unroll_factor = 4 : i64, sc.parallel_access}
      "tpu.region"() ({
        %run_scoped3A = tpu.sem_alloc : memref<!tpu.dma_semaphore, #tpu.memory_space<semaphore_mem>>
        %dma_start3A = arith.constant 0 : i32
        %dma_start3A_20 = tpu.memref_slice %arg3[%mul3A_17, %dma_start3A] : memref<100000x64xbf16, #tpu.memory_space<hbm>> -> memref<200x64xbf16, #tpu.memory_space<hbm>>
        %dma_start3A_21 = arith.constant 0 : i32
        %dma_start3A_22 = tpu.memref_slice %arg3[%mul3A_17, %dma_start3A_21] : memref<100000x64xbf16, #tpu.memory_space<hbm>> -> memref<200x64xbf16, #tpu.memory_space<hbm>>
        tpu.enqueue_dma source(%arg5 : memref<200x64xbf16, #tpu.memory_space<vmem>>) target(%dma_start3A_22 : memref<200x64xbf16, #tpu.memory_space<hbm>>) target_semaphore(%run_scoped3A : memref<!tpu.dma_semaphore, #tpu.memory_space<semaphore_mem>>)
        %dma_wait3A = arith.constant 0 : i32
        %dma_wait3A_23 = tpu.memref_slice %arg3[%mul3A_17, %dma_wait3A] : memref<100000x64xbf16, #tpu.memory_space<hbm>> -> memref<200x64xbf16, #tpu.memory_space<hbm>>
        %dma_wait3A_24 = arith.constant 0 : i32
        %dma_wait3A_25 = tpu.memref_slice %arg3[%mul3A_17, %dma_wait3A_24] : memref<100000x64xbf16, #tpu.memory_space<hbm>> -> memref<200x64xbf16, #tpu.memory_space<hbm>>
        tpu.wait_dma2 semaphore(%run_scoped3A : memref<!tpu.dma_semaphore, #tpu.memory_space<semaphore_mem>>) src(%arg5 : memref<200x64xbf16, #tpu.memory_space<vmem>>) dst(%dma_wait3A_25 : memref<200x64xbf16, #tpu.memory_space<hbm>>)
        tpu.yield
      }) : () -> ()
    }
    %while3A_11 = arith.constant 1 : i32
    scf.for %while3A_12 = %while3A_9 to %while3A_5 step %while3A_11  : i32 {
      %mul3A_13 = arith.constant 32 : i32
      %mul3A_14 = arith.muli %while3A_12, %mul3A_13 : i32
      %add3A_15 = arith.addi %add3A, %mul3A_14 : i32
      %mul3A_16 = arith.constant 200 : i32
      %mul3A_17 = arith.muli %add3A_15, %mul3A_16 : i32
      "tpu.region"() ({
        %run_scoped3A = tpu.sem_alloc : memref<!tpu.dma_semaphore, #tpu.memory_space<semaphore_mem>>
        %dma_start3A = arith.constant 0 : i32
        %dma_start3A_20 = tpu.memref_slice %arg2[%dma_start3A, %mul3A_17] : memref<64x100000xf32, #tpu.memory_space<hbm>> -> memref<64x200xf32, #tpu.memory_space<hbm>>
        %dma_start3A_21 = arith.constant 0 : i32
        %dma_start3A_22 = tpu.memref_slice %arg2[%dma_start3A_21, %mul3A_17] : memref<64x100000xf32, #tpu.memory_space<hbm>> -> memref<64x200xf32, #tpu.memory_space<hbm>>
        tpu.enqueue_dma source(%dma_start3A_22 : memref<64x200xf32, #tpu.memory_space<hbm>>) target(%arg4 : memref<64x200xf32, #tpu.memory_space<vmem>>) target_semaphore(%run_scoped3A : memref<!tpu.dma_semaphore, #tpu.memory_space<semaphore_mem>>)
        %dma_wait3A = arith.constant 0 : i32
        %dma_wait3A_23 = tpu.memref_slice %arg2[%dma_wait3A, %mul3A_17] : memref<64x100000xf32, #tpu.memory_space<hbm>> -> memref<64x200xf32, #tpu.memory_space<hbm>>
        %dma_wait3A_24 = arith.constant 0 : i32
        %dma_wait3A_25 = tpu.memref_slice %arg2[%dma_wait3A_24, %mul3A_17] : memref<64x100000xf32, #tpu.memory_space<hbm>> -> memref<64x200xf32, #tpu.memory_space<hbm>>
        tpu.wait_dma2 semaphore(%run_scoped3A : memref<!tpu.dma_semaphore, #tpu.memory_space<semaphore_mem>>) src(%dma_wait3A_25 : memref<64x200xf32, #tpu.memory_space<hbm>>) dst(%arg4 : memref<64x200xf32, #tpu.memory_space<vmem>>)
        tpu.yield
      }) : () -> ()
      %parallel_loop3A = arith.constant 0 : i32
      %parallel_loop3A_18 = arith.constant 200 : i32
      %parallel_loop3A_19 = arith.constant 1 : i32
      scf.for %parallel_loop3A_20 = %parallel_loop3A to %parallel_loop3A_18 step %parallel_loop3A_19  : i32 {
        %parallel_loop3A_21 = arith.constant 0 : i32
        %parallel_loop3A_22 = vector.broadcast %parallel_loop3A_21 : i32 to vector<16xi32>
        %parallel_loop3A_23 = vector.broadcast %parallel_loop3A_20 : i32 to vector<16xi32>
        %parallel_loop3A_24 = arith.addi %parallel_loop3A_22, %parallel_loop3A_23 : vector<16xi32>
        %parallel_loop3A_25 = tpu.vector_load_idx %arg4[%iota3A, %parallel_loop3A_24] : memref<64x200xf32, #tpu.memory_space<vmem>>[vector<16xi32>, vector<16xi32>], vector<16xf32>,
        %parallel_loop3A_26 = arith.constant 16 : i32
        %parallel_loop3A_27 = vector.broadcast %parallel_loop3A_26 : i32 to vector<16xi32>
        %parallel_loop3A_28 = arith.addi %iota3A, %parallel_loop3A_27 : vector<16xi32>
        %parallel_loop3A_29 = tpu.vector_load_idx %arg4[%parallel_loop3A_28, %parallel_loop3A_24] : memref<64x200xf32, #tpu.memory_space<vmem>>[vector<16xi32>, vector<16xi32>], vector<16xf32>,
        %parallel_loop3A_30 = arith.constant 32 : i32
        %parallel_loop3A_31 = vector.broadcast %parallel_loop3A_30 : i32 to vector<16xi32>
        %parallel_loop3A_32 = arith.addi %iota3A, %parallel_loop3A_31 : vector<16xi32>
        %parallel_loop3A_33 = tpu.vector_load_idx %arg4[%parallel_loop3A_32, %parallel_loop3A_24] : memref<64x200xf32, #tpu.memory_space<vmem>>[vector<16xi32>, vector<16xi32>], vector<16xf32>,
        %parallel_loop3A_34 = arith.constant 48 : i32
        %parallel_loop3A_35 = vector.broadcast %parallel_loop3A_34 : i32 to vector<16xi32>
        %parallel_loop3A_36 = arith.addi %iota3A, %parallel_loop3A_35 : vector<16xi32>
        %parallel_loop3A_37 = tpu.vector_load_idx %arg4[%parallel_loop3A_36, %parallel_loop3A_24] : memref<64x200xf32, #tpu.memory_space<vmem>>[vector<16xi32>, vector<16xi32>], vector<16xf32>,
        %parallel_loop3A_38 = tpu.pack_subelements %parallel_loop3A_25, %parallel_loop3A_29 {pack_format = #tpu.pack_format<interleaved>, positions = array<i32: 0, 1>} : vector<16xf32>, vector<16xf32> -> vector<32xbf16>
        %parallel_loop3A_39 = arith.index_cast %parallel_loop3A_20 : i32 to index
        %parallel_loop3A_40 = arith.constant 0 : index
        %parallel_loop3A_41 = tpu.vector_load %arg5[%parallel_loop3A_39, %parallel_loop3A_40] {strides = array<i32>} : memref<200x64xbf16, #tpu.memory_space<vmem>>, vector<32xbf16>,
        tpu.vector_store %arg5[%parallel_loop3A_39, %parallel_loop3A_40], %parallel_loop3A_38 {strides = array<i32>} : memref<200x64xbf16, #tpu.memory_space<vmem>>, vector<32xbf16>,
        %parallel_loop3A_42 = tpu.pack_subelements %parallel_loop3A_33, %parallel_loop3A_37 {pack_format = #tpu.pack_format<interleaved>, positions = array<i32: 0, 1>} : vector<16xf32>, vector<16xf32> -> vector<32xbf16>
        %parallel_loop3A_43 = arith.index_cast %parallel_loop3A_20 : i32 to index
        %parallel_loop3A_44 = arith.constant 32 : index
        %parallel_loop3A_45 = tpu.vector_load %arg5[%parallel_loop3A_43, %parallel_loop3A_44] {strides = array<i32>} : memref<200x64xbf16, #tpu.memory_space<vmem>>, vector<32xbf16>,
        tpu.vector_store %arg5[%parallel_loop3A_43, %parallel_loop3A_44], %parallel_loop3A_42 {strides = array<i32>} : memref<200x64xbf16, #tpu.memory_space<vmem>>, vector<32xbf16>,
      } {sc.loop_unroll_factor = 4 : i64, sc.parallel_access}
      "tpu.region"() ({
        %run_scoped3A = tpu.sem_alloc : memref<!tpu.dma_semaphore, #tpu.memory_space<semaphore_mem>>
        %dma_start3A = arith.constant 0 : i32
        %dma_start3A_20 = tpu.memref_slice %arg3[%mul3A_17, %dma_start3A] : memref<100000x64xbf16, #tpu.memory_space<hbm>> -> memref<200x64xbf16, #tpu.memory_space<hbm>>
        %dma_start3A_21 = arith.constant 0 : i32
        %dma_start3A_22 = tpu.memref_slice %arg3[%mul3A_17, %dma_start3A_21] : memref<100000x64xbf16, #tpu.memory_space<hbm>> -> memref<200x64xbf16, #tpu.memory_space<hbm>>
        tpu.enqueue_dma source(%arg5 : memref<200x64xbf16, #tpu.memory_space<vmem>>) target(%dma_start3A_22 : memref<200x64xbf16, #tpu.memory_space<hbm>>) target_semaphore(%run_scoped3A : memref<!tpu.dma_semaphore, #tpu.memory_space<semaphore_mem>>)
        %dma_wait3A = arith.constant 0 : i32
        %dma_wait3A_23 = tpu.memref_slice %arg3[%mul3A_17, %dma_wait3A] : memref<100000x64xbf16, #tpu.memory_space<hbm>> -> memref<200x64xbf16, #tpu.memory_space<hbm>>
        %dma_wait3A_24 = arith.constant 0 : i32
        %dma_wait3A_25 = tpu.memref_slice %arg3[%mul3A_17, %dma_wait3A_24] : memref<100000x64xbf16, #tpu.memory_space<hbm>> -> memref<200x64xbf16, #tpu.memory_space<hbm>>
        tpu.wait_dma2 semaphore(%run_scoped3A : memref<!tpu.dma_semaphore, #tpu.memory_space<semaphore_mem>>) src(%arg5 : memref<200x64xbf16, #tpu.memory_space<vmem>>) dst(%dma_wait3A_25 : memref<200x64xbf16, #tpu.memory_space<hbm>>)
        tpu.yield
      }) : () -> ()
    }
    return
  }
}

#map = affine_map<(d0, d1) -> (0, 0, 0)>
#map1 = affine_map<(d0, d1) -> (0, 0)>
module attributes {stable_mosaic.version = 14 : i64} {
  func.func @_sc_entry(%arg0: i32, %arg1: i32, %arg2: memref<1024x10x80xi32, #tpu.memory_space<hbm>>, %arg3: memref<100000x64xbf16, #tpu.memory_space<hbm>>, %arg4: memref<1024x64xf32, #tpu.memory_space<hbm>>, %arg5: memref<32x10x80xi32, #tpu.memory_space<vmem>>, %arg6: memref<80x64xbf16, #tpu.memory_space<vmem>>, %arg7: memref<80x64xbf16, #tpu.memory_space<vmem>>, %arg8: memref<32x64xf32, #tpu.memory_space<vmem>>, %arg9: memref<!tpu.dma_semaphore, #tpu.memory_space<semaphore_mem>>, %arg10: memref<!tpu.dma_semaphore, #tpu.memory_space<semaphore_mem>>) attributes {dimension_semantics = [#tpu.dimension_semantics<core_parallel>, #tpu.dimension_semantics<subcore_parallel>], iteration_bounds = array<i64: 2, 16>, scalar_prefetch = 0 : i64, scratch_operands = 6 : i64, tpu.core_type = #tpu.core_type<sc_vector_subcore>, window_params = [{transform_indices = #map}, {transform_indices = #map1}, {transform_indices = #map1}]} {
    %mul3A = arith.constant 2 : i32
    %mul3A_0 = arith.muli %arg1, %mul3A : i32
    %add3A = arith.addi %mul3A_0, %arg0 : i32
    %mul3A_1 = arith.constant 32 : i32
    %mul3A_2 = arith.muli %add3A, %mul3A_1 : i32
    "tpu.region"() ({
      %run_scoped3A = tpu.sem_alloc : memref<!tpu.dma_semaphore, #tpu.memory_space<semaphore_mem>>
      %dma_start3A_27 = arith.constant 0 : i32
      %dma_start3A_28 = arith.constant 0 : i32
      %dma_start3A_29 = tpu.memref_slice %arg2[%mul3A_2, %dma_start3A_27, %dma_start3A_28] : memref<1024x10x80xi32, #tpu.memory_space<hbm>> -> memref<32x10x80xi32, #tpu.memory_space<hbm>>
      %dma_start3A_30 = arith.constant 0 : i32
      %dma_start3A_31 = arith.constant 0 : i32
      %dma_start3A_32 = tpu.memref_slice %arg2[%mul3A_2, %dma_start3A_30, %dma_start3A_31] : memref<1024x10x80xi32, #tpu.memory_space<hbm>> -> memref<32x10x80xi32, #tpu.memory_space<hbm>>
      tpu.enqueue_dma source(%dma_start3A_32 : memref<32x10x80xi32, #tpu.memory_space<hbm>>) target(%arg5 : memref<32x10x80xi32, #tpu.memory_space<vmem>>) target_semaphore(%run_scoped3A : memref<!tpu.dma_semaphore, #tpu.memory_space<semaphore_mem>>)
      %dma_wait3A = arith.constant 0 : i32
      %dma_wait3A_33 = arith.constant 0 : i32
      %dma_wait3A_34 = tpu.memref_slice %arg2[%mul3A_2, %dma_wait3A, %dma_wait3A_33] : memref<1024x10x80xi32, #tpu.memory_space<hbm>> -> memref<32x10x80xi32, #tpu.memory_space<hbm>>
      %dma_wait3A_35 = arith.constant 0 : i32
      %dma_wait3A_36 = arith.constant 0 : i32
      %dma_wait3A_37 = tpu.memref_slice %arg2[%mul3A_2, %dma_wait3A_35, %dma_wait3A_36] : memref<1024x10x80xi32, #tpu.memory_space<hbm>> -> memref<32x10x80xi32, #tpu.memory_space<hbm>>
      tpu.wait_dma2 semaphore(%run_scoped3A : memref<!tpu.dma_semaphore, #tpu.memory_space<semaphore_mem>>) src(%dma_wait3A_37 : memref<32x10x80xi32, #tpu.memory_space<hbm>>) dst(%arg5 : memref<32x10x80xi32, #tpu.memory_space<vmem>>)
      tpu.yield
    }) : () -> ()
    %dma_start3A = arith.constant 0 : i32
    %dma_start3A_3 = arith.constant 0 : i32
    %dma_start3A_4 = arith.constant 0 : i32
    %dma_start3A_5 = tpu.memref_slice %arg5[%dma_start3A, %dma_start3A_3, %dma_start3A_4] : memref<32x10x80xi32, #tpu.memory_space<vmem>> -> memref<1x1x80xi32, #tpu.memory_space<vmem>>
    %dma_start3A_6 = tpu.memref_squeeze %dma_start3A_5 : memref<1x1x80xi32, #tpu.memory_space<vmem>> -> memref<80xi32, #tpu.memory_space<vmem>>
    %dma_start3A_7 = arith.constant 0 : i32
    %dma_start3A_8 = arith.constant 0 : i32
    %dma_start3A_9 = tpu.memref_slice %arg3[%dma_start3A_7, %dma_start3A_8] : memref<100000x64xbf16, #tpu.memory_space<hbm>> -> memref<100000x64xbf16, #tpu.memory_space<hbm>>
    tpu.enqueue_indirect_dma source(%dma_start3A_9 : memref<100000x64xbf16, #tpu.memory_space<hbm>>) target(%arg6 : memref<80x64xbf16, #tpu.memory_space<vmem>>) offsets(%dma_start3A_6 : memref<80xi32, #tpu.memory_space<vmem>>) semaphore(%arg9 : memref<!tpu.dma_semaphore, #tpu.memory_space<semaphore_mem>>)
    %dma_start3A_10 = arith.constant 0 : i32
    %dma_start3A_11 = arith.constant 1 : i32
    %dma_start3A_12 = arith.constant 0 : i32
    %dma_start3A_13 = tpu.memref_slice %arg5[%dma_start3A_10, %dma_start3A_11, %dma_start3A_12] : memref<32x10x80xi32, #tpu.memory_space<vmem>> -> memref<1x1x80xi32, #tpu.memory_space<vmem>>
    %dma_start3A_14 = tpu.memref_squeeze %dma_start3A_13 : memref<1x1x80xi32, #tpu.memory_space<vmem>> -> memref<80xi32, #tpu.memory_space<vmem>>
    %dma_start3A_15 = arith.constant 0 : i32
    %dma_start3A_16 = arith.constant 0 : i32
    %dma_start3A_17 = tpu.memref_slice %arg3[%dma_start3A_15, %dma_start3A_16] : memref<100000x64xbf16, #tpu.memory_space<hbm>> -> memref<100000x64xbf16, #tpu.memory_space<hbm>>
    tpu.enqueue_indirect_dma source(%dma_start3A_17 : memref<100000x64xbf16, #tpu.memory_space<hbm>>) target(%arg7 : memref<80x64xbf16, #tpu.memory_space<vmem>>) offsets(%dma_start3A_14 : memref<80xi32, #tpu.memory_space<vmem>>) semaphore(%arg10 : memref<!tpu.dma_semaphore, #tpu.memory_space<semaphore_mem>>)
    %while3A = arith.constant 0 : i32
    %while3A_18 = arith.constant 32 : i32
    %while3A_19 = arith.subi %while3A_18, %while3A : i32
    %while3A_20 = arith.addi %while3A, %while3A_19 : i32
    %while3A_21 = arith.constant 1 : i32
    %while3A_22 = arith.divsi %while3A_19, %while3A_21 : i32
    %while3A_23 = arith.muli %while3A_22, %while3A_21 : i32
    %while3A_24 = arith.addi %while3A, %while3A_23 : i32
    %while3A_25 = arith.constant 1 : i32
    scf.for %while3A_27 = %while3A to %while3A_24 step %while3A_25  : i32 {
      %broadcast_in_dim3A = arith.constant 0.000000e+00 : f32
      %broadcast_in_dim3A_28 = vector.broadcast %broadcast_in_dim3A : f32 to vector<16xf32>
      %broadcast_in_dim3A_29 = arith.constant -65536 : i32
      %broadcast_in_dim3A_30 = vector.broadcast %broadcast_in_dim3A_29 : i32 to vector<16xi32>
      %dma_wait3A = arith.constant 0 : i32
      %dma_wait3A_31 = arith.constant 0 : i32
      %dma_wait3A_32 = tpu.memref_slice %arg3[%dma_wait3A, %dma_wait3A_31] : memref<100000x64xbf16, #tpu.memory_space<hbm>> -> memref<80x64xbf16, #tpu.memory_space<hbm>>
      %dma_wait3A_33 = arith.constant 0 : i32
      %dma_wait3A_34 = arith.constant 0 : i32
      %dma_wait3A_35 = tpu.memref_slice %arg3[%dma_wait3A_33, %dma_wait3A_34] : memref<100000x64xbf16, #tpu.memory_space<hbm>> -> memref<80x64xbf16, #tpu.memory_space<hbm>>
      tpu.wait_dma2 semaphore(%arg9 : memref<!tpu.dma_semaphore, #tpu.memory_space<semaphore_mem>>) src(%dma_wait3A_35 : memref<80x64xbf16, #tpu.memory_space<hbm>>) dst(%arg6 : memref<80x64xbf16, #tpu.memory_space<vmem>>)
      %parallel_loop3A = arith.constant 0 : i32
      %parallel_loop3A_36 = arith.constant 80 : i32
      %parallel_loop3A_37 = arith.constant 1 : i32
      %parallel_loop3A_38:4 = scf.for %parallel_loop3A_255 = %parallel_loop3A to %parallel_loop3A_36 step %parallel_loop3A_37 iter_args(%parallel_loop3A_256 = %broadcast_in_dim3A_28, %parallel_loop3A_257 = %broadcast_in_dim3A_28, %parallel_loop3A_258 = %broadcast_in_dim3A_28, %parallel_loop3A_259 = %broadcast_in_dim3A_28) -> (vector<16xf32>, vector<16xf32>, vector<16xf32>, vector<16xf32>)  : i32 {
        %parallel_loop3A_260 = arith.index_cast %parallel_loop3A_255 : i32 to index
        %parallel_loop3A_261 = arith.constant 0 : index
        %parallel_loop3A_262 = tpu.vector_load %arg6[%parallel_loop3A_260, %parallel_loop3A_261] {strides = array<i32>} : memref<80x64xbf16, #tpu.memory_space<vmem>>, vector<32xbf16>,
        %parallel_loop3A_263 = vector.bitcast %parallel_loop3A_262 : vector<32xbf16> to vector<16xi32>
        %parallel_loop3A_264 = arith.index_cast %parallel_loop3A_255 : i32 to index
        %parallel_loop3A_265 = arith.constant 32 : index
        %parallel_loop3A_266 = tpu.vector_load %arg6[%parallel_loop3A_264, %parallel_loop3A_265] {strides = array<i32>} : memref<80x64xbf16, #tpu.memory_space<vmem>>, vector<32xbf16>,
        %parallel_loop3A_267 = vector.bitcast %parallel_loop3A_266 : vector<32xbf16> to vector<16xi32>
        %parallel_loop3A_268 = arith.constant 16 : i32
        %parallel_loop3A_269 = vector.broadcast %parallel_loop3A_268 : i32 to vector<16xi32>
        %parallel_loop3A_270 = arith.shli %parallel_loop3A_263, %parallel_loop3A_269 : vector<16xi32>
        %parallel_loop3A_271 = vector.bitcast %parallel_loop3A_270 : vector<16xi32> to vector<16xf32>
        %parallel_loop3A_272 = arith.addf %parallel_loop3A_256, %parallel_loop3A_271 : vector<16xf32>
        %parallel_loop3A_273 = arith.andi %parallel_loop3A_263, %broadcast_in_dim3A_30 : vector<16xi32>
        %parallel_loop3A_274 = vector.bitcast %parallel_loop3A_273 : vector<16xi32> to vector<16xf32>
        %parallel_loop3A_275 = arith.addf %parallel_loop3A_257, %parallel_loop3A_274 : vector<16xf32>
        %parallel_loop3A_276 = arith.constant 16 : i32
        %parallel_loop3A_277 = vector.broadcast %parallel_loop3A_276 : i32 to vector<16xi32>
        %parallel_loop3A_278 = arith.shli %parallel_loop3A_267, %parallel_loop3A_277 : vector<16xi32>
        %parallel_loop3A_279 = vector.bitcast %parallel_loop3A_278 : vector<16xi32> to vector<16xf32>
        %parallel_loop3A_280 = arith.addf %parallel_loop3A_258, %parallel_loop3A_279 : vector<16xf32>
        %parallel_loop3A_281 = arith.andi %parallel_loop3A_267, %broadcast_in_dim3A_30 : vector<16xi32>
        %parallel_loop3A_282 = vector.bitcast %parallel_loop3A_281 : vector<16xi32> to vector<16xf32>
        %parallel_loop3A_283 = arith.addf %parallel_loop3A_259, %parallel_loop3A_282 : vector<16xf32>
        scf.yield %parallel_loop3A_272, %parallel_loop3A_275, %parallel_loop3A_280, %parallel_loop3A_283 : vector<16xf32>, vector<16xf32>, vector<16xf32>, vector<16xf32>
      } {sc.loop_unroll_factor = 5 : i64, sc.parallel_access}
      %dma_start3A_39 = arith.constant 2 : i32
      %dma_start3A_40 = arith.constant 0 : i32
      %dma_start3A_41 = tpu.memref_slice %arg5[%while3A_27, %dma_start3A_39, %dma_start3A_40] : memref<32x10x80xi32, #tpu.memory_space<vmem>> -> memref<1x1x80xi32, #tpu.memory_space<vmem>>
      %dma_start3A_42 = tpu.memref_squeeze %dma_start3A_41 : memref<1x1x80xi32, #tpu.memory_space<vmem>> -> memref<80xi32, #tpu.memory_space<vmem>>
      %dma_start3A_43 = arith.constant 0 : i32
      %dma_start3A_44 = arith.constant 0 : i32
      %dma_start3A_45 = tpu.memref_slice %arg3[%dma_start3A_43, %dma_start3A_44] : memref<100000x64xbf16, #tpu.memory_space<hbm>> -> memref<100000x64xbf16, #tpu.memory_space<hbm>>
      tpu.enqueue_indirect_dma source(%dma_start3A_45 : memref<100000x64xbf16, #tpu.memory_space<hbm>>) target(%arg6 : memref<80x64xbf16, #tpu.memory_space<vmem>>) offsets(%dma_start3A_42 : memref<80xi32, #tpu.memory_space<vmem>>) semaphore(%arg9 : memref<!tpu.dma_semaphore, #tpu.memory_space<semaphore_mem>>)
      %dma_wait3A_46 = arith.constant 0 : i32
      %dma_wait3A_47 = arith.constant 0 : i32
      %dma_wait3A_48 = tpu.memref_slice %arg3[%dma_wait3A_46, %dma_wait3A_47] : memref<100000x64xbf16, #tpu.memory_space<hbm>> -> memref<80x64xbf16, #tpu.memory_space<hbm>>
      %dma_wait3A_49 = arith.constant 0 : i32
      %dma_wait3A_50 = arith.constant 0 : i32
      %dma_wait3A_51 = tpu.memref_slice %arg3[%dma_wait3A_49, %dma_wait3A_50] : memref<100000x64xbf16, #tpu.memory_space<hbm>> -> memref<80x64xbf16, #tpu.memory_space<hbm>>
      tpu.wait_dma2 semaphore(%arg10 : memref<!tpu.dma_semaphore, #tpu.memory_space<semaphore_mem>>) src(%dma_wait3A_51 : memref<80x64xbf16, #tpu.memory_space<hbm>>) dst(%arg7 : memref<80x64xbf16, #tpu.memory_space<vmem>>)
      %parallel_loop3A_52 = arith.constant 0 : i32
      %parallel_loop3A_53 = arith.constant 80 : i32
      %parallel_loop3A_54 = arith.constant 1 : i32
      %parallel_loop3A_55:4 = scf.for %parallel_loop3A_255 = %parallel_loop3A_52 to %parallel_loop3A_53 step %parallel_loop3A_54 iter_args(%parallel_loop3A_256 = %parallel_loop3A_38#0, %parallel_loop3A_257 = %parallel_loop3A_38#1, %parallel_loop3A_258 = %parallel_loop3A_38#2, %parallel_loop3A_259 = %parallel_loop3A_38#3) -> (vector<16xf32>, vector<16xf32>, vector<16xf32>, vector<16xf32>)  : i32 {
        %parallel_loop3A_260 = arith.index_cast %parallel_loop3A_255 : i32 to index
        %parallel_loop3A_261 = arith.constant 0 : index
        %parallel_loop3A_262 = tpu.vector_load %arg7[%parallel_loop3A_260, %parallel_loop3A_261] {strides = array<i32>} : memref<80x64xbf16, #tpu.memory_space<vmem>>, vector<32xbf16>,
        %parallel_loop3A_263 = vector.bitcast %parallel_loop3A_262 : vector<32xbf16> to vector<16xi32>
        %parallel_loop3A_264 = arith.index_cast %parallel_loop3A_255 : i32 to index
        %parallel_loop3A_265 = arith.constant 32 : index
        %parallel_loop3A_266 = tpu.vector_load %arg7[%parallel_loop3A_264, %parallel_loop3A_265] {strides = array<i32>} : memref<80x64xbf16, #tpu.memory_space<vmem>>, vector<32xbf16>,
        %parallel_loop3A_267 = vector.bitcast %parallel_loop3A_266 : vector<32xbf16> to vector<16xi32>
        %parallel_loop3A_268 = arith.constant 16 : i32
        %parallel_loop3A_269 = vector.broadcast %parallel_loop3A_268 : i32 to vector<16xi32>
        %parallel_loop3A_270 = arith.shli %parallel_loop3A_263, %parallel_loop3A_269 : vector<16xi32>
        %parallel_loop3A_271 = vector.bitcast %parallel_loop3A_270 : vector<16xi32> to vector<16xf32>
        %parallel_loop3A_272 = arith.addf %parallel_loop3A_256, %parallel_loop3A_271 : vector<16xf32>
        %parallel_loop3A_273 = arith.andi %parallel_loop3A_263, %broadcast_in_dim3A_30 : vector<16xi32>
        %parallel_loop3A_274 = vector.bitcast %parallel_loop3A_273 : vector<16xi32> to vector<16xf32>
        %parallel_loop3A_275 = arith.addf %parallel_loop3A_257, %parallel_loop3A_274 : vector<16xf32>
        %parallel_loop3A_276 = arith.constant 16 : i32
        %parallel_loop3A_277 = vector.broadcast %parallel_loop3A_276 : i32 to vector<16xi32>
        %parallel_loop3A_278 = arith.shli %parallel_loop3A_267, %parallel_loop3A_277 : vector<16xi32>
        %parallel_loop3A_279 = vector.bitcast %parallel_loop3A_278 : vector<16xi32> to vector<16xf32>
        %parallel_loop3A_280 = arith.addf %parallel_loop3A_258, %parallel_loop3A_279 : vector<16xf32>
        %parallel_loop3A_281 = arith.andi %parallel_loop3A_267, %broadcast_in_dim3A_30 : vector<16xi32>
        %parallel_loop3A_282 = vector.bitcast %parallel_loop3A_281 : vector<16xi32> to vector<16xf32>
        %parallel_loop3A_283 = arith.addf %parallel_loop3A_259, %parallel_loop3A_282 : vector<16xf32>
        scf.yield %parallel_loop3A_272, %parallel_loop3A_275, %parallel_loop3A_280, %parallel_loop3A_283 : vector<16xf32>, vector<16xf32>, vector<16xf32>, vector<16xf32>
      } {sc.loop_unroll_factor = 5 : i64, sc.parallel_access}
      %dma_start3A_56 = arith.constant 3 : i32
      %dma_start3A_57 = arith.constant 0 : i32
      %dma_start3A_58 = tpu.memref_slice %arg5[%while3A_27, %dma_start3A_56, %dma_start3A_57] : memref<32x10x80xi32, #tpu.memory_space<vmem>> -> memref<1x1x80xi32, #tpu.memory_space<vmem>>
      %dma_start3A_59 = tpu.memref_squeeze %dma_start3A_58 : memref<1x1x80xi32, #tpu.memory_space<vmem>> -> memref<80xi32, #tpu.memory_space<vmem>>
      %dma_start3A_60 = arith.constant 0 : i32
      %dma_start3A_61 = arith.constant 0 : i32
      %dma_start3A_62 = tpu.memref_slice %arg3[%dma_start3A_60, %dma_start3A_61] : memref<100000x64xbf16, #tpu.memory_space<hbm>> -> memref<100000x64xbf16, #tpu.memory_space<hbm>>
      tpu.enqueue_indirect_dma source(%dma_start3A_62 : memref<100000x64xbf16, #tpu.memory_space<hbm>>) target(%arg7 : memref<80x64xbf16, #tpu.memory_space<vmem>>) offsets(%dma_start3A_59 : memref<80xi32, #tpu.memory_space<vmem>>) semaphore(%arg10 : memref<!tpu.dma_semaphore, #tpu.memory_space<semaphore_mem>>)
      %dma_wait3A_63 = arith.constant 0 : i32
      %dma_wait3A_64 = arith.constant 0 : i32
      %dma_wait3A_65 = tpu.memref_slice %arg3[%dma_wait3A_63, %dma_wait3A_64] : memref<100000x64xbf16, #tpu.memory_space<hbm>> -> memref<80x64xbf16, #tpu.memory_space<hbm>>
      %dma_wait3A_66 = arith.constant 0 : i32
      %dma_wait3A_67 = arith.constant 0 : i32
      %dma_wait3A_68 = tpu.memref_slice %arg3[%dma_wait3A_66, %dma_wait3A_67] : memref<100000x64xbf16, #tpu.memory_space<hbm>> -> memref<80x64xbf16, #tpu.memory_space<hbm>>
      tpu.wait_dma2 semaphore(%arg9 : memref<!tpu.dma_semaphore, #tpu.memory_space<semaphore_mem>>) src(%dma_wait3A_68 : memref<80x64xbf16, #tpu.memory_space<hbm>>) dst(%arg6 : memref<80x64xbf16, #tpu.memory_space<vmem>>)
      %parallel_loop3A_69 = arith.constant 0 : i32
      %parallel_loop3A_70 = arith.constant 80 : i32
      %parallel_loop3A_71 = arith.constant 1 : i32
      %parallel_loop3A_72:4 = scf.for %parallel_loop3A_255 = %parallel_loop3A_69 to %parallel_loop3A_70 step %parallel_loop3A_71 iter_args(%parallel_loop3A_256 = %parallel_loop3A_55#0, %parallel_loop3A_257 = %parallel_loop3A_55#1, %parallel_loop3A_258 = %parallel_loop3A_55#2, %parallel_loop3A_259 = %parallel_loop3A_55#3) -> (vector<16xf32>, vector<16xf32>, vector<16xf32>, vector<16xf32>)  : i32 {
        %parallel_loop3A_260 = arith.index_cast %parallel_loop3A_255 : i32 to index
        %parallel_loop3A_261 = arith.constant 0 : index
        %parallel_loop3A_262 = tpu.vector_load %arg6[%parallel_loop3A_260, %parallel_loop3A_261] {strides = array<i32>} : memref<80x64xbf16, #tpu.memory_space<vmem>>, vector<32xbf16>,
        %parallel_loop3A_263 = vector.bitcast %parallel_loop3A_262 : vector<32xbf16> to vector<16xi32>
        %parallel_loop3A_264 = arith.index_cast %parallel_loop3A_255 : i32 to index
        %parallel_loop3A_265 = arith.constant 32 : index
        %parallel_loop3A_266 = tpu.vector_load %arg6[%parallel_loop3A_264, %parallel_loop3A_265] {strides = array<i32>} : memref<80x64xbf16, #tpu.memory_space<vmem>>, vector<32xbf16>,
        %parallel_loop3A_267 = vector.bitcast %parallel_loop3A_266 : vector<32xbf16> to vector<16xi32>
        %parallel_loop3A_268 = arith.constant 16 : i32
        %parallel_loop3A_269 = vector.broadcast %parallel_loop3A_268 : i32 to vector<16xi32>
        %parallel_loop3A_270 = arith.shli %parallel_loop3A_263, %parallel_loop3A_269 : vector<16xi32>
        %parallel_loop3A_271 = vector.bitcast %parallel_loop3A_270 : vector<16xi32> to vector<16xf32>
        %parallel_loop3A_272 = arith.addf %parallel_loop3A_256, %parallel_loop3A_271 : vector<16xf32>
        %parallel_loop3A_273 = arith.andi %parallel_loop3A_263, %broadcast_in_dim3A_30 : vector<16xi32>
        %parallel_loop3A_274 = vector.bitcast %parallel_loop3A_273 : vector<16xi32> to vector<16xf32>
        %parallel_loop3A_275 = arith.addf %parallel_loop3A_257, %parallel_loop3A_274 : vector<16xf32>
        %parallel_loop3A_276 = arith.constant 16 : i32
        %parallel_loop3A_277 = vector.broadcast %parallel_loop3A_276 : i32 to vector<16xi32>
        %parallel_loop3A_278 = arith.shli %parallel_loop3A_267, %parallel_loop3A_277 : vector<16xi32>
        %parallel_loop3A_279 = vector.bitcast %parallel_loop3A_278 : vector<16xi32> to vector<16xf32>
        %parallel_loop3A_280 = arith.addf %parallel_loop3A_258, %parallel_loop3A_279 : vector<16xf32>
        %parallel_loop3A_281 = arith.andi %parallel_loop3A_267, %broadcast_in_dim3A_30 : vector<16xi32>
        %parallel_loop3A_282 = vector.bitcast %parallel_loop3A_281 : vector<16xi32> to vector<16xf32>
        %parallel_loop3A_283 = arith.addf %parallel_loop3A_259, %parallel_loop3A_282 : vector<16xf32>
        scf.yield %parallel_loop3A_272, %parallel_loop3A_275, %parallel_loop3A_280, %parallel_loop3A_283 : vector<16xf32>, vector<16xf32>, vector<16xf32>, vector<16xf32>
      } {sc.loop_unroll_factor = 5 : i64, sc.parallel_access}
      %dma_start3A_73 = arith.constant 4 : i32
      %dma_start3A_74 = arith.constant 0 : i32
      %dma_start3A_75 = tpu.memref_slice %arg5[%while3A_27, %dma_start3A_73, %dma_start3A_74] : memref<32x10x80xi32, #tpu.memory_space<vmem>> -> memref<1x1x80xi32, #tpu.memory_space<vmem>>
      %dma_start3A_76 = tpu.memref_squeeze %dma_start3A_75 : memref<1x1x80xi32, #tpu.memory_space<vmem>> -> memref<80xi32, #tpu.memory_space<vmem>>
      %dma_start3A_77 = arith.constant 0 : i32
      %dma_start3A_78 = arith.constant 0 : i32
      %dma_start3A_79 = tpu.memref_slice %arg3[%dma_start3A_77, %dma_start3A_78] : memref<100000x64xbf16, #tpu.memory_space<hbm>> -> memref<100000x64xbf16, #tpu.memory_space<hbm>>
      tpu.enqueue_indirect_dma source(%dma_start3A_79 : memref<100000x64xbf16, #tpu.memory_space<hbm>>) target(%arg6 : memref<80x64xbf16, #tpu.memory_space<vmem>>) offsets(%dma_start3A_76 : memref<80xi32, #tpu.memory_space<vmem>>) semaphore(%arg9 : memref<!tpu.dma_semaphore, #tpu.memory_space<semaphore_mem>>)
      %dma_wait3A_80 = arith.constant 0 : i32
      %dma_wait3A_81 = arith.constant 0 : i32
      %dma_wait3A_82 = tpu.memref_slice %arg3[%dma_wait3A_80, %dma_wait3A_81] : memref<100000x64xbf16, #tpu.memory_space<hbm>> -> memref<80x64xbf16, #tpu.memory_space<hbm>>
      %dma_wait3A_83 = arith.constant 0 : i32
      %dma_wait3A_84 = arith.constant 0 : i32
      %dma_wait3A_85 = tpu.memref_slice %arg3[%dma_wait3A_83, %dma_wait3A_84] : memref<100000x64xbf16, #tpu.memory_space<hbm>> -> memref<80x64xbf16, #tpu.memory_space<hbm>>
      tpu.wait_dma2 semaphore(%arg10 : memref<!tpu.dma_semaphore, #tpu.memory_space<semaphore_mem>>) src(%dma_wait3A_85 : memref<80x64xbf16, #tpu.memory_space<hbm>>) dst(%arg7 : memref<80x64xbf16, #tpu.memory_space<vmem>>)
      %parallel_loop3A_86 = arith.constant 0 : i32
      %parallel_loop3A_87 = arith.constant 80 : i32
      %parallel_loop3A_88 = arith.constant 1 : i32
      %parallel_loop3A_89:4 = scf.for %parallel_loop3A_255 = %parallel_loop3A_86 to %parallel_loop3A_87 step %parallel_loop3A_88 iter_args(%parallel_loop3A_256 = %parallel_loop3A_72#0, %parallel_loop3A_257 = %parallel_loop3A_72#1, %parallel_loop3A_258 = %parallel_loop3A_72#2, %parallel_loop3A_259 = %parallel_loop3A_72#3) -> (vector<16xf32>, vector<16xf32>, vector<16xf32>, vector<16xf32>)  : i32 {
        %parallel_loop3A_260 = arith.index_cast %parallel_loop3A_255 : i32 to index
        %parallel_loop3A_261 = arith.constant 0 : index
        %parallel_loop3A_262 = tpu.vector_load %arg7[%parallel_loop3A_260, %parallel_loop3A_261] {strides = array<i32>} : memref<80x64xbf16, #tpu.memory_space<vmem>>, vector<32xbf16>,
        %parallel_loop3A_263 = vector.bitcast %parallel_loop3A_262 : vector<32xbf16> to vector<16xi32>
        %parallel_loop3A_264 = arith.index_cast %parallel_loop3A_255 : i32 to index
        %parallel_loop3A_265 = arith.constant 32 : index
        %parallel_loop3A_266 = tpu.vector_load %arg7[%parallel_loop3A_264, %parallel_loop3A_265] {strides = array<i32>} : memref<80x64xbf16, #tpu.memory_space<vmem>>, vector<32xbf16>,
        %parallel_loop3A_267 = vector.bitcast %parallel_loop3A_266 : vector<32xbf16> to vector<16xi32>
        %parallel_loop3A_268 = arith.constant 16 : i32
        %parallel_loop3A_269 = vector.broadcast %parallel_loop3A_268 : i32 to vector<16xi32>
        %parallel_loop3A_270 = arith.shli %parallel_loop3A_263, %parallel_loop3A_269 : vector<16xi32>
        %parallel_loop3A_271 = vector.bitcast %parallel_loop3A_270 : vector<16xi32> to vector<16xf32>
        %parallel_loop3A_272 = arith.addf %parallel_loop3A_256, %parallel_loop3A_271 : vector<16xf32>
        %parallel_loop3A_273 = arith.andi %parallel_loop3A_263, %broadcast_in_dim3A_30 : vector<16xi32>
        %parallel_loop3A_274 = vector.bitcast %parallel_loop3A_273 : vector<16xi32> to vector<16xf32>
        %parallel_loop3A_275 = arith.addf %parallel_loop3A_257, %parallel_loop3A_274 : vector<16xf32>
        %parallel_loop3A_276 = arith.constant 16 : i32
        %parallel_loop3A_277 = vector.broadcast %parallel_loop3A_276 : i32 to vector<16xi32>
        %parallel_loop3A_278 = arith.shli %parallel_loop3A_267, %parallel_loop3A_277 : vector<16xi32>
        %parallel_loop3A_279 = vector.bitcast %parallel_loop3A_278 : vector<16xi32> to vector<16xf32>
        %parallel_loop3A_280 = arith.addf %parallel_loop3A_258, %parallel_loop3A_279 : vector<16xf32>
        %parallel_loop3A_281 = arith.andi %parallel_loop3A_267, %broadcast_in_dim3A_30 : vector<16xi32>
        %parallel_loop3A_282 = vector.bitcast %parallel_loop3A_281 : vector<16xi32> to vector<16xf32>
        %parallel_loop3A_283 = arith.addf %parallel_loop3A_259, %parallel_loop3A_282 : vector<16xf32>
        scf.yield %parallel_loop3A_272, %parallel_loop3A_275, %parallel_loop3A_280, %parallel_loop3A_283 : vector<16xf32>, vector<16xf32>, vector<16xf32>, vector<16xf32>
      } {sc.loop_unroll_factor = 5 : i64, sc.parallel_access}
      %dma_start3A_90 = arith.constant 5 : i32
      %dma_start3A_91 = arith.constant 0 : i32
      %dma_start3A_92 = tpu.memref_slice %arg5[%while3A_27, %dma_start3A_90, %dma_start3A_91] : memref<32x10x80xi32, #tpu.memory_space<vmem>> -> memref<1x1x80xi32, #tpu.memory_space<vmem>>
      %dma_start3A_93 = tpu.memref_squeeze %dma_start3A_92 : memref<1x1x80xi32, #tpu.memory_space<vmem>> -> memref<80xi32, #tpu.memory_space<vmem>>
      %dma_start3A_94 = arith.constant 0 : i32
      %dma_start3A_95 = arith.constant 0 : i32
      %dma_start3A_96 = tpu.memref_slice %arg3[%dma_start3A_94, %dma_start3A_95] : memref<100000x64xbf16, #tpu.memory_space<hbm>> -> memref<100000x64xbf16, #tpu.memory_space<hbm>>
      tpu.enqueue_indirect_dma source(%dma_start3A_96 : memref<100000x64xbf16, #tpu.memory_space<hbm>>) target(%arg7 : memref<80x64xbf16, #tpu.memory_space<vmem>>) offsets(%dma_start3A_93 : memref<80xi32, #tpu.memory_space<vmem>>) semaphore(%arg10 : memref<!tpu.dma_semaphore, #tpu.memory_space<semaphore_mem>>)
      %dma_wait3A_97 = arith.constant 0 : i32
      %dma_wait3A_98 = arith.constant 0 : i32
      %dma_wait3A_99 = tpu.memref_slice %arg3[%dma_wait3A_97, %dma_wait3A_98] : memref<100000x64xbf16, #tpu.memory_space<hbm>> -> memref<80x64xbf16, #tpu.memory_space<hbm>>
      %dma_wait3A_100 = arith.constant 0 : i32
      %dma_wait3A_101 = arith.constant 0 : i32
      %dma_wait3A_102 = tpu.memref_slice %arg3[%dma_wait3A_100, %dma_wait3A_101] : memref<100000x64xbf16, #tpu.memory_space<hbm>> -> memref<80x64xbf16, #tpu.memory_space<hbm>>
      tpu.wait_dma2 semaphore(%arg9 : memref<!tpu.dma_semaphore, #tpu.memory_space<semaphore_mem>>) src(%dma_wait3A_102 : memref<80x64xbf16, #tpu.memory_space<hbm>>) dst(%arg6 : memref<80x64xbf16, #tpu.memory_space<vmem>>)
      %parallel_loop3A_103 = arith.constant 0 : i32
      %parallel_loop3A_104 = arith.constant 80 : i32
      %parallel_loop3A_105 = arith.constant 1 : i32
      %parallel_loop3A_106:4 = scf.for %parallel_loop3A_255 = %parallel_loop3A_103 to %parallel_loop3A_104 step %parallel_loop3A_105 iter_args(%parallel_loop3A_256 = %parallel_loop3A_89#0, %parallel_loop3A_257 = %parallel_loop3A_89#1, %parallel_loop3A_258 = %parallel_loop3A_89#2, %parallel_loop3A_259 = %parallel_loop3A_89#3) -> (vector<16xf32>, vector<16xf32>, vector<16xf32>, vector<16xf32>)  : i32 {
        %parallel_loop3A_260 = arith.index_cast %parallel_loop3A_255 : i32 to index
        %parallel_loop3A_261 = arith.constant 0 : index
        %parallel_loop3A_262 = tpu.vector_load %arg6[%parallel_loop3A_260, %parallel_loop3A_261] {strides = array<i32>} : memref<80x64xbf16, #tpu.memory_space<vmem>>, vector<32xbf16>,
        %parallel_loop3A_263 = vector.bitcast %parallel_loop3A_262 : vector<32xbf16> to vector<16xi32>
        %parallel_loop3A_264 = arith.index_cast %parallel_loop3A_255 : i32 to index
        %parallel_loop3A_265 = arith.constant 32 : index
        %parallel_loop3A_266 = tpu.vector_load %arg6[%parallel_loop3A_264, %parallel_loop3A_265] {strides = array<i32>} : memref<80x64xbf16, #tpu.memory_space<vmem>>, vector<32xbf16>,
        %parallel_loop3A_267 = vector.bitcast %parallel_loop3A_266 : vector<32xbf16> to vector<16xi32>
        %parallel_loop3A_268 = arith.constant 16 : i32
        %parallel_loop3A_269 = vector.broadcast %parallel_loop3A_268 : i32 to vector<16xi32>
        %parallel_loop3A_270 = arith.shli %parallel_loop3A_263, %parallel_loop3A_269 : vector<16xi32>
        %parallel_loop3A_271 = vector.bitcast %parallel_loop3A_270 : vector<16xi32> to vector<16xf32>
        %parallel_loop3A_272 = arith.addf %parallel_loop3A_256, %parallel_loop3A_271 : vector<16xf32>
        %parallel_loop3A_273 = arith.andi %parallel_loop3A_263, %broadcast_in_dim3A_30 : vector<16xi32>
        %parallel_loop3A_274 = vector.bitcast %parallel_loop3A_273 : vector<16xi32> to vector<16xf32>
        %parallel_loop3A_275 = arith.addf %parallel_loop3A_257, %parallel_loop3A_274 : vector<16xf32>
        %parallel_loop3A_276 = arith.constant 16 : i32
        %parallel_loop3A_277 = vector.broadcast %parallel_loop3A_276 : i32 to vector<16xi32>
        %parallel_loop3A_278 = arith.shli %parallel_loop3A_267, %parallel_loop3A_277 : vector<16xi32>
        %parallel_loop3A_279 = vector.bitcast %parallel_loop3A_278 : vector<16xi32> to vector<16xf32>
        %parallel_loop3A_280 = arith.addf %parallel_loop3A_258, %parallel_loop3A_279 : vector<16xf32>
        %parallel_loop3A_281 = arith.andi %parallel_loop3A_267, %broadcast_in_dim3A_30 : vector<16xi32>
        %parallel_loop3A_282 = vector.bitcast %parallel_loop3A_281 : vector<16xi32> to vector<16xf32>
        %parallel_loop3A_283 = arith.addf %parallel_loop3A_259, %parallel_loop3A_282 : vector<16xf32>
        scf.yield %parallel_loop3A_272, %parallel_loop3A_275, %parallel_loop3A_280, %parallel_loop3A_283 : vector<16xf32>, vector<16xf32>, vector<16xf32>, vector<16xf32>
      } {sc.loop_unroll_factor = 5 : i64, sc.parallel_access}
      %dma_start3A_107 = arith.constant 6 : i32
      %dma_start3A_108 = arith.constant 0 : i32
      %dma_start3A_109 = tpu.memref_slice %arg5[%while3A_27, %dma_start3A_107, %dma_start3A_108] : memref<32x10x80xi32, #tpu.memory_space<vmem>> -> memref<1x1x80xi32, #tpu.memory_space<vmem>>
      %dma_start3A_110 = tpu.memref_squeeze %dma_start3A_109 : memref<1x1x80xi32, #tpu.memory_space<vmem>> -> memref<80xi32, #tpu.memory_space<vmem>>
      %dma_start3A_111 = arith.constant 0 : i32
      %dma_start3A_112 = arith.constant 0 : i32
      %dma_start3A_113 = tpu.memref_slice %arg3[%dma_start3A_111, %dma_start3A_112] : memref<100000x64xbf16, #tpu.memory_space<hbm>> -> memref<100000x64xbf16, #tpu.memory_space<hbm>>
      tpu.enqueue_indirect_dma source(%dma_start3A_113 : memref<100000x64xbf16, #tpu.memory_space<hbm>>) target(%arg6 : memref<80x64xbf16, #tpu.memory_space<vmem>>) offsets(%dma_start3A_110 : memref<80xi32, #tpu.memory_space<vmem>>) semaphore(%arg9 : memref<!tpu.dma_semaphore, #tpu.memory_space<semaphore_mem>>)
      %dma_wait3A_114 = arith.constant 0 : i32
      %dma_wait3A_115 = arith.constant 0 : i32
      %dma_wait3A_116 = tpu.memref_slice %arg3[%dma_wait3A_114, %dma_wait3A_115] : memref<100000x64xbf16, #tpu.memory_space<hbm>> -> memref<80x64xbf16, #tpu.memory_space<hbm>>
      %dma_wait3A_117 = arith.constant 0 : i32
      %dma_wait3A_118 = arith.constant 0 : i32
      %dma_wait3A_119 = tpu.memref_slice %arg3[%dma_wait3A_117, %dma_wait3A_118] : memref<100000x64xbf16, #tpu.memory_space<hbm>> -> memref<80x64xbf16, #tpu.memory_space<hbm>>
      tpu.wait_dma2 semaphore(%arg10 : memref<!tpu.dma_semaphore, #tpu.memory_space<semaphore_mem>>) src(%dma_wait3A_119 : memref<80x64xbf16, #tpu.memory_space<hbm>>) dst(%arg7 : memref<80x64xbf16, #tpu.memory_space<vmem>>)
      %parallel_loop3A_120 = arith.constant 0 : i32
      %parallel_loop3A_121 = arith.constant 80 : i32
      %parallel_loop3A_122 = arith.constant 1 : i32
      %parallel_loop3A_123:4 = scf.for %parallel_loop3A_255 = %parallel_loop3A_120 to %parallel_loop3A_121 step %parallel_loop3A_122 iter_args(%parallel_loop3A_256 = %parallel_loop3A_106#0, %parallel_loop3A_257 = %parallel_loop3A_106#1, %parallel_loop3A_258 = %parallel_loop3A_106#2, %parallel_loop3A_259 = %parallel_loop3A_106#3) -> (vector<16xf32>, vector<16xf32>, vector<16xf32>, vector<16xf32>)  : i32 {
        %parallel_loop3A_260 = arith.index_cast %parallel_loop3A_255 : i32 to index
        %parallel_loop3A_261 = arith.constant 0 : index
        %parallel_loop3A_262 = tpu.vector_load %arg7[%parallel_loop3A_260, %parallel_loop3A_261] {strides = array<i32>} : memref<80x64xbf16, #tpu.memory_space<vmem>>, vector<32xbf16>,
        %parallel_loop3A_263 = vector.bitcast %parallel_loop3A_262 : vector<32xbf16> to vector<16xi32>
        %parallel_loop3A_264 = arith.index_cast %parallel_loop3A_255 : i32 to index
        %parallel_loop3A_265 = arith.constant 32 : index
        %parallel_loop3A_266 = tpu.vector_load %arg7[%parallel_loop3A_264, %parallel_loop3A_265] {strides = array<i32>} : memref<80x64xbf16, #tpu.memory_space<vmem>>, vector<32xbf16>,
        %parallel_loop3A_267 = vector.bitcast %parallel_loop3A_266 : vector<32xbf16> to vector<16xi32>
        %parallel_loop3A_268 = arith.constant 16 : i32
        %parallel_loop3A_269 = vector.broadcast %parallel_loop3A_268 : i32 to vector<16xi32>
        %parallel_loop3A_270 = arith.shli %parallel_loop3A_263, %parallel_loop3A_269 : vector<16xi32>
        %parallel_loop3A_271 = vector.bitcast %parallel_loop3A_270 : vector<16xi32> to vector<16xf32>
        %parallel_loop3A_272 = arith.addf %parallel_loop3A_256, %parallel_loop3A_271 : vector<16xf32>
        %parallel_loop3A_273 = arith.andi %parallel_loop3A_263, %broadcast_in_dim3A_30 : vector<16xi32>
        %parallel_loop3A_274 = vector.bitcast %parallel_loop3A_273 : vector<16xi32> to vector<16xf32>
        %parallel_loop3A_275 = arith.addf %parallel_loop3A_257, %parallel_loop3A_274 : vector<16xf32>
        %parallel_loop3A_276 = arith.constant 16 : i32
        %parallel_loop3A_277 = vector.broadcast %parallel_loop3A_276 : i32 to vector<16xi32>
        %parallel_loop3A_278 = arith.shli %parallel_loop3A_267, %parallel_loop3A_277 : vector<16xi32>
        %parallel_loop3A_279 = vector.bitcast %parallel_loop3A_278 : vector<16xi32> to vector<16xf32>
        %parallel_loop3A_280 = arith.addf %parallel_loop3A_258, %parallel_loop3A_279 : vector<16xf32>
        %parallel_loop3A_281 = arith.andi %parallel_loop3A_267, %broadcast_in_dim3A_30 : vector<16xi32>
        %parallel_loop3A_282 = vector.bitcast %parallel_loop3A_281 : vector<16xi32> to vector<16xf32>
        %parallel_loop3A_283 = arith.addf %parallel_loop3A_259, %parallel_loop3A_282 : vector<16xf32>
        scf.yield %parallel_loop3A_272, %parallel_loop3A_275, %parallel_loop3A_280, %parallel_loop3A_283 : vector<16xf32>, vector<16xf32>, vector<16xf32>, vector<16xf32>
      } {sc.loop_unroll_factor = 5 : i64, sc.parallel_access}
      %dma_start3A_124 = arith.constant 7 : i32
      %dma_start3A_125 = arith.constant 0 : i32
      %dma_start3A_126 = tpu.memref_slice %arg5[%while3A_27, %dma_start3A_124, %dma_start3A_125] : memref<32x10x80xi32, #tpu.memory_space<vmem>> -> memref<1x1x80xi32, #tpu.memory_space<vmem>>
      %dma_start3A_127 = tpu.memref_squeeze %dma_start3A_126 : memref<1x1x80xi32, #tpu.memory_space<vmem>> -> memref<80xi32, #tpu.memory_space<vmem>>
      %dma_start3A_128 = arith.constant 0 : i32
      %dma_start3A_129 = arith.constant 0 : i32
      %dma_start3A_130 = tpu.memref_slice %arg3[%dma_start3A_128, %dma_start3A_129] : memref<100000x64xbf16, #tpu.memory_space<hbm>> -> memref<100000x64xbf16, #tpu.memory_space<hbm>>
      tpu.enqueue_indirect_dma source(%dma_start3A_130 : memref<100000x64xbf16, #tpu.memory_space<hbm>>) target(%arg7 : memref<80x64xbf16, #tpu.memory_space<vmem>>) offsets(%dma_start3A_127 : memref<80xi32, #tpu.memory_space<vmem>>) semaphore(%arg10 : memref<!tpu.dma_semaphore, #tpu.memory_space<semaphore_mem>>)
      %dma_wait3A_131 = arith.constant 0 : i32
      %dma_wait3A_132 = arith.constant 0 : i32
      %dma_wait3A_133 = tpu.memref_slice %arg3[%dma_wait3A_131, %dma_wait3A_132] : memref<100000x64xbf16, #tpu.memory_space<hbm>> -> memref<80x64xbf16, #tpu.memory_space<hbm>>
      %dma_wait3A_134 = arith.constant 0 : i32
      %dma_wait3A_135 = arith.constant 0 : i32
      %dma_wait3A_136 = tpu.memref_slice %arg3[%dma_wait3A_134, %dma_wait3A_135] : memref<100000x64xbf16, #tpu.memory_space<hbm>> -> memref<80x64xbf16, #tpu.memory_space<hbm>>
      tpu.wait_dma2 semaphore(%arg9 : memref<!tpu.dma_semaphore, #tpu.memory_space<semaphore_mem>>) src(%dma_wait3A_136 : memref<80x64xbf16, #tpu.memory_space<hbm>>) dst(%arg6 : memref<80x64xbf16, #tpu.memory_space<vmem>>)
      %parallel_loop3A_137 = arith.constant 0 : i32
      %parallel_loop3A_138 = arith.constant 80 : i32
      %parallel_loop3A_139 = arith.constant 1 : i32
      %parallel_loop3A_140:4 = scf.for %parallel_loop3A_255 = %parallel_loop3A_137 to %parallel_loop3A_138 step %parallel_loop3A_139 iter_args(%parallel_loop3A_256 = %parallel_loop3A_123#0, %parallel_loop3A_257 = %parallel_loop3A_123#1, %parallel_loop3A_258 = %parallel_loop3A_123#2, %parallel_loop3A_259 = %parallel_loop3A_123#3) -> (vector<16xf32>, vector<16xf32>, vector<16xf32>, vector<16xf32>)  : i32 {
        %parallel_loop3A_260 = arith.index_cast %parallel_loop3A_255 : i32 to index
        %parallel_loop3A_261 = arith.constant 0 : index
        %parallel_loop3A_262 = tpu.vector_load %arg6[%parallel_loop3A_260, %parallel_loop3A_261] {strides = array<i32>} : memref<80x64xbf16, #tpu.memory_space<vmem>>, vector<32xbf16>,
        %parallel_loop3A_263 = vector.bitcast %parallel_loop3A_262 : vector<32xbf16> to vector<16xi32>
        %parallel_loop3A_264 = arith.index_cast %parallel_loop3A_255 : i32 to index
        %parallel_loop3A_265 = arith.constant 32 : index
        %parallel_loop3A_266 = tpu.vector_load %arg6[%parallel_loop3A_264, %parallel_loop3A_265] {strides = array<i32>} : memref<80x64xbf16, #tpu.memory_space<vmem>>, vector<32xbf16>,
        %parallel_loop3A_267 = vector.bitcast %parallel_loop3A_266 : vector<32xbf16> to vector<16xi32>
        %parallel_loop3A_268 = arith.constant 16 : i32
        %parallel_loop3A_269 = vector.broadcast %parallel_loop3A_268 : i32 to vector<16xi32>
        %parallel_loop3A_270 = arith.shli %parallel_loop3A_263, %parallel_loop3A_269 : vector<16xi32>
        %parallel_loop3A_271 = vector.bitcast %parallel_loop3A_270 : vector<16xi32> to vector<16xf32>
        %parallel_loop3A_272 = arith.addf %parallel_loop3A_256, %parallel_loop3A_271 : vector<16xf32>
        %parallel_loop3A_273 = arith.andi %parallel_loop3A_263, %broadcast_in_dim3A_30 : vector<16xi32>
        %parallel_loop3A_274 = vector.bitcast %parallel_loop3A_273 : vector<16xi32> to vector<16xf32>
        %parallel_loop3A_275 = arith.addf %parallel_loop3A_257, %parallel_loop3A_274 : vector<16xf32>
        %parallel_loop3A_276 = arith.constant 16 : i32
        %parallel_loop3A_277 = vector.broadcast %parallel_loop3A_276 : i32 to vector<16xi32>
        %parallel_loop3A_278 = arith.shli %parallel_loop3A_267, %parallel_loop3A_277 : vector<16xi32>
        %parallel_loop3A_279 = vector.bitcast %parallel_loop3A_278 : vector<16xi32> to vector<16xf32>
        %parallel_loop3A_280 = arith.addf %parallel_loop3A_258, %parallel_loop3A_279 : vector<16xf32>
        %parallel_loop3A_281 = arith.andi %parallel_loop3A_267, %broadcast_in_dim3A_30 : vector<16xi32>
        %parallel_loop3A_282 = vector.bitcast %parallel_loop3A_281 : vector<16xi32> to vector<16xf32>
        %parallel_loop3A_283 = arith.addf %parallel_loop3A_259, %parallel_loop3A_282 : vector<16xf32>
        scf.yield %parallel_loop3A_272, %parallel_loop3A_275, %parallel_loop3A_280, %parallel_loop3A_283 : vector<16xf32>, vector<16xf32>, vector<16xf32>, vector<16xf32>
      } {sc.loop_unroll_factor = 5 : i64, sc.parallel_access}
      %dma_start3A_141 = arith.constant 8 : i32
      %dma_start3A_142 = arith.constant 0 : i32
      %dma_start3A_143 = tpu.memref_slice %arg5[%while3A_27, %dma_start3A_141, %dma_start3A_142] : memref<32x10x80xi32, #tpu.memory_space<vmem>> -> memref<1x1x80xi32, #tpu.memory_space<vmem>>
      %dma_start3A_144 = tpu.memref_squeeze %dma_start3A_143 : memref<1x1x80xi32, #tpu.memory_space<vmem>> -> memref<80xi32, #tpu.memory_space<vmem>>
      %dma_start3A_145 = arith.constant 0 : i32
      %dma_start3A_146 = arith.constant 0 : i32
      %dma_start3A_147 = tpu.memref_slice %arg3[%dma_start3A_145, %dma_start3A_146] : memref<100000x64xbf16, #tpu.memory_space<hbm>> -> memref<100000x64xbf16, #tpu.memory_space<hbm>>
      tpu.enqueue_indirect_dma source(%dma_start3A_147 : memref<100000x64xbf16, #tpu.memory_space<hbm>>) target(%arg6 : memref<80x64xbf16, #tpu.memory_space<vmem>>) offsets(%dma_start3A_144 : memref<80xi32, #tpu.memory_space<vmem>>) semaphore(%arg9 : memref<!tpu.dma_semaphore, #tpu.memory_space<semaphore_mem>>)
      %dma_wait3A_148 = arith.constant 0 : i32
      %dma_wait3A_149 = arith.constant 0 : i32
      %dma_wait3A_150 = tpu.memref_slice %arg3[%dma_wait3A_148, %dma_wait3A_149] : memref<100000x64xbf16, #tpu.memory_space<hbm>> -> memref<80x64xbf16, #tpu.memory_space<hbm>>
      %dma_wait3A_151 = arith.constant 0 : i32
      %dma_wait3A_152 = arith.constant 0 : i32
      %dma_wait3A_153 = tpu.memref_slice %arg3[%dma_wait3A_151, %dma_wait3A_152] : memref<100000x64xbf16, #tpu.memory_space<hbm>> -> memref<80x64xbf16, #tpu.memory_space<hbm>>
      tpu.wait_dma2 semaphore(%arg10 : memref<!tpu.dma_semaphore, #tpu.memory_space<semaphore_mem>>) src(%dma_wait3A_153 : memref<80x64xbf16, #tpu.memory_space<hbm>>) dst(%arg7 : memref<80x64xbf16, #tpu.memory_space<vmem>>)
      %parallel_loop3A_154 = arith.constant 0 : i32
      %parallel_loop3A_155 = arith.constant 80 : i32
      %parallel_loop3A_156 = arith.constant 1 : i32
      %parallel_loop3A_157:4 = scf.for %parallel_loop3A_255 = %parallel_loop3A_154 to %parallel_loop3A_155 step %parallel_loop3A_156 iter_args(%parallel_loop3A_256 = %parallel_loop3A_140#0, %parallel_loop3A_257 = %parallel_loop3A_140#1, %parallel_loop3A_258 = %parallel_loop3A_140#2, %parallel_loop3A_259 = %parallel_loop3A_140#3) -> (vector<16xf32>, vector<16xf32>, vector<16xf32>, vector<16xf32>)  : i32 {
        %parallel_loop3A_260 = arith.index_cast %parallel_loop3A_255 : i32 to index
        %parallel_loop3A_261 = arith.constant 0 : index
        %parallel_loop3A_262 = tpu.vector_load %arg7[%parallel_loop3A_260, %parallel_loop3A_261] {strides = array<i32>} : memref<80x64xbf16, #tpu.memory_space<vmem>>, vector<32xbf16>,
        %parallel_loop3A_263 = vector.bitcast %parallel_loop3A_262 : vector<32xbf16> to vector<16xi32>
        %parallel_loop3A_264 = arith.index_cast %parallel_loop3A_255 : i32 to index
        %parallel_loop3A_265 = arith.constant 32 : index
        %parallel_loop3A_266 = tpu.vector_load %arg7[%parallel_loop3A_264, %parallel_loop3A_265] {strides = array<i32>} : memref<80x64xbf16, #tpu.memory_space<vmem>>, vector<32xbf16>,
        %parallel_loop3A_267 = vector.bitcast %parallel_loop3A_266 : vector<32xbf16> to vector<16xi32>
        %parallel_loop3A_268 = arith.constant 16 : i32
        %parallel_loop3A_269 = vector.broadcast %parallel_loop3A_268 : i32 to vector<16xi32>
        %parallel_loop3A_270 = arith.shli %parallel_loop3A_263, %parallel_loop3A_269 : vector<16xi32>
        %parallel_loop3A_271 = vector.bitcast %parallel_loop3A_270 : vector<16xi32> to vector<16xf32>
        %parallel_loop3A_272 = arith.addf %parallel_loop3A_256, %parallel_loop3A_271 : vector<16xf32>
        %parallel_loop3A_273 = arith.andi %parallel_loop3A_263, %broadcast_in_dim3A_30 : vector<16xi32>
        %parallel_loop3A_274 = vector.bitcast %parallel_loop3A_273 : vector<16xi32> to vector<16xf32>
        %parallel_loop3A_275 = arith.addf %parallel_loop3A_257, %parallel_loop3A_274 : vector<16xf32>
        %parallel_loop3A_276 = arith.constant 16 : i32
        %parallel_loop3A_277 = vector.broadcast %parallel_loop3A_276 : i32 to vector<16xi32>
        %parallel_loop3A_278 = arith.shli %parallel_loop3A_267, %parallel_loop3A_277 : vector<16xi32>
        %parallel_loop3A_279 = vector.bitcast %parallel_loop3A_278 : vector<16xi32> to vector<16xf32>
        %parallel_loop3A_280 = arith.addf %parallel_loop3A_258, %parallel_loop3A_279 : vector<16xf32>
        %parallel_loop3A_281 = arith.andi %parallel_loop3A_267, %broadcast_in_dim3A_30 : vector<16xi32>
        %parallel_loop3A_282 = vector.bitcast %parallel_loop3A_281 : vector<16xi32> to vector<16xf32>
        %parallel_loop3A_283 = arith.addf %parallel_loop3A_259, %parallel_loop3A_282 : vector<16xf32>
        scf.yield %parallel_loop3A_272, %parallel_loop3A_275, %parallel_loop3A_280, %parallel_loop3A_283 : vector<16xf32>, vector<16xf32>, vector<16xf32>, vector<16xf32>
      } {sc.loop_unroll_factor = 5 : i64, sc.parallel_access}
      %dma_start3A_158 = arith.constant 9 : i32
      %dma_start3A_159 = arith.constant 0 : i32
      %dma_start3A_160 = tpu.memref_slice %arg5[%while3A_27, %dma_start3A_158, %dma_start3A_159] : memref<32x10x80xi32, #tpu.memory_space<vmem>> -> memref<1x1x80xi32, #tpu.memory_space<vmem>>
      %dma_start3A_161 = tpu.memref_squeeze %dma_start3A_160 : memref<1x1x80xi32, #tpu.memory_space<vmem>> -> memref<80xi32, #tpu.memory_space<vmem>>
      %dma_start3A_162 = arith.constant 0 : i32
      %dma_start3A_163 = arith.constant 0 : i32
      %dma_start3A_164 = tpu.memref_slice %arg3[%dma_start3A_162, %dma_start3A_163] : memref<100000x64xbf16, #tpu.memory_space<hbm>> -> memref<100000x64xbf16, #tpu.memory_space<hbm>>
      tpu.enqueue_indirect_dma source(%dma_start3A_164 : memref<100000x64xbf16, #tpu.memory_space<hbm>>) target(%arg7 : memref<80x64xbf16, #tpu.memory_space<vmem>>) offsets(%dma_start3A_161 : memref<80xi32, #tpu.memory_space<vmem>>) semaphore(%arg10 : memref<!tpu.dma_semaphore, #tpu.memory_space<semaphore_mem>>)
      %dma_wait3A_165 = arith.constant 0 : i32
      %dma_wait3A_166 = arith.constant 0 : i32
      %dma_wait3A_167 = tpu.memref_slice %arg3[%dma_wait3A_165, %dma_wait3A_166] : memref<100000x64xbf16, #tpu.memory_space<hbm>> -> memref<80x64xbf16, #tpu.memory_space<hbm>>
      %dma_wait3A_168 = arith.constant 0 : i32
      %dma_wait3A_169 = arith.constant 0 : i32
      %dma_wait3A_170 = tpu.memref_slice %arg3[%dma_wait3A_168, %dma_wait3A_169] : memref<100000x64xbf16, #tpu.memory_space<hbm>> -> memref<80x64xbf16, #tpu.memory_space<hbm>>
      tpu.wait_dma2 semaphore(%arg9 : memref<!tpu.dma_semaphore, #tpu.memory_space<semaphore_mem>>) src(%dma_wait3A_170 : memref<80x64xbf16, #tpu.memory_space<hbm>>) dst(%arg6 : memref<80x64xbf16, #tpu.memory_space<vmem>>)
      %parallel_loop3A_171 = arith.constant 0 : i32
      %parallel_loop3A_172 = arith.constant 80 : i32
      %parallel_loop3A_173 = arith.constant 1 : i32
      %parallel_loop3A_174:4 = scf.for %parallel_loop3A_255 = %parallel_loop3A_171 to %parallel_loop3A_172 step %parallel_loop3A_173 iter_args(%parallel_loop3A_256 = %parallel_loop3A_157#0, %parallel_loop3A_257 = %parallel_loop3A_157#1, %parallel_loop3A_258 = %parallel_loop3A_157#2, %parallel_loop3A_259 = %parallel_loop3A_157#3) -> (vector<16xf32>, vector<16xf32>, vector<16xf32>, vector<16xf32>)  : i32 {
        %parallel_loop3A_260 = arith.index_cast %parallel_loop3A_255 : i32 to index
        %parallel_loop3A_261 = arith.constant 0 : index
        %parallel_loop3A_262 = tpu.vector_load %arg6[%parallel_loop3A_260, %parallel_loop3A_261] {strides = array<i32>} : memref<80x64xbf16, #tpu.memory_space<vmem>>, vector<32xbf16>,
        %parallel_loop3A_263 = vector.bitcast %parallel_loop3A_262 : vector<32xbf16> to vector<16xi32>
        %parallel_loop3A_264 = arith.index_cast %parallel_loop3A_255 : i32 to index
        %parallel_loop3A_265 = arith.constant 32 : index
        %parallel_loop3A_266 = tpu.vector_load %arg6[%parallel_loop3A_264, %parallel_loop3A_265] {strides = array<i32>} : memref<80x64xbf16, #tpu.memory_space<vmem>>, vector<32xbf16>,
        %parallel_loop3A_267 = vector.bitcast %parallel_loop3A_266 : vector<32xbf16> to vector<16xi32>
        %parallel_loop3A_268 = arith.constant 16 : i32
        %parallel_loop3A_269 = vector.broadcast %parallel_loop3A_268 : i32 to vector<16xi32>
        %parallel_loop3A_270 = arith.shli %parallel_loop3A_263, %parallel_loop3A_269 : vector<16xi32>
        %parallel_loop3A_271 = vector.bitcast %parallel_loop3A_270 : vector<16xi32> to vector<16xf32>
        %parallel_loop3A_272 = arith.addf %parallel_loop3A_256, %parallel_loop3A_271 : vector<16xf32>
        %parallel_loop3A_273 = arith.andi %parallel_loop3A_263, %broadcast_in_dim3A_30 : vector<16xi32>
        %parallel_loop3A_274 = vector.bitcast %parallel_loop3A_273 : vector<16xi32> to vector<16xf32>
        %parallel_loop3A_275 = arith.addf %parallel_loop3A_257, %parallel_loop3A_274 : vector<16xf32>
        %parallel_loop3A_276 = arith.constant 16 : i32
        %parallel_loop3A_277 = vector.broadcast %parallel_loop3A_276 : i32 to vector<16xi32>
        %parallel_loop3A_278 = arith.shli %parallel_loop3A_267, %parallel_loop3A_277 : vector<16xi32>
        %parallel_loop3A_279 = vector.bitcast %parallel_loop3A_278 : vector<16xi32> to vector<16xf32>
        %parallel_loop3A_280 = arith.addf %parallel_loop3A_258, %parallel_loop3A_279 : vector<16xf32>
        %parallel_loop3A_281 = arith.andi %parallel_loop3A_267, %broadcast_in_dim3A_30 : vector<16xi32>
        %parallel_loop3A_282 = vector.bitcast %parallel_loop3A_281 : vector<16xi32> to vector<16xf32>
        %parallel_loop3A_283 = arith.addf %parallel_loop3A_259, %parallel_loop3A_282 : vector<16xf32>
        scf.yield %parallel_loop3A_272, %parallel_loop3A_275, %parallel_loop3A_280, %parallel_loop3A_283 : vector<16xf32>, vector<16xf32>, vector<16xf32>, vector<16xf32>
      } {sc.loop_unroll_factor = 5 : i64, sc.parallel_access}
      %lt3A = arith.constant 31 : i32
      %lt3A_175 = arith.cmpi slt, %while3A_27, %lt3A : i32
      %convert_element_type3A = arith.extui %lt3A_175 : i1 to i32
      %cond3A = arith.constant 0 : i32
      %cond3A_176 = arith.cmpi ne, %convert_element_type3A, %cond3A : i32
      scf.if %cond3A_176 {
        %add3A_255 = arith.constant 1 : i32
        %add3A_256 = arith.addi %while3A_27, %add3A_255 : i32
        %dma_start3A_257 = arith.constant 0 : i32
        %dma_start3A_258 = arith.constant 0 : i32
        %dma_start3A_259 = tpu.memref_slice %arg5[%add3A_256, %dma_start3A_257, %dma_start3A_258] : memref<32x10x80xi32, #tpu.memory_space<vmem>> -> memref<1x1x80xi32, #tpu.memory_space<vmem>>
        %dma_start3A_260 = tpu.memref_squeeze %dma_start3A_259 : memref<1x1x80xi32, #tpu.memory_space<vmem>> -> memref<80xi32, #tpu.memory_space<vmem>>
        %dma_start3A_261 = arith.constant 0 : i32
        %dma_start3A_262 = arith.constant 0 : i32
        %dma_start3A_263 = tpu.memref_slice %arg3[%dma_start3A_261, %dma_start3A_262] : memref<100000x64xbf16, #tpu.memory_space<hbm>> -> memref<100000x64xbf16, #tpu.memory_space<hbm>>
        tpu.enqueue_indirect_dma source(%dma_start3A_263 : memref<100000x64xbf16, #tpu.memory_space<hbm>>) target(%arg6 : memref<80x64xbf16, #tpu.memory_space<vmem>>) offsets(%dma_start3A_260 : memref<80xi32, #tpu.memory_space<vmem>>) semaphore(%arg9 : memref<!tpu.dma_semaphore, #tpu.memory_space<semaphore_mem>>)
      } else {
      }
      %dma_wait3A_177 = arith.constant 0 : i32
      %dma_wait3A_178 = arith.constant 0 : i32
      %dma_wait3A_179 = tpu.memref_slice %arg3[%dma_wait3A_177, %dma_wait3A_178] : memref<100000x64xbf16, #tpu.memory_space<hbm>> -> memref<80x64xbf16, #tpu.memory_space<hbm>>
      %dma_wait3A_180 = arith.constant 0 : i32
      %dma_wait3A_181 = arith.constant 0 : i32
      %dma_wait3A_182 = tpu.memref_slice %arg3[%dma_wait3A_180, %dma_wait3A_181] : memref<100000x64xbf16, #tpu.memory_space<hbm>> -> memref<80x64xbf16, #tpu.memory_space<hbm>>
      tpu.wait_dma2 semaphore(%arg10 : memref<!tpu.dma_semaphore, #tpu.memory_space<semaphore_mem>>) src(%dma_wait3A_182 : memref<80x64xbf16, #tpu.memory_space<hbm>>) dst(%arg7 : memref<80x64xbf16, #tpu.memory_space<vmem>>)
      %parallel_loop3A_183 = arith.constant 0 : i32
      %parallel_loop3A_184 = arith.constant 70 : i32
      %parallel_loop3A_185 = arith.constant 1 : i32
      %parallel_loop3A_186:4 = scf.for %parallel_loop3A_255 = %parallel_loop3A_183 to %parallel_loop3A_184 step %parallel_loop3A_185 iter_args(%parallel_loop3A_256 = %parallel_loop3A_174#0, %parallel_loop3A_257 = %parallel_loop3A_174#1, %parallel_loop3A_258 = %parallel_loop3A_174#2, %parallel_loop3A_259 = %parallel_loop3A_174#3) -> (vector<16xf32>, vector<16xf32>, vector<16xf32>, vector<16xf32>)  : i32 {
        %parallel_loop3A_260 = arith.index_cast %parallel_loop3A_255 : i32 to index
        %parallel_loop3A_261 = arith.constant 0 : index
        %parallel_loop3A_262 = tpu.vector_load %arg7[%parallel_loop3A_260, %parallel_loop3A_261] {strides = array<i32>} : memref<80x64xbf16, #tpu.memory_space<vmem>>, vector<32xbf16>,
        %parallel_loop3A_263 = vector.bitcast %parallel_loop3A_262 : vector<32xbf16> to vector<16xi32>
        %parallel_loop3A_264 = arith.index_cast %parallel_loop3A_255 : i32 to index
        %parallel_loop3A_265 = arith.constant 32 : index
        %parallel_loop3A_266 = tpu.vector_load %arg7[%parallel_loop3A_264, %parallel_loop3A_265] {strides = array<i32>} : memref<80x64xbf16, #tpu.memory_space<vmem>>, vector<32xbf16>,
        %parallel_loop3A_267 = vector.bitcast %parallel_loop3A_266 : vector<32xbf16> to vector<16xi32>
        %parallel_loop3A_268 = arith.constant 16 : i32
        %parallel_loop3A_269 = vector.broadcast %parallel_loop3A_268 : i32 to vector<16xi32>
        %parallel_loop3A_270 = arith.shli %parallel_loop3A_263, %parallel_loop3A_269 : vector<16xi32>
        %parallel_loop3A_271 = vector.bitcast %parallel_loop3A_270 : vector<16xi32> to vector<16xf32>
        %parallel_loop3A_272 = arith.addf %parallel_loop3A_256, %parallel_loop3A_271 : vector<16xf32>
        %parallel_loop3A_273 = arith.andi %parallel_loop3A_263, %broadcast_in_dim3A_30 : vector<16xi32>
        %parallel_loop3A_274 = vector.bitcast %parallel_loop3A_273 : vector<16xi32> to vector<16xf32>
        %parallel_loop3A_275 = arith.addf %parallel_loop3A_257, %parallel_loop3A_274 : vector<16xf32>
        %parallel_loop3A_276 = arith.constant 16 : i32
        %parallel_loop3A_277 = vector.broadcast %parallel_loop3A_276 : i32 to vector<16xi32>
        %parallel_loop3A_278 = arith.shli %parallel_loop3A_267, %parallel_loop3A_277 : vector<16xi32>
        %parallel_loop3A_279 = vector.bitcast %parallel_loop3A_278 : vector<16xi32> to vector<16xf32>
        %parallel_loop3A_280 = arith.addf %parallel_loop3A_258, %parallel_loop3A_279 : vector<16xf32>
        %parallel_loop3A_281 = arith.andi %parallel_loop3A_267, %broadcast_in_dim3A_30 : vector<16xi32>
        %parallel_loop3A_282 = vector.bitcast %parallel_loop3A_281 : vector<16xi32> to vector<16xf32>
        %parallel_loop3A_283 = arith.addf %parallel_loop3A_259, %parallel_loop3A_282 : vector<16xf32>
        scf.yield %parallel_loop3A_272, %parallel_loop3A_275, %parallel_loop3A_280, %parallel_loop3A_283 : vector<16xf32>, vector<16xf32>, vector<16xf32>, vector<16xf32>
      } {sc.loop_unroll_factor = 5 : i64, sc.parallel_access}
      %lt3A_187 = arith.constant 31 : i32
      %lt3A_188 = arith.cmpi slt, %while3A_27, %lt3A_187 : i32
      %convert_element_type3A_189 = arith.extui %lt3A_188 : i1 to i32
      %cond3A_190 = arith.constant 0 : i32
      %cond3A_191 = arith.cmpi ne, %convert_element_type3A_189, %cond3A_190 : i32
      scf.if %cond3A_191 {
        %add3A_255 = arith.constant 1 : i32
        %add3A_256 = arith.addi %while3A_27, %add3A_255 : i32
        %dma_start3A_257 = arith.constant 1 : i32
        %dma_start3A_258 = arith.constant 0 : i32
        %dma_start3A_259 = tpu.memref_slice %arg5[%add3A_256, %dma_start3A_257, %dma_start3A_258] : memref<32x10x80xi32, #tpu.memory_space<vmem>> -> memref<1x1x80xi32, #tpu.memory_space<vmem>>
        %dma_start3A_260 = tpu.memref_squeeze %dma_start3A_259 : memref<1x1x80xi32, #tpu.memory_space<vmem>> -> memref<80xi32, #tpu.memory_space<vmem>>
        %dma_start3A_261 = arith.constant 0 : i32
        %dma_start3A_262 = arith.constant 0 : i32
        %dma_start3A_263 = tpu.memref_slice %arg3[%dma_start3A_261, %dma_start3A_262] : memref<100000x64xbf16, #tpu.memory_space<hbm>> -> memref<100000x64xbf16, #tpu.memory_space<hbm>>
        tpu.enqueue_indirect_dma source(%dma_start3A_263 : memref<100000x64xbf16, #tpu.memory_space<hbm>>) target(%arg7 : memref<80x64xbf16, #tpu.memory_space<vmem>>) offsets(%dma_start3A_260 : memref<80xi32, #tpu.memory_space<vmem>>) semaphore(%arg10 : memref<!tpu.dma_semaphore, #tpu.memory_space<semaphore_mem>>)
      } else {
      }
      %mul3A_192 = arith.mulf %parallel_loop3A_186#0, %parallel_loop3A_186#0 : vector<16xf32>
      %mul3A_193 = arith.mulf %parallel_loop3A_186#1, %parallel_loop3A_186#1 : vector<16xf32>
      %add3A_194 = arith.addf %mul3A_192, %mul3A_193 : vector<16xf32>
      %mul3A_195 = arith.mulf %parallel_loop3A_186#2, %parallel_loop3A_186#2 : vector<16xf32>
      %add3A_196 = arith.addf %add3A_194, %mul3A_195 : vector<16xf32>
      %mul3A_197 = arith.mulf %parallel_loop3A_186#3, %parallel_loop3A_186#3 : vector<16xf32>
      %add3A_198 = arith.addf %add3A_196, %mul3A_197 : vector<16xf32>
      %reduce_sum3A = arith.constant true
      %reduce_sum3A_199 = vector.broadcast %reduce_sum3A : i1 to vector<16xi1>
      %reduce_sum3A_200 = tpu.scan <sum>, %add3A_198 masked %reduce_sum3A_199 : vector<16xf32>, vector<16xi1> -> vector<16xf32>
      %reduce_sum3A_201 = vector.extract %reduce_sum3A_200[15] : f32 from vector<16xf32>
      %broadcast_in_dim3A_202 = arith.constant 0.000000e+00 : f32
      %broadcast_in_dim3A_203 = vector.broadcast %broadcast_in_dim3A_202 : f32 to vector<16xf32>
      %add3A_204 = vector.broadcast %reduce_sum3A_201 : f32 to vector<16xf32>
      %add3A_205 = arith.addf %broadcast_in_dim3A_203, %add3A_204 : vector<16xf32>
      %max3A = arith.constant 6.241000e-19 : f32
      %max3A_206 = vector.broadcast %max3A : f32 to vector<16xf32>
      %max3A_207 = arith.maximumf %add3A_205, %max3A_206 : vector<16xf32>
      %bitcast3A = vector.bitcast %max3A_207 : vector<16xf32> to vector<16xi32>
      %shift_right_arithmetic3A = arith.constant 1 : i32
      %shift_right_arithmetic3A_208 = vector.broadcast %shift_right_arithmetic3A : i32 to vector<16xi32>
      %shift_right_arithmetic3A_209 = arith.shrsi %bitcast3A, %shift_right_arithmetic3A_208 : vector<16xi32>
      %sub3A = arith.constant 1597463007 : i32
      %sub3A_210 = vector.broadcast %sub3A : i32 to vector<16xi32>
      %sub3A_211 = arith.subi %sub3A_210, %shift_right_arithmetic3A_209 : vector<16xi32>
      %bitcast3A_212 = vector.bitcast %sub3A_211 : vector<16xi32> to vector<16xf32>
      %mul3A_213 = arith.constant 5.000000e-01 : f32
      %mul3A_214 = vector.broadcast %mul3A_213 : f32 to vector<16xf32>
      %mul3A_215 = arith.mulf %mul3A_214, %max3A_207 : vector<16xf32>
      %mul3A_216 = arith.mulf %mul3A_215, %bitcast3A_212 : vector<16xf32>
      %mul3A_217 = arith.mulf %mul3A_216, %bitcast3A_212 : vector<16xf32>
      %sub3A_218 = arith.constant 1.500000e+00 : f32
      %sub3A_219 = vector.broadcast %sub3A_218 : f32 to vector<16xf32>
      %sub3A_220 = arith.subf %sub3A_219, %mul3A_217 : vector<16xf32>
      %mul3A_221 = arith.mulf %bitcast3A_212, %sub3A_220 : vector<16xf32>
      %mul3A_222 = arith.constant 5.000000e-01 : f32
      %mul3A_223 = vector.broadcast %mul3A_222 : f32 to vector<16xf32>
      %mul3A_224 = arith.mulf %mul3A_223, %max3A_207 : vector<16xf32>
      %mul3A_225 = arith.mulf %mul3A_224, %mul3A_221 : vector<16xf32>
      %mul3A_226 = arith.mulf %mul3A_225, %mul3A_221 : vector<16xf32>
      %sub3A_227 = arith.constant 1.500000e+00 : f32
      %sub3A_228 = vector.broadcast %sub3A_227 : f32 to vector<16xf32>
      %sub3A_229 = arith.subf %sub3A_228, %mul3A_226 : vector<16xf32>
      %mul3A_230 = arith.mulf %mul3A_221, %sub3A_229 : vector<16xf32>
      %mul3A_231 = arith.constant 5.000000e-01 : f32
      %mul3A_232 = vector.broadcast %mul3A_231 : f32 to vector<16xf32>
      %mul3A_233 = arith.mulf %mul3A_232, %max3A_207 : vector<16xf32>
      %mul3A_234 = arith.mulf %mul3A_233, %mul3A_230 : vector<16xf32>
      %mul3A_235 = arith.mulf %mul3A_234, %mul3A_230 : vector<16xf32>
      %sub3A_236 = arith.constant 1.500000e+00 : f32
      %sub3A_237 = vector.broadcast %sub3A_236 : f32 to vector<16xf32>
      %sub3A_238 = arith.subf %sub3A_237, %mul3A_235 : vector<16xf32>
      %mul3A_239 = arith.mulf %mul3A_230, %sub3A_238 : vector<16xf32>
      %mul3A_240 = arith.mulf %parallel_loop3A_186#0, %mul3A_239 : vector<16xf32>
      %swap3A = arith.index_cast %while3A_27 : i32 to index
      %swap3A_241 = arith.constant 0 : index
      %swap3A_242 = tpu.vector_load %arg8[%swap3A, %swap3A_241] {strides = array<i32>} : memref<32x64xf32, #tpu.memory_space<vmem>>, vector<16xf32>,
      tpu.vector_store %arg8[%swap3A, %swap3A_241], %mul3A_240 {strides = array<i32>} : memref<32x64xf32, #tpu.memory_space<vmem>>, vector<16xf32>,
      %mul3A_243 = arith.mulf %parallel_loop3A_186#1, %mul3A_239 : vector<16xf32>
      %swap3A_244 = arith.index_cast %while3A_27 : i32 to index
      %swap3A_245 = arith.constant 16 : index
      %swap3A_246 = tpu.vector_load %arg8[%swap3A_244, %swap3A_245] {strides = array<i32>} : memref<32x64xf32, #tpu.memory_space<vmem>>, vector<16xf32>,
      tpu.vector_store %arg8[%swap3A_244, %swap3A_245], %mul3A_243 {strides = array<i32>} : memref<32x64xf32, #tpu.memory_space<vmem>>, vector<16xf32>,
      %mul3A_247 = arith.mulf %parallel_loop3A_186#2, %mul3A_239 : vector<16xf32>
      %swap3A_248 = arith.index_cast %while3A_27 : i32 to index
      %swap3A_249 = arith.constant 32 : index
      %swap3A_250 = tpu.vector_load %arg8[%swap3A_248, %swap3A_249] {strides = array<i32>} : memref<32x64xf32, #tpu.memory_space<vmem>>, vector<16xf32>,
      tpu.vector_store %arg8[%swap3A_248, %swap3A_249], %mul3A_247 {strides = array<i32>} : memref<32x64xf32, #tpu.memory_space<vmem>>, vector<16xf32>,
      %mul3A_251 = arith.mulf %parallel_loop3A_186#3, %mul3A_239 : vector<16xf32>
      %swap3A_252 = arith.index_cast %while3A_27 : i32 to index
      %swap3A_253 = arith.constant 48 : index
      %swap3A_254 = tpu.vector_load %arg8[%swap3A_252, %swap3A_253] {strides = array<i32>} : memref<32x64xf32, #tpu.memory_space<vmem>>, vector<16xf32>,
      tpu.vector_store %arg8[%swap3A_252, %swap3A_253], %mul3A_251 {strides = array<i32>} : memref<32x64xf32, #tpu.memory_space<vmem>>, vector<16xf32>,
    }
    %while3A_26 = arith.constant 1 : i32
    scf.for %while3A_27 = %while3A_24 to %while3A_20 step %while3A_26  : i32 {
      %broadcast_in_dim3A = arith.constant 0.000000e+00 : f32
      %broadcast_in_dim3A_28 = vector.broadcast %broadcast_in_dim3A : f32 to vector<16xf32>
      %broadcast_in_dim3A_29 = arith.constant -65536 : i32
      %broadcast_in_dim3A_30 = vector.broadcast %broadcast_in_dim3A_29 : i32 to vector<16xi32>
      %dma_wait3A = arith.constant 0 : i32
      %dma_wait3A_31 = arith.constant 0 : i32
      %dma_wait3A_32 = tpu.memref_slice %arg3[%dma_wait3A, %dma_wait3A_31] : memref<100000x64xbf16, #tpu.memory_space<hbm>> -> memref<80x64xbf16, #tpu.memory_space<hbm>>
      %dma_wait3A_33 = arith.constant 0 : i32
      %dma_wait3A_34 = arith.constant 0 : i32
      %dma_wait3A_35 = tpu.memref_slice %arg3[%dma_wait3A_33, %dma_wait3A_34] : memref<100000x64xbf16, #tpu.memory_space<hbm>> -> memref<80x64xbf16, #tpu.memory_space<hbm>>
      tpu.wait_dma2 semaphore(%arg9 : memref<!tpu.dma_semaphore, #tpu.memory_space<semaphore_mem>>) src(%dma_wait3A_35 : memref<80x64xbf16, #tpu.memory_space<hbm>>) dst(%arg6 : memref<80x64xbf16, #tpu.memory_space<vmem>>)
      %parallel_loop3A = arith.constant 0 : i32
      %parallel_loop3A_36 = arith.constant 80 : i32
      %parallel_loop3A_37 = arith.constant 1 : i32
      %parallel_loop3A_38:4 = scf.for %parallel_loop3A_255 = %parallel_loop3A to %parallel_loop3A_36 step %parallel_loop3A_37 iter_args(%parallel_loop3A_256 = %broadcast_in_dim3A_28, %parallel_loop3A_257 = %broadcast_in_dim3A_28, %parallel_loop3A_258 = %broadcast_in_dim3A_28, %parallel_loop3A_259 = %broadcast_in_dim3A_28) -> (vector<16xf32>, vector<16xf32>, vector<16xf32>, vector<16xf32>)  : i32 {
        %parallel_loop3A_260 = arith.index_cast %parallel_loop3A_255 : i32 to index
        %parallel_loop3A_261 = arith.constant 0 : index
        %parallel_loop3A_262 = tpu.vector_load %arg6[%parallel_loop3A_260, %parallel_loop3A_261] {strides = array<i32>} : memref<80x64xbf16, #tpu.memory_space<vmem>>, vector<32xbf16>,
        %parallel_loop3A_263 = vector.bitcast %parallel_loop3A_262 : vector<32xbf16> to vector<16xi32>
        %parallel_loop3A_264 = arith.index_cast %parallel_loop3A_255 : i32 to index
        %parallel_loop3A_265 = arith.constant 32 : index
        %parallel_loop3A_266 = tpu.vector_load %arg6[%parallel_loop3A_264, %parallel_loop3A_265] {strides = array<i32>} : memref<80x64xbf16, #tpu.memory_space<vmem>>, vector<32xbf16>,
        %parallel_loop3A_267 = vector.bitcast %parallel_loop3A_266 : vector<32xbf16> to vector<16xi32>
        %parallel_loop3A_268 = arith.constant 16 : i32
        %parallel_loop3A_269 = vector.broadcast %parallel_loop3A_268 : i32 to vector<16xi32>
        %parallel_loop3A_270 = arith.shli %parallel_loop3A_263, %parallel_loop3A_269 : vector<16xi32>
        %parallel_loop3A_271 = vector.bitcast %parallel_loop3A_270 : vector<16xi32> to vector<16xf32>
        %parallel_loop3A_272 = arith.addf %parallel_loop3A_256, %parallel_loop3A_271 : vector<16xf32>
        %parallel_loop3A_273 = arith.andi %parallel_loop3A_263, %broadcast_in_dim3A_30 : vector<16xi32>
        %parallel_loop3A_274 = vector.bitcast %parallel_loop3A_273 : vector<16xi32> to vector<16xf32>
        %parallel_loop3A_275 = arith.addf %parallel_loop3A_257, %parallel_loop3A_274 : vector<16xf32>
        %parallel_loop3A_276 = arith.constant 16 : i32
        %parallel_loop3A_277 = vector.broadcast %parallel_loop3A_276 : i32 to vector<16xi32>
        %parallel_loop3A_278 = arith.shli %parallel_loop3A_267, %parallel_loop3A_277 : vector<16xi32>
        %parallel_loop3A_279 = vector.bitcast %parallel_loop3A_278 : vector<16xi32> to vector<16xf32>
        %parallel_loop3A_280 = arith.addf %parallel_loop3A_258, %parallel_loop3A_279 : vector<16xf32>
        %parallel_loop3A_281 = arith.andi %parallel_loop3A_267, %broadcast_in_dim3A_30 : vector<16xi32>
        %parallel_loop3A_282 = vector.bitcast %parallel_loop3A_281 : vector<16xi32> to vector<16xf32>
        %parallel_loop3A_283 = arith.addf %parallel_loop3A_259, %parallel_loop3A_282 : vector<16xf32>
        scf.yield %parallel_loop3A_272, %parallel_loop3A_275, %parallel_loop3A_280, %parallel_loop3A_283 : vector<16xf32>, vector<16xf32>, vector<16xf32>, vector<16xf32>
      } {sc.loop_unroll_factor = 5 : i64, sc.parallel_access}
      %dma_start3A_39 = arith.constant 2 : i32
      %dma_start3A_40 = arith.constant 0 : i32
      %dma_start3A_41 = tpu.memref_slice %arg5[%while3A_27, %dma_start3A_39, %dma_start3A_40] : memref<32x10x80xi32, #tpu.memory_space<vmem>> -> memref<1x1x80xi32, #tpu.memory_space<vmem>>
      %dma_start3A_42 = tpu.memref_squeeze %dma_start3A_41 : memref<1x1x80xi32, #tpu.memory_space<vmem>> -> memref<80xi32, #tpu.memory_space<vmem>>
      %dma_start3A_43 = arith.constant 0 : i32
      %dma_start3A_44 = arith.constant 0 : i32
      %dma_start3A_45 = tpu.memref_slice %arg3[%dma_start3A_43, %dma_start3A_44] : memref<100000x64xbf16, #tpu.memory_space<hbm>> -> memref<100000x64xbf16, #tpu.memory_space<hbm>>
      tpu.enqueue_indirect_dma source(%dma_start3A_45 : memref<100000x64xbf16, #tpu.memory_space<hbm>>) target(%arg6 : memref<80x64xbf16, #tpu.memory_space<vmem>>) offsets(%dma_start3A_42 : memref<80xi32, #tpu.memory_space<vmem>>) semaphore(%arg9 : memref<!tpu.dma_semaphore, #tpu.memory_space<semaphore_mem>>)
      %dma_wait3A_46 = arith.constant 0 : i32
      %dma_wait3A_47 = arith.constant 0 : i32
      %dma_wait3A_48 = tpu.memref_slice %arg3[%dma_wait3A_46, %dma_wait3A_47] : memref<100000x64xbf16, #tpu.memory_space<hbm>> -> memref<80x64xbf16, #tpu.memory_space<hbm>>
      %dma_wait3A_49 = arith.constant 0 : i32
      %dma_wait3A_50 = arith.constant 0 : i32
      %dma_wait3A_51 = tpu.memref_slice %arg3[%dma_wait3A_49, %dma_wait3A_50] : memref<100000x64xbf16, #tpu.memory_space<hbm>> -> memref<80x64xbf16, #tpu.memory_space<hbm>>
      tpu.wait_dma2 semaphore(%arg10 : memref<!tpu.dma_semaphore, #tpu.memory_space<semaphore_mem>>) src(%dma_wait3A_51 : memref<80x64xbf16, #tpu.memory_space<hbm>>) dst(%arg7 : memref<80x64xbf16, #tpu.memory_space<vmem>>)
      %parallel_loop3A_52 = arith.constant 0 : i32
      %parallel_loop3A_53 = arith.constant 80 : i32
      %parallel_loop3A_54 = arith.constant 1 : i32
      %parallel_loop3A_55:4 = scf.for %parallel_loop3A_255 = %parallel_loop3A_52 to %parallel_loop3A_53 step %parallel_loop3A_54 iter_args(%parallel_loop3A_256 = %parallel_loop3A_38#0, %parallel_loop3A_257 = %parallel_loop3A_38#1, %parallel_loop3A_258 = %parallel_loop3A_38#2, %parallel_loop3A_259 = %parallel_loop3A_38#3) -> (vector<16xf32>, vector<16xf32>, vector<16xf32>, vector<16xf32>)  : i32 {
        %parallel_loop3A_260 = arith.index_cast %parallel_loop3A_255 : i32 to index
        %parallel_loop3A_261 = arith.constant 0 : index
        %parallel_loop3A_262 = tpu.vector_load %arg7[%parallel_loop3A_260, %parallel_loop3A_261] {strides = array<i32>} : memref<80x64xbf16, #tpu.memory_space<vmem>>, vector<32xbf16>,
        %parallel_loop3A_263 = vector.bitcast %parallel_loop3A_262 : vector<32xbf16> to vector<16xi32>
        %parallel_loop3A_264 = arith.index_cast %parallel_loop3A_255 : i32 to index
        %parallel_loop3A_265 = arith.constant 32 : index
        %parallel_loop3A_266 = tpu.vector_load %arg7[%parallel_loop3A_264, %parallel_loop3A_265] {strides = array<i32>} : memref<80x64xbf16, #tpu.memory_space<vmem>>, vector<32xbf16>,
        %parallel_loop3A_267 = vector.bitcast %parallel_loop3A_266 : vector<32xbf16> to vector<16xi32>
        %parallel_loop3A_268 = arith.constant 16 : i32
        %parallel_loop3A_269 = vector.broadcast %parallel_loop3A_268 : i32 to vector<16xi32>
        %parallel_loop3A_270 = arith.shli %parallel_loop3A_263, %parallel_loop3A_269 : vector<16xi32>
        %parallel_loop3A_271 = vector.bitcast %parallel_loop3A_270 : vector<16xi32> to vector<16xf32>
        %parallel_loop3A_272 = arith.addf %parallel_loop3A_256, %parallel_loop3A_271 : vector<16xf32>
        %parallel_loop3A_273 = arith.andi %parallel_loop3A_263, %broadcast_in_dim3A_30 : vector<16xi32>
        %parallel_loop3A_274 = vector.bitcast %parallel_loop3A_273 : vector<16xi32> to vector<16xf32>
        %parallel_loop3A_275 = arith.addf %parallel_loop3A_257, %parallel_loop3A_274 : vector<16xf32>
        %parallel_loop3A_276 = arith.constant 16 : i32
        %parallel_loop3A_277 = vector.broadcast %parallel_loop3A_276 : i32 to vector<16xi32>
        %parallel_loop3A_278 = arith.shli %parallel_loop3A_267, %parallel_loop3A_277 : vector<16xi32>
        %parallel_loop3A_279 = vector.bitcast %parallel_loop3A_278 : vector<16xi32> to vector<16xf32>
        %parallel_loop3A_280 = arith.addf %parallel_loop3A_258, %parallel_loop3A_279 : vector<16xf32>
        %parallel_loop3A_281 = arith.andi %parallel_loop3A_267, %broadcast_in_dim3A_30 : vector<16xi32>
        %parallel_loop3A_282 = vector.bitcast %parallel_loop3A_281 : vector<16xi32> to vector<16xf32>
        %parallel_loop3A_283 = arith.addf %parallel_loop3A_259, %parallel_loop3A_282 : vector<16xf32>
        scf.yield %parallel_loop3A_272, %parallel_loop3A_275, %parallel_loop3A_280, %parallel_loop3A_283 : vector<16xf32>, vector<16xf32>, vector<16xf32>, vector<16xf32>
      } {sc.loop_unroll_factor = 5 : i64, sc.parallel_access}
      %dma_start3A_56 = arith.constant 3 : i32
      %dma_start3A_57 = arith.constant 0 : i32
      %dma_start3A_58 = tpu.memref_slice %arg5[%while3A_27, %dma_start3A_56, %dma_start3A_57] : memref<32x10x80xi32, #tpu.memory_space<vmem>> -> memref<1x1x80xi32, #tpu.memory_space<vmem>>
      %dma_start3A_59 = tpu.memref_squeeze %dma_start3A_58 : memref<1x1x80xi32, #tpu.memory_space<vmem>> -> memref<80xi32, #tpu.memory_space<vmem>>
      %dma_start3A_60 = arith.constant 0 : i32
      %dma_start3A_61 = arith.constant 0 : i32
      %dma_start3A_62 = tpu.memref_slice %arg3[%dma_start3A_60, %dma_start3A_61] : memref<100000x64xbf16, #tpu.memory_space<hbm>> -> memref<100000x64xbf16, #tpu.memory_space<hbm>>
      tpu.enqueue_indirect_dma source(%dma_start3A_62 : memref<100000x64xbf16, #tpu.memory_space<hbm>>) target(%arg7 : memref<80x64xbf16, #tpu.memory_space<vmem>>) offsets(%dma_start3A_59 : memref<80xi32, #tpu.memory_space<vmem>>) semaphore(%arg10 : memref<!tpu.dma_semaphore, #tpu.memory_space<semaphore_mem>>)
      %dma_wait3A_63 = arith.constant 0 : i32
      %dma_wait3A_64 = arith.constant 0 : i32
      %dma_wait3A_65 = tpu.memref_slice %arg3[%dma_wait3A_63, %dma_wait3A_64] : memref<100000x64xbf16, #tpu.memory_space<hbm>> -> memref<80x64xbf16, #tpu.memory_space<hbm>>
      %dma_wait3A_66 = arith.constant 0 : i32
      %dma_wait3A_67 = arith.constant 0 : i32
      %dma_wait3A_68 = tpu.memref_slice %arg3[%dma_wait3A_66, %dma_wait3A_67] : memref<100000x64xbf16, #tpu.memory_space<hbm>> -> memref<80x64xbf16, #tpu.memory_space<hbm>>
      tpu.wait_dma2 semaphore(%arg9 : memref<!tpu.dma_semaphore, #tpu.memory_space<semaphore_mem>>) src(%dma_wait3A_68 : memref<80x64xbf16, #tpu.memory_space<hbm>>) dst(%arg6 : memref<80x64xbf16, #tpu.memory_space<vmem>>)
      %parallel_loop3A_69 = arith.constant 0 : i32
      %parallel_loop3A_70 = arith.constant 80 : i32
      %parallel_loop3A_71 = arith.constant 1 : i32
      %parallel_loop3A_72:4 = scf.for %parallel_loop3A_255 = %parallel_loop3A_69 to %parallel_loop3A_70 step %parallel_loop3A_71 iter_args(%parallel_loop3A_256 = %parallel_loop3A_55#0, %parallel_loop3A_257 = %parallel_loop3A_55#1, %parallel_loop3A_258 = %parallel_loop3A_55#2, %parallel_loop3A_259 = %parallel_loop3A_55#3) -> (vector<16xf32>, vector<16xf32>, vector<16xf32>, vector<16xf32>)  : i32 {
        %parallel_loop3A_260 = arith.index_cast %parallel_loop3A_255 : i32 to index
        %parallel_loop3A_261 = arith.constant 0 : index
        %parallel_loop3A_262 = tpu.vector_load %arg6[%parallel_loop3A_260, %parallel_loop3A_261] {strides = array<i32>} : memref<80x64xbf16, #tpu.memory_space<vmem>>, vector<32xbf16>,
        %parallel_loop3A_263 = vector.bitcast %parallel_loop3A_262 : vector<32xbf16> to vector<16xi32>
        %parallel_loop3A_264 = arith.index_cast %parallel_loop3A_255 : i32 to index
        %parallel_loop3A_265 = arith.constant 32 : index
        %parallel_loop3A_266 = tpu.vector_load %arg6[%parallel_loop3A_264, %parallel_loop3A_265] {strides = array<i32>} : memref<80x64xbf16, #tpu.memory_space<vmem>>, vector<32xbf16>,
        %parallel_loop3A_267 = vector.bitcast %parallel_loop3A_266 : vector<32xbf16> to vector<16xi32>
        %parallel_loop3A_268 = arith.constant 16 : i32
        %parallel_loop3A_269 = vector.broadcast %parallel_loop3A_268 : i32 to vector<16xi32>
        %parallel_loop3A_270 = arith.shli %parallel_loop3A_263, %parallel_loop3A_269 : vector<16xi32>
        %parallel_loop3A_271 = vector.bitcast %parallel_loop3A_270 : vector<16xi32> to vector<16xf32>
        %parallel_loop3A_272 = arith.addf %parallel_loop3A_256, %parallel_loop3A_271 : vector<16xf32>
        %parallel_loop3A_273 = arith.andi %parallel_loop3A_263, %broadcast_in_dim3A_30 : vector<16xi32>
        %parallel_loop3A_274 = vector.bitcast %parallel_loop3A_273 : vector<16xi32> to vector<16xf32>
        %parallel_loop3A_275 = arith.addf %parallel_loop3A_257, %parallel_loop3A_274 : vector<16xf32>
        %parallel_loop3A_276 = arith.constant 16 : i32
        %parallel_loop3A_277 = vector.broadcast %parallel_loop3A_276 : i32 to vector<16xi32>
        %parallel_loop3A_278 = arith.shli %parallel_loop3A_267, %parallel_loop3A_277 : vector<16xi32>
        %parallel_loop3A_279 = vector.bitcast %parallel_loop3A_278 : vector<16xi32> to vector<16xf32>
        %parallel_loop3A_280 = arith.addf %parallel_loop3A_258, %parallel_loop3A_279 : vector<16xf32>
        %parallel_loop3A_281 = arith.andi %parallel_loop3A_267, %broadcast_in_dim3A_30 : vector<16xi32>
        %parallel_loop3A_282 = vector.bitcast %parallel_loop3A_281 : vector<16xi32> to vector<16xf32>
        %parallel_loop3A_283 = arith.addf %parallel_loop3A_259, %parallel_loop3A_282 : vector<16xf32>
        scf.yield %parallel_loop3A_272, %parallel_loop3A_275, %parallel_loop3A_280, %parallel_loop3A_283 : vector<16xf32>, vector<16xf32>, vector<16xf32>, vector<16xf32>
      } {sc.loop_unroll_factor = 5 : i64, sc.parallel_access}
      %dma_start3A_73 = arith.constant 4 : i32
      %dma_start3A_74 = arith.constant 0 : i32
      %dma_start3A_75 = tpu.memref_slice %arg5[%while3A_27, %dma_start3A_73, %dma_start3A_74] : memref<32x10x80xi32, #tpu.memory_space<vmem>> -> memref<1x1x80xi32, #tpu.memory_space<vmem>>
      %dma_start3A_76 = tpu.memref_squeeze %dma_start3A_75 : memref<1x1x80xi32, #tpu.memory_space<vmem>> -> memref<80xi32, #tpu.memory_space<vmem>>
      %dma_start3A_77 = arith.constant 0 : i32
      %dma_start3A_78 = arith.constant 0 : i32
      %dma_start3A_79 = tpu.memref_slice %arg3[%dma_start3A_77, %dma_start3A_78] : memref<100000x64xbf16, #tpu.memory_space<hbm>> -> memref<100000x64xbf16, #tpu.memory_space<hbm>>
      tpu.enqueue_indirect_dma source(%dma_start3A_79 : memref<100000x64xbf16, #tpu.memory_space<hbm>>) target(%arg6 : memref<80x64xbf16, #tpu.memory_space<vmem>>) offsets(%dma_start3A_76 : memref<80xi32, #tpu.memory_space<vmem>>) semaphore(%arg9 : memref<!tpu.dma_semaphore, #tpu.memory_space<semaphore_mem>>)
      %dma_wait3A_80 = arith.constant 0 : i32
      %dma_wait3A_81 = arith.constant 0 : i32
      %dma_wait3A_82 = tpu.memref_slice %arg3[%dma_wait3A_80, %dma_wait3A_81] : memref<100000x64xbf16, #tpu.memory_space<hbm>> -> memref<80x64xbf16, #tpu.memory_space<hbm>>
      %dma_wait3A_83 = arith.constant 0 : i32
      %dma_wait3A_84 = arith.constant 0 : i32
      %dma_wait3A_85 = tpu.memref_slice %arg3[%dma_wait3A_83, %dma_wait3A_84] : memref<100000x64xbf16, #tpu.memory_space<hbm>> -> memref<80x64xbf16, #tpu.memory_space<hbm>>
      tpu.wait_dma2 semaphore(%arg10 : memref<!tpu.dma_semaphore, #tpu.memory_space<semaphore_mem>>) src(%dma_wait3A_85 : memref<80x64xbf16, #tpu.memory_space<hbm>>) dst(%arg7 : memref<80x64xbf16, #tpu.memory_space<vmem>>)
      %parallel_loop3A_86 = arith.constant 0 : i32
      %parallel_loop3A_87 = arith.constant 80 : i32
      %parallel_loop3A_88 = arith.constant 1 : i32
      %parallel_loop3A_89:4 = scf.for %parallel_loop3A_255 = %parallel_loop3A_86 to %parallel_loop3A_87 step %parallel_loop3A_88 iter_args(%parallel_loop3A_256 = %parallel_loop3A_72#0, %parallel_loop3A_257 = %parallel_loop3A_72#1, %parallel_loop3A_258 = %parallel_loop3A_72#2, %parallel_loop3A_259 = %parallel_loop3A_72#3) -> (vector<16xf32>, vector<16xf32>, vector<16xf32>, vector<16xf32>)  : i32 {
        %parallel_loop3A_260 = arith.index_cast %parallel_loop3A_255 : i32 to index
        %parallel_loop3A_261 = arith.constant 0 : index
        %parallel_loop3A_262 = tpu.vector_load %arg7[%parallel_loop3A_260, %parallel_loop3A_261] {strides = array<i32>} : memref<80x64xbf16, #tpu.memory_space<vmem>>, vector<32xbf16>,
        %parallel_loop3A_263 = vector.bitcast %parallel_loop3A_262 : vector<32xbf16> to vector<16xi32>
        %parallel_loop3A_264 = arith.index_cast %parallel_loop3A_255 : i32 to index
        %parallel_loop3A_265 = arith.constant 32 : index
        %parallel_loop3A_266 = tpu.vector_load %arg7[%parallel_loop3A_264, %parallel_loop3A_265] {strides = array<i32>} : memref<80x64xbf16, #tpu.memory_space<vmem>>, vector<32xbf16>,
        %parallel_loop3A_267 = vector.bitcast %parallel_loop3A_266 : vector<32xbf16> to vector<16xi32>
        %parallel_loop3A_268 = arith.constant 16 : i32
        %parallel_loop3A_269 = vector.broadcast %parallel_loop3A_268 : i32 to vector<16xi32>
        %parallel_loop3A_270 = arith.shli %parallel_loop3A_263, %parallel_loop3A_269 : vector<16xi32>
        %parallel_loop3A_271 = vector.bitcast %parallel_loop3A_270 : vector<16xi32> to vector<16xf32>
        %parallel_loop3A_272 = arith.addf %parallel_loop3A_256, %parallel_loop3A_271 : vector<16xf32>
        %parallel_loop3A_273 = arith.andi %parallel_loop3A_263, %broadcast_in_dim3A_30 : vector<16xi32>
        %parallel_loop3A_274 = vector.bitcast %parallel_loop3A_273 : vector<16xi32> to vector<16xf32>
        %parallel_loop3A_275 = arith.addf %parallel_loop3A_257, %parallel_loop3A_274 : vector<16xf32>
        %parallel_loop3A_276 = arith.constant 16 : i32
        %parallel_loop3A_277 = vector.broadcast %parallel_loop3A_276 : i32 to vector<16xi32>
        %parallel_loop3A_278 = arith.shli %parallel_loop3A_267, %parallel_loop3A_277 : vector<16xi32>
        %parallel_loop3A_279 = vector.bitcast %parallel_loop3A_278 : vector<16xi32> to vector<16xf32>
        %parallel_loop3A_280 = arith.addf %parallel_loop3A_258, %parallel_loop3A_279 : vector<16xf32>
        %parallel_loop3A_281 = arith.andi %parallel_loop3A_267, %broadcast_in_dim3A_30 : vector<16xi32>
        %parallel_loop3A_282 = vector.bitcast %parallel_loop3A_281 : vector<16xi32> to vector<16xf32>
        %parallel_loop3A_283 = arith.addf %parallel_loop3A_259, %parallel_loop3A_282 : vector<16xf32>
        scf.yield %parallel_loop3A_272, %parallel_loop3A_275, %parallel_loop3A_280, %parallel_loop3A_283 : vector<16xf32>, vector<16xf32>, vector<16xf32>, vector<16xf32>
      } {sc.loop_unroll_factor = 5 : i64, sc.parallel_access}
      %dma_start3A_90 = arith.constant 5 : i32
      %dma_start3A_91 = arith.constant 0 : i32
      %dma_start3A_92 = tpu.memref_slice %arg5[%while3A_27, %dma_start3A_90, %dma_start3A_91] : memref<32x10x80xi32, #tpu.memory_space<vmem>> -> memref<1x1x80xi32, #tpu.memory_space<vmem>>
      %dma_start3A_93 = tpu.memref_squeeze %dma_start3A_92 : memref<1x1x80xi32, #tpu.memory_space<vmem>> -> memref<80xi32, #tpu.memory_space<vmem>>
      %dma_start3A_94 = arith.constant 0 : i32
      %dma_start3A_95 = arith.constant 0 : i32
      %dma_start3A_96 = tpu.memref_slice %arg3[%dma_start3A_94, %dma_start3A_95] : memref<100000x64xbf16, #tpu.memory_space<hbm>> -> memref<100000x64xbf16, #tpu.memory_space<hbm>>
      tpu.enqueue_indirect_dma source(%dma_start3A_96 : memref<100000x64xbf16, #tpu.memory_space<hbm>>) target(%arg7 : memref<80x64xbf16, #tpu.memory_space<vmem>>) offsets(%dma_start3A_93 : memref<80xi32, #tpu.memory_space<vmem>>) semaphore(%arg10 : memref<!tpu.dma_semaphore, #tpu.memory_space<semaphore_mem>>)
      %dma_wait3A_97 = arith.constant 0 : i32
      %dma_wait3A_98 = arith.constant 0 : i32
      %dma_wait3A_99 = tpu.memref_slice %arg3[%dma_wait3A_97, %dma_wait3A_98] : memref<100000x64xbf16, #tpu.memory_space<hbm>> -> memref<80x64xbf16, #tpu.memory_space<hbm>>
      %dma_wait3A_100 = arith.constant 0 : i32
      %dma_wait3A_101 = arith.constant 0 : i32
      %dma_wait3A_102 = tpu.memref_slice %arg3[%dma_wait3A_100, %dma_wait3A_101] : memref<100000x64xbf16, #tpu.memory_space<hbm>> -> memref<80x64xbf16, #tpu.memory_space<hbm>>
      tpu.wait_dma2 semaphore(%arg9 : memref<!tpu.dma_semaphore, #tpu.memory_space<semaphore_mem>>) src(%dma_wait3A_102 : memref<80x64xbf16, #tpu.memory_space<hbm>>) dst(%arg6 : memref<80x64xbf16, #tpu.memory_space<vmem>>)
      %parallel_loop3A_103 = arith.constant 0 : i32
      %parallel_loop3A_104 = arith.constant 80 : i32
      %parallel_loop3A_105 = arith.constant 1 : i32
      %parallel_loop3A_106:4 = scf.for %parallel_loop3A_255 = %parallel_loop3A_103 to %parallel_loop3A_104 step %parallel_loop3A_105 iter_args(%parallel_loop3A_256 = %parallel_loop3A_89#0, %parallel_loop3A_257 = %parallel_loop3A_89#1, %parallel_loop3A_258 = %parallel_loop3A_89#2, %parallel_loop3A_259 = %parallel_loop3A_89#3) -> (vector<16xf32>, vector<16xf32>, vector<16xf32>, vector<16xf32>)  : i32 {
        %parallel_loop3A_260 = arith.index_cast %parallel_loop3A_255 : i32 to index
        %parallel_loop3A_261 = arith.constant 0 : index
        %parallel_loop3A_262 = tpu.vector_load %arg6[%parallel_loop3A_260, %parallel_loop3A_261] {strides = array<i32>} : memref<80x64xbf16, #tpu.memory_space<vmem>>, vector<32xbf16>,
        %parallel_loop3A_263 = vector.bitcast %parallel_loop3A_262 : vector<32xbf16> to vector<16xi32>
        %parallel_loop3A_264 = arith.index_cast %parallel_loop3A_255 : i32 to index
        %parallel_loop3A_265 = arith.constant 32 : index
        %parallel_loop3A_266 = tpu.vector_load %arg6[%parallel_loop3A_264, %parallel_loop3A_265] {strides = array<i32>} : memref<80x64xbf16, #tpu.memory_space<vmem>>, vector<32xbf16>,
        %parallel_loop3A_267 = vector.bitcast %parallel_loop3A_266 : vector<32xbf16> to vector<16xi32>
        %parallel_loop3A_268 = arith.constant 16 : i32
        %parallel_loop3A_269 = vector.broadcast %parallel_loop3A_268 : i32 to vector<16xi32>
        %parallel_loop3A_270 = arith.shli %parallel_loop3A_263, %parallel_loop3A_269 : vector<16xi32>
        %parallel_loop3A_271 = vector.bitcast %parallel_loop3A_270 : vector<16xi32> to vector<16xf32>
        %parallel_loop3A_272 = arith.addf %parallel_loop3A_256, %parallel_loop3A_271 : vector<16xf32>
        %parallel_loop3A_273 = arith.andi %parallel_loop3A_263, %broadcast_in_dim3A_30 : vector<16xi32>
        %parallel_loop3A_274 = vector.bitcast %parallel_loop3A_273 : vector<16xi32> to vector<16xf32>
        %parallel_loop3A_275 = arith.addf %parallel_loop3A_257, %parallel_loop3A_274 : vector<16xf32>
        %parallel_loop3A_276 = arith.constant 16 : i32
        %parallel_loop3A_277 = vector.broadcast %parallel_loop3A_276 : i32 to vector<16xi32>
        %parallel_loop3A_278 = arith.shli %parallel_loop3A_267, %parallel_loop3A_277 : vector<16xi32>
        %parallel_loop3A_279 = vector.bitcast %parallel_loop3A_278 : vector<16xi32> to vector<16xf32>
        %parallel_loop3A_280 = arith.addf %parallel_loop3A_258, %parallel_loop3A_279 : vector<16xf32>
        %parallel_loop3A_281 = arith.andi %parallel_loop3A_267, %broadcast_in_dim3A_30 : vector<16xi32>
        %parallel_loop3A_282 = vector.bitcast %parallel_loop3A_281 : vector<16xi32> to vector<16xf32>
        %parallel_loop3A_283 = arith.addf %parallel_loop3A_259, %parallel_loop3A_282 : vector<16xf32>
        scf.yield %parallel_loop3A_272, %parallel_loop3A_275, %parallel_loop3A_280, %parallel_loop3A_283 : vector<16xf32>, vector<16xf32>, vector<16xf32>, vector<16xf32>
      } {sc.loop_unroll_factor = 5 : i64, sc.parallel_access}
      %dma_start3A_107 = arith.constant 6 : i32
      %dma_start3A_108 = arith.constant 0 : i32
      %dma_start3A_109 = tpu.memref_slice %arg5[%while3A_27, %dma_start3A_107, %dma_start3A_108] : memref<32x10x80xi32, #tpu.memory_space<vmem>> -> memref<1x1x80xi32, #tpu.memory_space<vmem>>
      %dma_start3A_110 = tpu.memref_squeeze %dma_start3A_109 : memref<1x1x80xi32, #tpu.memory_space<vmem>> -> memref<80xi32, #tpu.memory_space<vmem>>
      %dma_start3A_111 = arith.constant 0 : i32
      %dma_start3A_112 = arith.constant 0 : i32
      %dma_start3A_113 = tpu.memref_slice %arg3[%dma_start3A_111, %dma_start3A_112] : memref<100000x64xbf16, #tpu.memory_space<hbm>> -> memref<100000x64xbf16, #tpu.memory_space<hbm>>
      tpu.enqueue_indirect_dma source(%dma_start3A_113 : memref<100000x64xbf16, #tpu.memory_space<hbm>>) target(%arg6 : memref<80x64xbf16, #tpu.memory_space<vmem>>) offsets(%dma_start3A_110 : memref<80xi32, #tpu.memory_space<vmem>>) semaphore(%arg9 : memref<!tpu.dma_semaphore, #tpu.memory_space<semaphore_mem>>)
      %dma_wait3A_114 = arith.constant 0 : i32
      %dma_wait3A_115 = arith.constant 0 : i32
      %dma_wait3A_116 = tpu.memref_slice %arg3[%dma_wait3A_114, %dma_wait3A_115] : memref<100000x64xbf16, #tpu.memory_space<hbm>> -> memref<80x64xbf16, #tpu.memory_space<hbm>>
      %dma_wait3A_117 = arith.constant 0 : i32
      %dma_wait3A_118 = arith.constant 0 : i32
      %dma_wait3A_119 = tpu.memref_slice %arg3[%dma_wait3A_117, %dma_wait3A_118] : memref<100000x64xbf16, #tpu.memory_space<hbm>> -> memref<80x64xbf16, #tpu.memory_space<hbm>>
      tpu.wait_dma2 semaphore(%arg10 : memref<!tpu.dma_semaphore, #tpu.memory_space<semaphore_mem>>) src(%dma_wait3A_119 : memref<80x64xbf16, #tpu.memory_space<hbm>>) dst(%arg7 : memref<80x64xbf16, #tpu.memory_space<vmem>>)
      %parallel_loop3A_120 = arith.constant 0 : i32
      %parallel_loop3A_121 = arith.constant 80 : i32
      %parallel_loop3A_122 = arith.constant 1 : i32
      %parallel_loop3A_123:4 = scf.for %parallel_loop3A_255 = %parallel_loop3A_120 to %parallel_loop3A_121 step %parallel_loop3A_122 iter_args(%parallel_loop3A_256 = %parallel_loop3A_106#0, %parallel_loop3A_257 = %parallel_loop3A_106#1, %parallel_loop3A_258 = %parallel_loop3A_106#2, %parallel_loop3A_259 = %parallel_loop3A_106#3) -> (vector<16xf32>, vector<16xf32>, vector<16xf32>, vector<16xf32>)  : i32 {
        %parallel_loop3A_260 = arith.index_cast %parallel_loop3A_255 : i32 to index
        %parallel_loop3A_261 = arith.constant 0 : index
        %parallel_loop3A_262 = tpu.vector_load %arg7[%parallel_loop3A_260, %parallel_loop3A_261] {strides = array<i32>} : memref<80x64xbf16, #tpu.memory_space<vmem>>, vector<32xbf16>,
        %parallel_loop3A_263 = vector.bitcast %parallel_loop3A_262 : vector<32xbf16> to vector<16xi32>
        %parallel_loop3A_264 = arith.index_cast %parallel_loop3A_255 : i32 to index
        %parallel_loop3A_265 = arith.constant 32 : index
        %parallel_loop3A_266 = tpu.vector_load %arg7[%parallel_loop3A_264, %parallel_loop3A_265] {strides = array<i32>} : memref<80x64xbf16, #tpu.memory_space<vmem>>, vector<32xbf16>,
        %parallel_loop3A_267 = vector.bitcast %parallel_loop3A_266 : vector<32xbf16> to vector<16xi32>
        %parallel_loop3A_268 = arith.constant 16 : i32
        %parallel_loop3A_269 = vector.broadcast %parallel_loop3A_268 : i32 to vector<16xi32>
        %parallel_loop3A_270 = arith.shli %parallel_loop3A_263, %parallel_loop3A_269 : vector<16xi32>
        %parallel_loop3A_271 = vector.bitcast %parallel_loop3A_270 : vector<16xi32> to vector<16xf32>
        %parallel_loop3A_272 = arith.addf %parallel_loop3A_256, %parallel_loop3A_271 : vector<16xf32>
        %parallel_loop3A_273 = arith.andi %parallel_loop3A_263, %broadcast_in_dim3A_30 : vector<16xi32>
        %parallel_loop3A_274 = vector.bitcast %parallel_loop3A_273 : vector<16xi32> to vector<16xf32>
        %parallel_loop3A_275 = arith.addf %parallel_loop3A_257, %parallel_loop3A_274 : vector<16xf32>
        %parallel_loop3A_276 = arith.constant 16 : i32
        %parallel_loop3A_277 = vector.broadcast %parallel_loop3A_276 : i32 to vector<16xi32>
        %parallel_loop3A_278 = arith.shli %parallel_loop3A_267, %parallel_loop3A_277 : vector<16xi32>
        %parallel_loop3A_279 = vector.bitcast %parallel_loop3A_278 : vector<16xi32> to vector<16xf32>
        %parallel_loop3A_280 = arith.addf %parallel_loop3A_258, %parallel_loop3A_279 : vector<16xf32>
        %parallel_loop3A_281 = arith.andi %parallel_loop3A_267, %broadcast_in_dim3A_30 : vector<16xi32>
        %parallel_loop3A_282 = vector.bitcast %parallel_loop3A_281 : vector<16xi32> to vector<16xf32>
        %parallel_loop3A_283 = arith.addf %parallel_loop3A_259, %parallel_loop3A_282 : vector<16xf32>
        scf.yield %parallel_loop3A_272, %parallel_loop3A_275, %parallel_loop3A_280, %parallel_loop3A_283 : vector<16xf32>, vector<16xf32>, vector<16xf32>, vector<16xf32>
      } {sc.loop_unroll_factor = 5 : i64, sc.parallel_access}
      %dma_start3A_124 = arith.constant 7 : i32
      %dma_start3A_125 = arith.constant 0 : i32
      %dma_start3A_126 = tpu.memref_slice %arg5[%while3A_27, %dma_start3A_124, %dma_start3A_125] : memref<32x10x80xi32, #tpu.memory_space<vmem>> -> memref<1x1x80xi32, #tpu.memory_space<vmem>>
      %dma_start3A_127 = tpu.memref_squeeze %dma_start3A_126 : memref<1x1x80xi32, #tpu.memory_space<vmem>> -> memref<80xi32, #tpu.memory_space<vmem>>
      %dma_start3A_128 = arith.constant 0 : i32
      %dma_start3A_129 = arith.constant 0 : i32
      %dma_start3A_130 = tpu.memref_slice %arg3[%dma_start3A_128, %dma_start3A_129] : memref<100000x64xbf16, #tpu.memory_space<hbm>> -> memref<100000x64xbf16, #tpu.memory_space<hbm>>
      tpu.enqueue_indirect_dma source(%dma_start3A_130 : memref<100000x64xbf16, #tpu.memory_space<hbm>>) target(%arg7 : memref<80x64xbf16, #tpu.memory_space<vmem>>) offsets(%dma_start3A_127 : memref<80xi32, #tpu.memory_space<vmem>>) semaphore(%arg10 : memref<!tpu.dma_semaphore, #tpu.memory_space<semaphore_mem>>)
      %dma_wait3A_131 = arith.constant 0 : i32
      %dma_wait3A_132 = arith.constant 0 : i32
      %dma_wait3A_133 = tpu.memref_slice %arg3[%dma_wait3A_131, %dma_wait3A_132] : memref<100000x64xbf16, #tpu.memory_space<hbm>> -> memref<80x64xbf16, #tpu.memory_space<hbm>>
      %dma_wait3A_134 = arith.constant 0 : i32
      %dma_wait3A_135 = arith.constant 0 : i32
      %dma_wait3A_136 = tpu.memref_slice %arg3[%dma_wait3A_134, %dma_wait3A_135] : memref<100000x64xbf16, #tpu.memory_space<hbm>> -> memref<80x64xbf16, #tpu.memory_space<hbm>>
      tpu.wait_dma2 semaphore(%arg9 : memref<!tpu.dma_semaphore, #tpu.memory_space<semaphore_mem>>) src(%dma_wait3A_136 : memref<80x64xbf16, #tpu.memory_space<hbm>>) dst(%arg6 : memref<80x64xbf16, #tpu.memory_space<vmem>>)
      %parallel_loop3A_137 = arith.constant 0 : i32
      %parallel_loop3A_138 = arith.constant 80 : i32
      %parallel_loop3A_139 = arith.constant 1 : i32
      %parallel_loop3A_140:4 = scf.for %parallel_loop3A_255 = %parallel_loop3A_137 to %parallel_loop3A_138 step %parallel_loop3A_139 iter_args(%parallel_loop3A_256 = %parallel_loop3A_123#0, %parallel_loop3A_257 = %parallel_loop3A_123#1, %parallel_loop3A_258 = %parallel_loop3A_123#2, %parallel_loop3A_259 = %parallel_loop3A_123#3) -> (vector<16xf32>, vector<16xf32>, vector<16xf32>, vector<16xf32>)  : i32 {
        %parallel_loop3A_260 = arith.index_cast %parallel_loop3A_255 : i32 to index
        %parallel_loop3A_261 = arith.constant 0 : index
        %parallel_loop3A_262 = tpu.vector_load %arg6[%parallel_loop3A_260, %parallel_loop3A_261] {strides = array<i32>} : memref<80x64xbf16, #tpu.memory_space<vmem>>, vector<32xbf16>,
        %parallel_loop3A_263 = vector.bitcast %parallel_loop3A_262 : vector<32xbf16> to vector<16xi32>
        %parallel_loop3A_264 = arith.index_cast %parallel_loop3A_255 : i32 to index
        %parallel_loop3A_265 = arith.constant 32 : index
        %parallel_loop3A_266 = tpu.vector_load %arg6[%parallel_loop3A_264, %parallel_loop3A_265] {strides = array<i32>} : memref<80x64xbf16, #tpu.memory_space<vmem>>, vector<32xbf16>,
        %parallel_loop3A_267 = vector.bitcast %parallel_loop3A_266 : vector<32xbf16> to vector<16xi32>
        %parallel_loop3A_268 = arith.constant 16 : i32
        %parallel_loop3A_269 = vector.broadcast %parallel_loop3A_268 : i32 to vector<16xi32>
        %parallel_loop3A_270 = arith.shli %parallel_loop3A_263, %parallel_loop3A_269 : vector<16xi32>
        %parallel_loop3A_271 = vector.bitcast %parallel_loop3A_270 : vector<16xi32> to vector<16xf32>
        %parallel_loop3A_272 = arith.addf %parallel_loop3A_256, %parallel_loop3A_271 : vector<16xf32>
        %parallel_loop3A_273 = arith.andi %parallel_loop3A_263, %broadcast_in_dim3A_30 : vector<16xi32>
        %parallel_loop3A_274 = vector.bitcast %parallel_loop3A_273 : vector<16xi32> to vector<16xf32>
        %parallel_loop3A_275 = arith.addf %parallel_loop3A_257, %parallel_loop3A_274 : vector<16xf32>
        %parallel_loop3A_276 = arith.constant 16 : i32
        %parallel_loop3A_277 = vector.broadcast %parallel_loop3A_276 : i32 to vector<16xi32>
        %parallel_loop3A_278 = arith.shli %parallel_loop3A_267, %parallel_loop3A_277 : vector<16xi32>
        %parallel_loop3A_279 = vector.bitcast %parallel_loop3A_278 : vector<16xi32> to vector<16xf32>
        %parallel_loop3A_280 = arith.addf %parallel_loop3A_258, %parallel_loop3A_279 : vector<16xf32>
        %parallel_loop3A_281 = arith.andi %parallel_loop3A_267, %broadcast_in_dim3A_30 : vector<16xi32>
        %parallel_loop3A_282 = vector.bitcast %parallel_loop3A_281 : vector<16xi32> to vector<16xf32>
        %parallel_loop3A_283 = arith.addf %parallel_loop3A_259, %parallel_loop3A_282 : vector<16xf32>
        scf.yield %parallel_loop3A_272, %parallel_loop3A_275, %parallel_loop3A_280, %parallel_loop3A_283 : vector<16xf32>, vector<16xf32>, vector<16xf32>, vector<16xf32>
      } {sc.loop_unroll_factor = 5 : i64, sc.parallel_access}
      %dma_start3A_141 = arith.constant 8 : i32
      %dma_start3A_142 = arith.constant 0 : i32
      %dma_start3A_143 = tpu.memref_slice %arg5[%while3A_27, %dma_start3A_141, %dma_start3A_142] : memref<32x10x80xi32, #tpu.memory_space<vmem>> -> memref<1x1x80xi32, #tpu.memory_space<vmem>>
      %dma_start3A_144 = tpu.memref_squeeze %dma_start3A_143 : memref<1x1x80xi32, #tpu.memory_space<vmem>> -> memref<80xi32, #tpu.memory_space<vmem>>
      %dma_start3A_145 = arith.constant 0 : i32
      %dma_start3A_146 = arith.constant 0 : i32
      %dma_start3A_147 = tpu.memref_slice %arg3[%dma_start3A_145, %dma_start3A_146] : memref<100000x64xbf16, #tpu.memory_space<hbm>> -> memref<100000x64xbf16, #tpu.memory_space<hbm>>
      tpu.enqueue_indirect_dma source(%dma_start3A_147 : memref<100000x64xbf16, #tpu.memory_space<hbm>>) target(%arg6 : memref<80x64xbf16, #tpu.memory_space<vmem>>) offsets(%dma_start3A_144 : memref<80xi32, #tpu.memory_space<vmem>>) semaphore(%arg9 : memref<!tpu.dma_semaphore, #tpu.memory_space<semaphore_mem>>)
      %dma_wait3A_148 = arith.constant 0 : i32
      %dma_wait3A_149 = arith.constant 0 : i32
      %dma_wait3A_150 = tpu.memref_slice %arg3[%dma_wait3A_148, %dma_wait3A_149] : memref<100000x64xbf16, #tpu.memory_space<hbm>> -> memref<80x64xbf16, #tpu.memory_space<hbm>>
      %dma_wait3A_151 = arith.constant 0 : i32
      %dma_wait3A_152 = arith.constant 0 : i32
      %dma_wait3A_153 = tpu.memref_slice %arg3[%dma_wait3A_151, %dma_wait3A_152] : memref<100000x64xbf16, #tpu.memory_space<hbm>> -> memref<80x64xbf16, #tpu.memory_space<hbm>>
      tpu.wait_dma2 semaphore(%arg10 : memref<!tpu.dma_semaphore, #tpu.memory_space<semaphore_mem>>) src(%dma_wait3A_153 : memref<80x64xbf16, #tpu.memory_space<hbm>>) dst(%arg7 : memref<80x64xbf16, #tpu.memory_space<vmem>>)
      %parallel_loop3A_154 = arith.constant 0 : i32
      %parallel_loop3A_155 = arith.constant 80 : i32
      %parallel_loop3A_156 = arith.constant 1 : i32
      %parallel_loop3A_157:4 = scf.for %parallel_loop3A_255 = %parallel_loop3A_154 to %parallel_loop3A_155 step %parallel_loop3A_156 iter_args(%parallel_loop3A_256 = %parallel_loop3A_140#0, %parallel_loop3A_257 = %parallel_loop3A_140#1, %parallel_loop3A_258 = %parallel_loop3A_140#2, %parallel_loop3A_259 = %parallel_loop3A_140#3) -> (vector<16xf32>, vector<16xf32>, vector<16xf32>, vector<16xf32>)  : i32 {
        %parallel_loop3A_260 = arith.index_cast %parallel_loop3A_255 : i32 to index
        %parallel_loop3A_261 = arith.constant 0 : index
        %parallel_loop3A_262 = tpu.vector_load %arg7[%parallel_loop3A_260, %parallel_loop3A_261] {strides = array<i32>} : memref<80x64xbf16, #tpu.memory_space<vmem>>, vector<32xbf16>,
        %parallel_loop3A_263 = vector.bitcast %parallel_loop3A_262 : vector<32xbf16> to vector<16xi32>
        %parallel_loop3A_264 = arith.index_cast %parallel_loop3A_255 : i32 to index
        %parallel_loop3A_265 = arith.constant 32 : index
        %parallel_loop3A_266 = tpu.vector_load %arg7[%parallel_loop3A_264, %parallel_loop3A_265] {strides = array<i32>} : memref<80x64xbf16, #tpu.memory_space<vmem>>, vector<32xbf16>,
        %parallel_loop3A_267 = vector.bitcast %parallel_loop3A_266 : vector<32xbf16> to vector<16xi32>
        %parallel_loop3A_268 = arith.constant 16 : i32
        %parallel_loop3A_269 = vector.broadcast %parallel_loop3A_268 : i32 to vector<16xi32>
        %parallel_loop3A_270 = arith.shli %parallel_loop3A_263, %parallel_loop3A_269 : vector<16xi32>
        %parallel_loop3A_271 = vector.bitcast %parallel_loop3A_270 : vector<16xi32> to vector<16xf32>
        %parallel_loop3A_272 = arith.addf %parallel_loop3A_256, %parallel_loop3A_271 : vector<16xf32>
        %parallel_loop3A_273 = arith.andi %parallel_loop3A_263, %broadcast_in_dim3A_30 : vector<16xi32>
        %parallel_loop3A_274 = vector.bitcast %parallel_loop3A_273 : vector<16xi32> to vector<16xf32>
        %parallel_loop3A_275 = arith.addf %parallel_loop3A_257, %parallel_loop3A_274 : vector<16xf32>
        %parallel_loop3A_276 = arith.constant 16 : i32
        %parallel_loop3A_277 = vector.broadcast %parallel_loop3A_276 : i32 to vector<16xi32>
        %parallel_loop3A_278 = arith.shli %parallel_loop3A_267, %parallel_loop3A_277 : vector<16xi32>
        %parallel_loop3A_279 = vector.bitcast %parallel_loop3A_278 : vector<16xi32> to vector<16xf32>
        %parallel_loop3A_280 = arith.addf %parallel_loop3A_258, %parallel_loop3A_279 : vector<16xf32>
        %parallel_loop3A_281 = arith.andi %parallel_loop3A_267, %broadcast_in_dim3A_30 : vector<16xi32>
        %parallel_loop3A_282 = vector.bitcast %parallel_loop3A_281 : vector<16xi32> to vector<16xf32>
        %parallel_loop3A_283 = arith.addf %parallel_loop3A_259, %parallel_loop3A_282 : vector<16xf32>
        scf.yield %parallel_loop3A_272, %parallel_loop3A_275, %parallel_loop3A_280, %parallel_loop3A_283 : vector<16xf32>, vector<16xf32>, vector<16xf32>, vector<16xf32>
      } {sc.loop_unroll_factor = 5 : i64, sc.parallel_access}
      %dma_start3A_158 = arith.constant 9 : i32
      %dma_start3A_159 = arith.constant 0 : i32
      %dma_start3A_160 = tpu.memref_slice %arg5[%while3A_27, %dma_start3A_158, %dma_start3A_159] : memref<32x10x80xi32, #tpu.memory_space<vmem>> -> memref<1x1x80xi32, #tpu.memory_space<vmem>>
      %dma_start3A_161 = tpu.memref_squeeze %dma_start3A_160 : memref<1x1x80xi32, #tpu.memory_space<vmem>> -> memref<80xi32, #tpu.memory_space<vmem>>
      %dma_start3A_162 = arith.constant 0 : i32
      %dma_start3A_163 = arith.constant 0 : i32
      %dma_start3A_164 = tpu.memref_slice %arg3[%dma_start3A_162, %dma_start3A_163] : memref<100000x64xbf16, #tpu.memory_space<hbm>> -> memref<100000x64xbf16, #tpu.memory_space<hbm>>
      tpu.enqueue_indirect_dma source(%dma_start3A_164 : memref<100000x64xbf16, #tpu.memory_space<hbm>>) target(%arg7 : memref<80x64xbf16, #tpu.memory_space<vmem>>) offsets(%dma_start3A_161 : memref<80xi32, #tpu.memory_space<vmem>>) semaphore(%arg10 : memref<!tpu.dma_semaphore, #tpu.memory_space<semaphore_mem>>)
      %dma_wait3A_165 = arith.constant 0 : i32
      %dma_wait3A_166 = arith.constant 0 : i32
      %dma_wait3A_167 = tpu.memref_slice %arg3[%dma_wait3A_165, %dma_wait3A_166] : memref<100000x64xbf16, #tpu.memory_space<hbm>> -> memref<80x64xbf16, #tpu.memory_space<hbm>>
      %dma_wait3A_168 = arith.constant 0 : i32
      %dma_wait3A_169 = arith.constant 0 : i32
      %dma_wait3A_170 = tpu.memref_slice %arg3[%dma_wait3A_168, %dma_wait3A_169] : memref<100000x64xbf16, #tpu.memory_space<hbm>> -> memref<80x64xbf16, #tpu.memory_space<hbm>>
      tpu.wait_dma2 semaphore(%arg9 : memref<!tpu.dma_semaphore, #tpu.memory_space<semaphore_mem>>) src(%dma_wait3A_170 : memref<80x64xbf16, #tpu.memory_space<hbm>>) dst(%arg6 : memref<80x64xbf16, #tpu.memory_space<vmem>>)
      %parallel_loop3A_171 = arith.constant 0 : i32
      %parallel_loop3A_172 = arith.constant 80 : i32
      %parallel_loop3A_173 = arith.constant 1 : i32
      %parallel_loop3A_174:4 = scf.for %parallel_loop3A_255 = %parallel_loop3A_171 to %parallel_loop3A_172 step %parallel_loop3A_173 iter_args(%parallel_loop3A_256 = %parallel_loop3A_157#0, %parallel_loop3A_257 = %parallel_loop3A_157#1, %parallel_loop3A_258 = %parallel_loop3A_157#2, %parallel_loop3A_259 = %parallel_loop3A_157#3) -> (vector<16xf32>, vector<16xf32>, vector<16xf32>, vector<16xf32>)  : i32 {
        %parallel_loop3A_260 = arith.index_cast %parallel_loop3A_255 : i32 to index
        %parallel_loop3A_261 = arith.constant 0 : index
        %parallel_loop3A_262 = tpu.vector_load %arg6[%parallel_loop3A_260, %parallel_loop3A_261] {strides = array<i32>} : memref<80x64xbf16, #tpu.memory_space<vmem>>, vector<32xbf16>,
        %parallel_loop3A_263 = vector.bitcast %parallel_loop3A_262 : vector<32xbf16> to vector<16xi32>
        %parallel_loop3A_264 = arith.index_cast %parallel_loop3A_255 : i32 to index
        %parallel_loop3A_265 = arith.constant 32 : index
        %parallel_loop3A_266 = tpu.vector_load %arg6[%parallel_loop3A_264, %parallel_loop3A_265] {strides = array<i32>} : memref<80x64xbf16, #tpu.memory_space<vmem>>, vector<32xbf16>,
        %parallel_loop3A_267 = vector.bitcast %parallel_loop3A_266 : vector<32xbf16> to vector<16xi32>
        %parallel_loop3A_268 = arith.constant 16 : i32
        %parallel_loop3A_269 = vector.broadcast %parallel_loop3A_268 : i32 to vector<16xi32>
        %parallel_loop3A_270 = arith.shli %parallel_loop3A_263, %parallel_loop3A_269 : vector<16xi32>
        %parallel_loop3A_271 = vector.bitcast %parallel_loop3A_270 : vector<16xi32> to vector<16xf32>
        %parallel_loop3A_272 = arith.addf %parallel_loop3A_256, %parallel_loop3A_271 : vector<16xf32>
        %parallel_loop3A_273 = arith.andi %parallel_loop3A_263, %broadcast_in_dim3A_30 : vector<16xi32>
        %parallel_loop3A_274 = vector.bitcast %parallel_loop3A_273 : vector<16xi32> to vector<16xf32>
        %parallel_loop3A_275 = arith.addf %parallel_loop3A_257, %parallel_loop3A_274 : vector<16xf32>
        %parallel_loop3A_276 = arith.constant 16 : i32
        %parallel_loop3A_277 = vector.broadcast %parallel_loop3A_276 : i32 to vector<16xi32>
        %parallel_loop3A_278 = arith.shli %parallel_loop3A_267, %parallel_loop3A_277 : vector<16xi32>
        %parallel_loop3A_279 = vector.bitcast %parallel_loop3A_278 : vector<16xi32> to vector<16xf32>
        %parallel_loop3A_280 = arith.addf %parallel_loop3A_258, %parallel_loop3A_279 : vector<16xf32>
        %parallel_loop3A_281 = arith.andi %parallel_loop3A_267, %broadcast_in_dim3A_30 : vector<16xi32>
        %parallel_loop3A_282 = vector.bitcast %parallel_loop3A_281 : vector<16xi32> to vector<16xf32>
        %parallel_loop3A_283 = arith.addf %parallel_loop3A_259, %parallel_loop3A_282 : vector<16xf32>
        scf.yield %parallel_loop3A_272, %parallel_loop3A_275, %parallel_loop3A_280, %parallel_loop3A_283 : vector<16xf32>, vector<16xf32>, vector<16xf32>, vector<16xf32>
      } {sc.loop_unroll_factor = 5 : i64, sc.parallel_access}
      %lt3A = arith.constant 31 : i32
      %lt3A_175 = arith.cmpi slt, %while3A_27, %lt3A : i32
      %convert_element_type3A = arith.extui %lt3A_175 : i1 to i32
      %cond3A = arith.constant 0 : i32
      %cond3A_176 = arith.cmpi ne, %convert_element_type3A, %cond3A : i32
      scf.if %cond3A_176 {
        %add3A_255 = arith.constant 1 : i32
        %add3A_256 = arith.addi %while3A_27, %add3A_255 : i32
        %dma_start3A_257 = arith.constant 0 : i32
        %dma_start3A_258 = arith.constant 0 : i32
        %dma_start3A_259 = tpu.memref_slice %arg5[%add3A_256, %dma_start3A_257, %dma_start3A_258] : memref<32x10x80xi32, #tpu.memory_space<vmem>> -> memref<1x1x80xi32, #tpu.memory_space<vmem>>
        %dma_start3A_260 = tpu.memref_squeeze %dma_start3A_259 : memref<1x1x80xi32, #tpu.memory_space<vmem>> -> memref<80xi32, #tpu.memory_space<vmem>>
        %dma_start3A_261 = arith.constant 0 : i32
        %dma_start3A_262 = arith.constant 0 : i32
        %dma_start3A_263 = tpu.memref_slice %arg3[%dma_start3A_261, %dma_start3A_262] : memref<100000x64xbf16, #tpu.memory_space<hbm>> -> memref<100000x64xbf16, #tpu.memory_space<hbm>>
        tpu.enqueue_indirect_dma source(%dma_start3A_263 : memref<100000x64xbf16, #tpu.memory_space<hbm>>) target(%arg6 : memref<80x64xbf16, #tpu.memory_space<vmem>>) offsets(%dma_start3A_260 : memref<80xi32, #tpu.memory_space<vmem>>) semaphore(%arg9 : memref<!tpu.dma_semaphore, #tpu.memory_space<semaphore_mem>>)
      } else {
      }
      %dma_wait3A_177 = arith.constant 0 : i32
      %dma_wait3A_178 = arith.constant 0 : i32
      %dma_wait3A_179 = tpu.memref_slice %arg3[%dma_wait3A_177, %dma_wait3A_178] : memref<100000x64xbf16, #tpu.memory_space<hbm>> -> memref<80x64xbf16, #tpu.memory_space<hbm>>
      %dma_wait3A_180 = arith.constant 0 : i32
      %dma_wait3A_181 = arith.constant 0 : i32
      %dma_wait3A_182 = tpu.memref_slice %arg3[%dma_wait3A_180, %dma_wait3A_181] : memref<100000x64xbf16, #tpu.memory_space<hbm>> -> memref<80x64xbf16, #tpu.memory_space<hbm>>
      tpu.wait_dma2 semaphore(%arg10 : memref<!tpu.dma_semaphore, #tpu.memory_space<semaphore_mem>>) src(%dma_wait3A_182 : memref<80x64xbf16, #tpu.memory_space<hbm>>) dst(%arg7 : memref<80x64xbf16, #tpu.memory_space<vmem>>)
      %parallel_loop3A_183 = arith.constant 0 : i32
      %parallel_loop3A_184 = arith.constant 70 : i32
      %parallel_loop3A_185 = arith.constant 1 : i32
      %parallel_loop3A_186:4 = scf.for %parallel_loop3A_255 = %parallel_loop3A_183 to %parallel_loop3A_184 step %parallel_loop3A_185 iter_args(%parallel_loop3A_256 = %parallel_loop3A_174#0, %parallel_loop3A_257 = %parallel_loop3A_174#1, %parallel_loop3A_258 = %parallel_loop3A_174#2, %parallel_loop3A_259 = %parallel_loop3A_174#3) -> (vector<16xf32>, vector<16xf32>, vector<16xf32>, vector<16xf32>)  : i32 {
        %parallel_loop3A_260 = arith.index_cast %parallel_loop3A_255 : i32 to index
        %parallel_loop3A_261 = arith.constant 0 : index
        %parallel_loop3A_262 = tpu.vector_load %arg7[%parallel_loop3A_260, %parallel_loop3A_261] {strides = array<i32>} : memref<80x64xbf16, #tpu.memory_space<vmem>>, vector<32xbf16>,
        %parallel_loop3A_263 = vector.bitcast %parallel_loop3A_262 : vector<32xbf16> to vector<16xi32>
        %parallel_loop3A_264 = arith.index_cast %parallel_loop3A_255 : i32 to index
        %parallel_loop3A_265 = arith.constant 32 : index
        %parallel_loop3A_266 = tpu.vector_load %arg7[%parallel_loop3A_264, %parallel_loop3A_265] {strides = array<i32>} : memref<80x64xbf16, #tpu.memory_space<vmem>>, vector<32xbf16>,
        %parallel_loop3A_267 = vector.bitcast %parallel_loop3A_266 : vector<32xbf16> to vector<16xi32>
        %parallel_loop3A_268 = arith.constant 16 : i32
        %parallel_loop3A_269 = vector.broadcast %parallel_loop3A_268 : i32 to vector<16xi32>
        %parallel_loop3A_270 = arith.shli %parallel_loop3A_263, %parallel_loop3A_269 : vector<16xi32>
        %parallel_loop3A_271 = vector.bitcast %parallel_loop3A_270 : vector<16xi32> to vector<16xf32>
        %parallel_loop3A_272 = arith.addf %parallel_loop3A_256, %parallel_loop3A_271 : vector<16xf32>
        %parallel_loop3A_273 = arith.andi %parallel_loop3A_263, %broadcast_in_dim3A_30 : vector<16xi32>
        %parallel_loop3A_274 = vector.bitcast %parallel_loop3A_273 : vector<16xi32> to vector<16xf32>
        %parallel_loop3A_275 = arith.addf %parallel_loop3A_257, %parallel_loop3A_274 : vector<16xf32>
        %parallel_loop3A_276 = arith.constant 16 : i32
        %parallel_loop3A_277 = vector.broadcast %parallel_loop3A_276 : i32 to vector<16xi32>
        %parallel_loop3A_278 = arith.shli %parallel_loop3A_267, %parallel_loop3A_277 : vector<16xi32>
        %parallel_loop3A_279 = vector.bitcast %parallel_loop3A_278 : vector<16xi32> to vector<16xf32>
        %parallel_loop3A_280 = arith.addf %parallel_loop3A_258, %parallel_loop3A_279 : vector<16xf32>
        %parallel_loop3A_281 = arith.andi %parallel_loop3A_267, %broadcast_in_dim3A_30 : vector<16xi32>
        %parallel_loop3A_282 = vector.bitcast %parallel_loop3A_281 : vector<16xi32> to vector<16xf32>
        %parallel_loop3A_283 = arith.addf %parallel_loop3A_259, %parallel_loop3A_282 : vector<16xf32>
        scf.yield %parallel_loop3A_272, %parallel_loop3A_275, %parallel_loop3A_280, %parallel_loop3A_283 : vector<16xf32>, vector<16xf32>, vector<16xf32>, vector<16xf32>
      } {sc.loop_unroll_factor = 5 : i64, sc.parallel_access}
      %lt3A_187 = arith.constant 31 : i32
      %lt3A_188 = arith.cmpi slt, %while3A_27, %lt3A_187 : i32
      %convert_element_type3A_189 = arith.extui %lt3A_188 : i1 to i32
      %cond3A_190 = arith.constant 0 : i32
      %cond3A_191 = arith.cmpi ne, %convert_element_type3A_189, %cond3A_190 : i32
      scf.if %cond3A_191 {
        %add3A_255 = arith.constant 1 : i32
        %add3A_256 = arith.addi %while3A_27, %add3A_255 : i32
        %dma_start3A_257 = arith.constant 1 : i32
        %dma_start3A_258 = arith.constant 0 : i32
        %dma_start3A_259 = tpu.memref_slice %arg5[%add3A_256, %dma_start3A_257, %dma_start3A_258] : memref<32x10x80xi32, #tpu.memory_space<vmem>> -> memref<1x1x80xi32, #tpu.memory_space<vmem>>
        %dma_start3A_260 = tpu.memref_squeeze %dma_start3A_259 : memref<1x1x80xi32, #tpu.memory_space<vmem>> -> memref<80xi32, #tpu.memory_space<vmem>>
        %dma_start3A_261 = arith.constant 0 : i32
        %dma_start3A_262 = arith.constant 0 : i32
        %dma_start3A_263 = tpu.memref_slice %arg3[%dma_start3A_261, %dma_start3A_262] : memref<100000x64xbf16, #tpu.memory_space<hbm>> -> memref<100000x64xbf16, #tpu.memory_space<hbm>>
        tpu.enqueue_indirect_dma source(%dma_start3A_263 : memref<100000x64xbf16, #tpu.memory_space<hbm>>) target(%arg7 : memref<80x64xbf16, #tpu.memory_space<vmem>>) offsets(%dma_start3A_260 : memref<80xi32, #tpu.memory_space<vmem>>) semaphore(%arg10 : memref<!tpu.dma_semaphore, #tpu.memory_space<semaphore_mem>>)
      } else {
      }
      %mul3A_192 = arith.mulf %parallel_loop3A_186#0, %parallel_loop3A_186#0 : vector<16xf32>
      %mul3A_193 = arith.mulf %parallel_loop3A_186#1, %parallel_loop3A_186#1 : vector<16xf32>
      %add3A_194 = arith.addf %mul3A_192, %mul3A_193 : vector<16xf32>
      %mul3A_195 = arith.mulf %parallel_loop3A_186#2, %parallel_loop3A_186#2 : vector<16xf32>
      %add3A_196 = arith.addf %add3A_194, %mul3A_195 : vector<16xf32>
      %mul3A_197 = arith.mulf %parallel_loop3A_186#3, %parallel_loop3A_186#3 : vector<16xf32>
      %add3A_198 = arith.addf %add3A_196, %mul3A_197 : vector<16xf32>
      %reduce_sum3A = arith.constant true
      %reduce_sum3A_199 = vector.broadcast %reduce_sum3A : i1 to vector<16xi1>
      %reduce_sum3A_200 = tpu.scan <sum>, %add3A_198 masked %reduce_sum3A_199 : vector<16xf32>, vector<16xi1> -> vector<16xf32>
      %reduce_sum3A_201 = vector.extract %reduce_sum3A_200[15] : f32 from vector<16xf32>
      %broadcast_in_dim3A_202 = arith.constant 0.000000e+00 : f32
      %broadcast_in_dim3A_203 = vector.broadcast %broadcast_in_dim3A_202 : f32 to vector<16xf32>
      %add3A_204 = vector.broadcast %reduce_sum3A_201 : f32 to vector<16xf32>
      %add3A_205 = arith.addf %broadcast_in_dim3A_203, %add3A_204 : vector<16xf32>
      %max3A = arith.constant 6.241000e-19 : f32
      %max3A_206 = vector.broadcast %max3A : f32 to vector<16xf32>
      %max3A_207 = arith.maximumf %add3A_205, %max3A_206 : vector<16xf32>
      %bitcast3A = vector.bitcast %max3A_207 : vector<16xf32> to vector<16xi32>
      %shift_right_arithmetic3A = arith.constant 1 : i32
      %shift_right_arithmetic3A_208 = vector.broadcast %shift_right_arithmetic3A : i32 to vector<16xi32>
      %shift_right_arithmetic3A_209 = arith.shrsi %bitcast3A, %shift_right_arithmetic3A_208 : vector<16xi32>
      %sub3A = arith.constant 1597463007 : i32
      %sub3A_210 = vector.broadcast %sub3A : i32 to vector<16xi32>
      %sub3A_211 = arith.subi %sub3A_210, %shift_right_arithmetic3A_209 : vector<16xi32>
      %bitcast3A_212 = vector.bitcast %sub3A_211 : vector<16xi32> to vector<16xf32>
      %mul3A_213 = arith.constant 5.000000e-01 : f32
      %mul3A_214 = vector.broadcast %mul3A_213 : f32 to vector<16xf32>
      %mul3A_215 = arith.mulf %mul3A_214, %max3A_207 : vector<16xf32>
      %mul3A_216 = arith.mulf %mul3A_215, %bitcast3A_212 : vector<16xf32>
      %mul3A_217 = arith.mulf %mul3A_216, %bitcast3A_212 : vector<16xf32>
      %sub3A_218 = arith.constant 1.500000e+00 : f32
      %sub3A_219 = vector.broadcast %sub3A_218 : f32 to vector<16xf32>
      %sub3A_220 = arith.subf %sub3A_219, %mul3A_217 : vector<16xf32>
      %mul3A_221 = arith.mulf %bitcast3A_212, %sub3A_220 : vector<16xf32>
      %mul3A_222 = arith.constant 5.000000e-01 : f32
      %mul3A_223 = vector.broadcast %mul3A_222 : f32 to vector<16xf32>
      %mul3A_224 = arith.mulf %mul3A_223, %max3A_207 : vector<16xf32>
      %mul3A_225 = arith.mulf %mul3A_224, %mul3A_221 : vector<16xf32>
      %mul3A_226 = arith.mulf %mul3A_225, %mul3A_221 : vector<16xf32>
      %sub3A_227 = arith.constant 1.500000e+00 : f32
      %sub3A_228 = vector.broadcast %sub3A_227 : f32 to vector<16xf32>
      %sub3A_229 = arith.subf %sub3A_228, %mul3A_226 : vector<16xf32>
      %mul3A_230 = arith.mulf %mul3A_221, %sub3A_229 : vector<16xf32>
      %mul3A_231 = arith.constant 5.000000e-01 : f32
      %mul3A_232 = vector.broadcast %mul3A_231 : f32 to vector<16xf32>
      %mul3A_233 = arith.mulf %mul3A_232, %max3A_207 : vector<16xf32>
      %mul3A_234 = arith.mulf %mul3A_233, %mul3A_230 : vector<16xf32>
      %mul3A_235 = arith.mulf %mul3A_234, %mul3A_230 : vector<16xf32>
      %sub3A_236 = arith.constant 1.500000e+00 : f32
      %sub3A_237 = vector.broadcast %sub3A_236 : f32 to vector<16xf32>
      %sub3A_238 = arith.subf %sub3A_237, %mul3A_235 : vector<16xf32>
      %mul3A_239 = arith.mulf %mul3A_230, %sub3A_238 : vector<16xf32>
      %mul3A_240 = arith.mulf %parallel_loop3A_186#0, %mul3A_239 : vector<16xf32>
      %swap3A = arith.index_cast %while3A_27 : i32 to index
      %swap3A_241 = arith.constant 0 : index
      %swap3A_242 = tpu.vector_load %arg8[%swap3A, %swap3A_241] {strides = array<i32>} : memref<32x64xf32, #tpu.memory_space<vmem>>, vector<16xf32>,
      tpu.vector_store %arg8[%swap3A, %swap3A_241], %mul3A_240 {strides = array<i32>} : memref<32x64xf32, #tpu.memory_space<vmem>>, vector<16xf32>,
      %mul3A_243 = arith.mulf %parallel_loop3A_186#1, %mul3A_239 : vector<16xf32>
      %swap3A_244 = arith.index_cast %while3A_27 : i32 to index
      %swap3A_245 = arith.constant 16 : index
      %swap3A_246 = tpu.vector_load %arg8[%swap3A_244, %swap3A_245] {strides = array<i32>} : memref<32x64xf32, #tpu.memory_space<vmem>>, vector<16xf32>,
      tpu.vector_store %arg8[%swap3A_244, %swap3A_245], %mul3A_243 {strides = array<i32>} : memref<32x64xf32, #tpu.memory_space<vmem>>, vector<16xf32>,
      %mul3A_247 = arith.mulf %parallel_loop3A_186#2, %mul3A_239 : vector<16xf32>
      %swap3A_248 = arith.index_cast %while3A_27 : i32 to index
      %swap3A_249 = arith.constant 32 : index
      %swap3A_250 = tpu.vector_load %arg8[%swap3A_248, %swap3A_249] {strides = array<i32>} : memref<32x64xf32, #tpu.memory_space<vmem>>, vector<16xf32>,
      tpu.vector_store %arg8[%swap3A_248, %swap3A_249], %mul3A_247 {strides = array<i32>} : memref<32x64xf32, #tpu.memory_space<vmem>>, vector<16xf32>,
      %mul3A_251 = arith.mulf %parallel_loop3A_186#3, %mul3A_239 : vector<16xf32>
      %swap3A_252 = arith.index_cast %while3A_27 : i32 to index
      %swap3A_253 = arith.constant 48 : index
      %swap3A_254 = tpu.vector_load %arg8[%swap3A_252, %swap3A_253] {strides = array<i32>} : memref<32x64xf32, #tpu.memory_space<vmem>>, vector<16xf32>,
      tpu.vector_store %arg8[%swap3A_252, %swap3A_253], %mul3A_251 {strides = array<i32>} : memref<32x64xf32, #tpu.memory_space<vmem>>, vector<16xf32>,
    }
    "tpu.region"() ({
      %run_scoped3A = tpu.sem_alloc : memref<!tpu.dma_semaphore, #tpu.memory_space<semaphore_mem>>
      %dma_start3A_27 = arith.constant 0 : i32
      %dma_start3A_28 = tpu.memref_slice %arg4[%mul3A_2, %dma_start3A_27] : memref<1024x64xf32, #tpu.memory_space<hbm>> -> memref<32x64xf32, #tpu.memory_space<hbm>>
      %dma_start3A_29 = arith.constant 0 : i32
      %dma_start3A_30 = tpu.memref_slice %arg4[%mul3A_2, %dma_start3A_29] : memref<1024x64xf32, #tpu.memory_space<hbm>> -> memref<32x64xf32, #tpu.memory_space<hbm>>
      tpu.enqueue_dma source(%arg8 : memref<32x64xf32, #tpu.memory_space<vmem>>) target(%dma_start3A_30 : memref<32x64xf32, #tpu.memory_space<hbm>>) target_semaphore(%run_scoped3A : memref<!tpu.dma_semaphore, #tpu.memory_space<semaphore_mem>>)
      %dma_wait3A = arith.constant 0 : i32
      %dma_wait3A_31 = tpu.memref_slice %arg4[%mul3A_2, %dma_wait3A] : memref<1024x64xf32, #tpu.memory_space<hbm>> -> memref<32x64xf32, #tpu.memory_space<hbm>>
      %dma_wait3A_32 = arith.constant 0 : i32
      %dma_wait3A_33 = tpu.memref_slice %arg4[%mul3A_2, %dma_wait3A_32] : memref<1024x64xf32, #tpu.memory_space<hbm>> -> memref<32x64xf32, #tpu.memory_space<hbm>>
      tpu.wait_dma2 semaphore(%run_scoped3A : memref<!tpu.dma_semaphore, #tpu.memory_space<semaphore_mem>>) src(%arg8 : memref<32x64xf32, #tpu.memory_space<vmem>>) dst(%dma_wait3A_33 : memref<32x64xf32, #tpu.memory_space<hbm>>)
      tpu.yield
    }) : () -> ()
    return
  }
}

module attributes {stable_mosaic.version = 14 : i64} {
  func.func @_ids_body(%arg0: memref<1024x200xi32, #tpu.memory_space<vmem>>, %arg1: memref<1024x10x80xi32, #tpu.memory_space<vmem>>) attributes {dimension_semantics = [], scalar_prefetch = 0 : i64, scratch_operands = 0 : i64, tpu.core_type = #tpu.core_type<tc>} {
    %get3A = arith.constant 0 : index
    %get3A_0 = arith.constant 0 : index
    %get3A_1 = vector.load %arg0[%get3A, %get3A_0] : memref<1024x200xi32, #tpu.memory_space<vmem>>, vector<1024x200xi32>
    %add3A = arith.constant 1 : i32
    %add3A_2 = vector.broadcast %add3A : i32 to vector<1024x200xi32>
    %add3A_3 = arith.addi %get3A_1, %add3A_2 : vector<1024x200xi32>
    %slice3A = vector.extract_strided_slice %add3A_3 {offsets = [0, 0], sizes = [1024, 199], strides = [1, 1]} : vector<1024x200xi32> to vector<1024x199xi32>
    %mul3A = arith.constant 257 : i32
    %mul3A_4 = vector.broadcast %mul3A : i32 to vector<1024x199xi32>
    %mul3A_5 = arith.muli %slice3A, %mul3A_4 : vector<1024x199xi32>
    %slice3A_6 = vector.extract_strided_slice %add3A_3 {offsets = [0, 1], sizes = [1024, 199], strides = [1, 1]} : vector<1024x200xi32> to vector<1024x199xi32>
    %add3A_7 = arith.addi %mul3A_5, %slice3A_6 : vector<1024x199xi32>
    %slice3A_8 = vector.extract_strided_slice %add3A_7 {offsets = [0, 0], sizes = [1024, 198], strides = [1, 1]} : vector<1024x199xi32> to vector<1024x198xi32>
    %mul3A_9 = arith.constant 257 : i32
    %mul3A_10 = vector.broadcast %mul3A_9 : i32 to vector<1024x198xi32>
    %mul3A_11 = arith.muli %slice3A_8, %mul3A_10 : vector<1024x198xi32>
    %slice3A_12 = vector.extract_strided_slice %add3A_3 {offsets = [0, 2], sizes = [1024, 198], strides = [1, 1]} : vector<1024x200xi32> to vector<1024x198xi32>
    %add3A_13 = arith.addi %mul3A_11, %slice3A_12 : vector<1024x198xi32>
    %jit3A = arith.constant 100000 : i64
    %convert_element_type3A = arith.trunci %jit3A : i64 to i32
    %eq3A = arith.constant 0 : i32
    %eq3A_14 = arith.cmpi eq, %convert_element_type3A, %eq3A : i32
    %jit3A_15 = arith.constant 1 : i32
    %select_n3A = arith.select %eq3A_14, %jit3A_15, %convert_element_type3A : i32
    %rem3A = vector.broadcast %select_n3A : i32 to vector<1024x198xi32>
    %rem3A_16 = arith.remsi %add3A_13, %rem3A : vector<1024x198xi32>
    %ne3A = arith.constant 0 : i32
    %ne3A_17 = vector.broadcast %ne3A : i32 to vector<1024x198xi32>
    %ne3A_18 = arith.cmpi ne, %rem3A_16, %ne3A_17 : vector<1024x198xi32>
    %lt3A = arith.constant 0 : i32
    %lt3A_19 = vector.broadcast %lt3A : i32 to vector<1024x198xi32>
    %lt3A_20 = arith.cmpi slt, %rem3A_16, %lt3A_19 : vector<1024x198xi32>
    %lt3A_21 = arith.constant 0 : i32
    %lt3A_22 = arith.cmpi slt, %select_n3A, %lt3A_21 : i32
    %ne3A_23 = vector.broadcast %lt3A_22 : i1 to vector<1024x198xi1>
    %ne3A_24 = vector.broadcast %ne3A_23 : vector<1024x198xi1> to vector<1024x198xi1>
    %ne3A_25 = arith.xori %lt3A_20, %ne3A_24 : vector<1024x198xi1>
    %and3A = arith.andi %ne3A_25, %ne3A_18 : vector<1024x198xi1>
    %add3A_26 = vector.broadcast %select_n3A : i32 to vector<1024x198xi32>
    %add3A_27 = arith.addi %rem3A_16, %add3A_26 : vector<1024x198xi32>
    %select_n3A_28 = arith.select %and3A, %add3A_27, %rem3A_16 : vector<1024x198xi1>, vector<1024x198xi32>
    %slice3A_29 = vector.extract_strided_slice %select_n3A_28 {offsets = [0, 0], sizes = [1024, 197], strides = [1, 1]} : vector<1024x198xi32> to vector<1024x197xi32>
    %mul3A_30 = arith.constant 257 : i32
    %mul3A_31 = vector.broadcast %mul3A_30 : i32 to vector<1024x197xi32>
    %mul3A_32 = arith.muli %slice3A_29, %mul3A_31 : vector<1024x197xi32>
    %slice3A_33 = vector.extract_strided_slice %add3A_3 {offsets = [0, 3], sizes = [1024, 197], strides = [1, 1]} : vector<1024x200xi32> to vector<1024x197xi32>
    %add3A_34 = arith.addi %mul3A_32, %slice3A_33 : vector<1024x197xi32>
    %jit3A_35 = arith.constant 100000 : i64
    %convert_element_type3A_36 = arith.trunci %jit3A_35 : i64 to i32
    %eq3A_37 = arith.constant 0 : i32
    %eq3A_38 = arith.cmpi eq, %convert_element_type3A_36, %eq3A_37 : i32
    %jit3A_39 = arith.constant 1 : i32
    %select_n3A_40 = arith.select %eq3A_38, %jit3A_39, %convert_element_type3A_36 : i32
    %rem3A_41 = vector.broadcast %select_n3A_40 : i32 to vector<1024x197xi32>
    %rem3A_42 = arith.remsi %add3A_34, %rem3A_41 : vector<1024x197xi32>
    %ne3A_43 = arith.constant 0 : i32
    %ne3A_44 = vector.broadcast %ne3A_43 : i32 to vector<1024x197xi32>
    %ne3A_45 = arith.cmpi ne, %rem3A_42, %ne3A_44 : vector<1024x197xi32>
    %lt3A_46 = arith.constant 0 : i32
    %lt3A_47 = vector.broadcast %lt3A_46 : i32 to vector<1024x197xi32>
    %lt3A_48 = arith.cmpi slt, %rem3A_42, %lt3A_47 : vector<1024x197xi32>
    %lt3A_49 = arith.constant 0 : i32
    %lt3A_50 = arith.cmpi slt, %select_n3A_40, %lt3A_49 : i32
    %ne3A_51 = vector.broadcast %lt3A_50 : i1 to vector<1024x197xi1>
    %ne3A_52 = vector.broadcast %ne3A_51 : vector<1024x197xi1> to vector<1024x197xi1>
    %ne3A_53 = arith.xori %lt3A_48, %ne3A_52 : vector<1024x197xi1>
    %and3A_54 = arith.andi %ne3A_53, %ne3A_45 : vector<1024x197xi1>
    %add3A_55 = vector.broadcast %select_n3A_40 : i32 to vector<1024x197xi32>
    %add3A_56 = arith.addi %rem3A_42, %add3A_55 : vector<1024x197xi32>
    %select_n3A_57 = arith.select %and3A_54, %add3A_56, %rem3A_42 : vector<1024x197xi1>, vector<1024x197xi32>
    %slice3A_58 = vector.extract_strided_slice %select_n3A_57 {offsets = [0, 0], sizes = [1024, 196], strides = [1, 1]} : vector<1024x197xi32> to vector<1024x196xi32>
    %mul3A_59 = arith.constant 257 : i32
    %mul3A_60 = vector.broadcast %mul3A_59 : i32 to vector<1024x196xi32>
    %mul3A_61 = arith.muli %slice3A_58, %mul3A_60 : vector<1024x196xi32>
    %slice3A_62 = vector.extract_strided_slice %add3A_3 {offsets = [0, 4], sizes = [1024, 196], strides = [1, 1]} : vector<1024x200xi32> to vector<1024x196xi32>
    %add3A_63 = arith.addi %mul3A_61, %slice3A_62 : vector<1024x196xi32>
    %jit3A_64 = arith.constant 100000 : i64
    %convert_element_type3A_65 = arith.trunci %jit3A_64 : i64 to i32
    %eq3A_66 = arith.constant 0 : i32
    %eq3A_67 = arith.cmpi eq, %convert_element_type3A_65, %eq3A_66 : i32
    %jit3A_68 = arith.constant 1 : i32
    %select_n3A_69 = arith.select %eq3A_67, %jit3A_68, %convert_element_type3A_65 : i32
    %rem3A_70 = vector.broadcast %select_n3A_69 : i32 to vector<1024x196xi32>
    %rem3A_71 = arith.remsi %add3A_63, %rem3A_70 : vector<1024x196xi32>
    %ne3A_72 = arith.constant 0 : i32
    %ne3A_73 = vector.broadcast %ne3A_72 : i32 to vector<1024x196xi32>
    %ne3A_74 = arith.cmpi ne, %rem3A_71, %ne3A_73 : vector<1024x196xi32>
    %lt3A_75 = arith.constant 0 : i32
    %lt3A_76 = vector.broadcast %lt3A_75 : i32 to vector<1024x196xi32>
    %lt3A_77 = arith.cmpi slt, %rem3A_71, %lt3A_76 : vector<1024x196xi32>
    %lt3A_78 = arith.constant 0 : i32
    %lt3A_79 = arith.cmpi slt, %select_n3A_69, %lt3A_78 : i32
    %ne3A_80 = vector.broadcast %lt3A_79 : i1 to vector<1024x196xi1>
    %ne3A_81 = vector.broadcast %ne3A_80 : vector<1024x196xi1> to vector<1024x196xi1>
    %ne3A_82 = arith.xori %lt3A_77, %ne3A_81 : vector<1024x196xi1>
    %and3A_83 = arith.andi %ne3A_82, %ne3A_74 : vector<1024x196xi1>
    %add3A_84 = vector.broadcast %select_n3A_69 : i32 to vector<1024x196xi32>
    %add3A_85 = arith.addi %rem3A_71, %add3A_84 : vector<1024x196xi32>
    %select_n3A_86 = arith.select %and3A_83, %add3A_85, %rem3A_71 : vector<1024x196xi1>, vector<1024x196xi32>
    %broadcast_in_dim3A = arith.constant 0 : i32
    %broadcast_in_dim3A_87 = vector.broadcast %broadcast_in_dim3A : i32 to vector<1024x10xi32>
    %concatenate3A = tpu.concatenate %add3A_7, %select_n3A_28, %select_n3A_57, %select_n3A_86, %broadcast_in_dim3A_87 in 1 : vector<1024x199xi32>, vector<1024x198xi32>, vector<1024x197xi32>, vector<1024x196xi32>, vector<1024x10xi32> -> vector<1024x800xi32>
    %reshape3A = vector.shape_cast %concatenate3A : vector<1024x800xi32> to vector<1024x10x80xi32>
    %swap3A = arith.constant 0 : index
    %swap3A_88 = arith.constant 0 : index
    %swap3A_89 = arith.constant 0 : index
    %swap3A_90 = vector.load %arg1[%swap3A, %swap3A_88, %swap3A_89] : memref<1024x10x80xi32, #tpu.memory_space<vmem>>, vector<1024x10x80xi32>
    tpu.vector_store %arg1[%swap3A, %swap3A_88, %swap3A_89], %reshape3A {strides = array<i32>} : memref<1024x10x80xi32, #tpu.memory_space<vmem>>, vector<1024x10x80xi32>,
    return
  }
}

</mosaic_0001>

<sc_bundles>
// kernel: kernel.5.cloned.1.call-start
scs
__scs_entry_jumppad:
0x0: {  	(pc) =	sbr.rel $0x88, $3  }
0x1: {  	(tag) =	ssettag $0x0;
	lr =	simm.s32 $0x1  }
0x2: {  	[smem:$0x3F9F] =	sst lr;
	_ =	strace $0xD0000000  }
0x3: {  	_ = 	snop  }
0x4: {  	_ = 	snop  }
0x5: {  	_ = 	snop  }
0x6: {  	_ = 	snop  }
0x7: {  	_ = 	snop  }
__scs_overlays_trampoline_lowered:
0x8: {  	[smem:$0x3FAE] =	sst s0  }
0x9: {  	[smem:$0x3FAF] =	sst s1  }
0xa: {  	[smem:$0x3FB0] =	sst s2  }
0xb: {  	[smem:$0x3FB1] =	sst s3  }
0xc: {  	[smem:$0x3FB2] =	sst s4  }
0xd: {  	[smem:$0x3FB3] =	sst s5  }
0xe: {  	[smem:$0x3FB4] =	sst s6  }
0xf: {  	[smem:$0x3FB5] =	sst s7  }
0x10: {  	[smem:$0x3FB6] =	sst s8  }
0x11: {  	[smem:$0x3FB7] =	sst s9;
	s0 =	simm.s32 @!p0 $0x0  }
0x12: {  	s1 =	sld [smem:$0x3F9D];
	s0 =	simm.s32 @p0 $0x1  }
0x13: {  	[smem:$0x3FB8] =	sst s0;
	s0 =	simm.s32 @!p1 $0x0  }
0x14: {  	s2 =	sld [smem:$0x3F9C];
	s0 =	simm.s32 @p1 $0x1  }
0x15: {  	[smem:$0x3FB9] =	sst s0;
	s0 =	simm.s32 @!p2 $0x0  }
0x16: {  	s3 =	sld [smem:$0x3FDB];
	s0 =	simm.s32 @p2 $0x1  }
0x17: {  	s4 =	simm.s32 $0x1BF5;
	[smem:$0x3FBB] =	sst s0  }
0x18: {  	s0 =	sld [smem:$0x3F9E];
	_ =	swait.ge [sflag:s4], $0x0  }
0x19: {  	s7 =	sld [smem:$0x3F9F]  }
0x1a: {  	s8 =	sadd.s32 $0xFFFFE003, lr  }
0x1b: {  	s9 =	sadd.s32 $0xFFFFFEF7, lr;
	s5 =	simm.s32 $0xFFFFFFFF;
	p2 =	slt.u32 s8, $0xFFFFF086  }
0x1c: {  	p1 =	slt.u32 s9, $0xF7A;
	s5 =	simm.s32 @!p2 $0x0  }
0x1d: {  	s5 =	simm.s32 @p1 $0x1;
	p0 =	seq.s32 s7, s2  }
0x1e: {  	s7 =	smul.u32 @!p0 $0xF7A, s2;
	p2 =	seq.s32 @!p0 s5, $0x0  }
0x1f: {  	s9 =	smul.u32 $0xF7A, s1;
	s8 =	simm.s32 @!p0 $0x1BF5;
	p2 =	por !p2, p0  }
0x20: {  	[sflag:s8] =	ssyncset.s32 @!p0 $0xFFFFF086;
	s6 =	sadd.s32 @!p0 s3, s7;
	s7 =	simm.s32 @!p0 $0x108  }
0x21: {  	s3 =	sadd.s32 s3, s9;
	s6 =	sadd.s32 @!p0 $0x88, s6;
	s7 =	simm.s32 @p2 $0x1082  }
0x22: {  	[simem:s7], [sflag:s8] =	dma.local @!p0 [hbm:s6], $0xF7A  }
0x23: {  	s9 =	sor.u32 $0xD0000000, s2;
	s6 =	simm.s32 $0x108;
	_ =	swait.ge @!p0 [sflag:s8], $0x0  }
0x24: {  	s3 =	sadd.s32 $0x88, s3;
	s6 =	simm.s32 @!p1 $0x1082;
	[sflag:s4] =	ssyncset.s32 $0xFFFFF086  }
0x25: {  	[simem:s6], [sflag:s4] =	dma.local [hbm:s3], $0xF7A  }
0x26: {  	[smem:$0x3F9F] =	sst s1;
	(tag) =	ssettag s2;
	_ =	strace s9  }
0x27: {  	s1 =	sld [smem:$0x3FAF]  }
0x28: {  	s2 =	sld [smem:$0x3FB0]  }
0x29: {  	s4 =	sld [smem:$0x3FB2]  }
0x2a: {  	p0 =	seq.s32 s5, $0x0;
	s5 =	sld [smem:$0x3FB3]  }
0x2b: {  	s6 =	sld [smem:$0x3FB4]  }
0x2c: {  	s7 =	sld [smem:$0x3FB5]  }
0x2d: {  	s3 =	simm.s32 $0x108;
	s8 =	sld [smem:$0x3FB6]  }
0x2e: {  	s3 =	simm.s32 @!p0 $0x1082;
	s9 =	sld [smem:$0x3FB7]  }
0x2f: {  	lr =	sadd.s32 s0, s3;
	s0 =	sld [smem:$0x3FAE]  }
0x30: {  	s3 =	sld [smem:$0x3FB1]  }
0x31: {  	[smem:$0x3FBA] =	sst s10  }
0x32: {  	s10 =	sld [smem:$0x3FB8];
	_ =	sdelay $0x3  }
0x33: {  	p0 =	seq.s32 s10, $0x1;
	s10 =	sld [smem:$0x3FBA];
	_ =	sdelay $0x3  }
0x34: {  	[smem:$0x3FBA] =	sst s10  }
0x35: {  	s10 =	sld [smem:$0x3FB9];
	_ =	sdelay $0x3  }
0x36: {  	p1 =	seq.s32 s10, $0x1;
	s10 =	sld [smem:$0x3FBA];
	_ =	sdelay $0x3  }
0x37: {  	[smem:$0x3FBA] =	sst s10  }
0x38: {  	s10 =	sld [smem:$0x3FBB]  }
0x39: {  	_ = 	snop;
	(pc) =	sbr.ind lr, $3  }
0x3a: {  	_ = 	snop  }
0x3b: {  	_ = 	snop  }
0x3c: {  	p2 =	seq.s32 s10, $0x1;
	s10 =	sld [smem:$0x3FBA]  }
0x3d: {  	_ =	shalt  }
0x3e: {  	_ =	shalt  }
0x3f: {  	_ =	shalt  }
0x40: {  	_ =	shalt  }
0x41: {  	_ =	shalt  }
0x42: {  	_ =	shalt  }
0x43: {  	_ =	shalt  }
0x44: {  	_ =	shalt  }
0x45: {  	_ =	shalt  }
0x46: {  	_ =	shalt  }
0x47: {  	_ =	shalt  }
0x48: {  	_ =	shalt  }
0x49: {  	_ =	shalt  }
0x4a: {  	_ =	shalt  }
0x4b: {  	_ =	shalt  }
0x4c: {  	_ =	shalt  }
0x4d: {  	_ =	shalt  }
0x4e: {  	_ =	shalt  }
0x4f: {  	_ =	shalt  }
0x50: {  	_ =	shalt  }
0x51: {  	_ =	shalt  }
0x52: {  	_ =	shalt  }
0x53: {  	_ =	shalt  }
0x54: {  	_ =	shalt  }
0x55: {  	_ =	shalt  }
0x56: {  	_ =	shalt  }
0x57: {  	_ =	shalt  }
0x58: {  	_ =	shalt  }
0x59: {  	_ =	shalt  }
0x5a: {  	_ =	shalt  }
0x5b: {  	_ =	shalt  }
0x5c: {  	_ =	shalt  }
0x5d: {  	_ =	shalt  }
0x5e: {  	_ =	shalt  }
0x5f: {  	_ =	shalt  }
0x60: {  	_ =	shalt  }
0x61: {  	_ =	shalt  }
0x62: {  	_ =	shalt  }
0x63: {  	_ =	shalt  }
0x64: {  	_ =	shalt  }
0x65: {  	_ =	shalt  }
0x66: {  	_ =	shalt  }
0x67: {  	_ =	shalt  }
0x68: {  	_ =	shalt  }
0x69: {  	_ =	shalt  }
0x6a: {  	_ =	shalt  }
0x6b: {  	_ =	shalt  }
0x6c: {  	_ =	shalt  }
0x6d: {  	_ =	shalt  }
0x6e: {  	_ =	shalt  }
0x6f: {  	_ =	shalt  }
0x70: {  	_ =	shalt  }
0x71: {  	_ =	shalt  }
0x72: {  	_ =	shalt  }
0x73: {  	_ =	shalt  }
0x74: {  	_ =	shalt  }
0x75: {  	_ =	shalt  }
0x76: {  	_ =	shalt  }
0x77: {  	_ =	shalt  }
0x78: {  	_ =	shalt  }
0x79: {  	_ =	shalt  }
0x7a: {  	_ =	shalt  }
0x7b: {  	_ =	shalt  }
0x7c: {  	_ =	shalt  }
0x7d: {  	_ =	shalt  }
0x7e: {  	_ =	shalt  }
0x7f: {  	_ =	shalt  }
0x80: {  	_ =	shalt  }
0x81: {  	_ =	shalt  }
0x82: {  	_ =	shalt  }
0x83: {  	_ =	shalt  }
0x84: {  	_ =	shalt  }
0x85: {  	_ =	shalt  }
0x86: {  	_ =	shalt  }
0x87: {  	_ =	shalt  }
.Lfunc_end0:
.L_simem_size_0:
called_computation_lowered:
.L_overlay_start_0:
0x88: {  	s2 =	sld [smem:$0x3FD9]  }
0x89: {  	s3 =	sld [smem:$0x3FFE];
	_ =	sdelay $0x1  }
0x8a: {  	s1 =	srdreg.scid  }
0x8b: {  	s0 =	sand.u32 $0x1, s1  }
0x8c: {  	s16 =	sshll.u32 s0, $0xA;
	s2 =	sadd.s32 s3, s2  }
0x8d: {  	s2 =	sadd.s32 s2, s16  }
0x8e: {  	[smem:$0x3FC6] =	sst s2  }
0x8f: {  	_ = 	snop  }
0x90: {  	(tm) =	ssettm $0x1  }
0x91: {  	s17 =	sld [smem:$0x3FFB];
	_ =	sdelay $0x3  }
0x92: {  	_ =	strace s17  }
0x93: {  	s2 =	sld [smem:$0x3FFC];
	_ =	sdelay $0x3  }
0x94: {  	_ =	strace s2  }
0x95: {  	s2 =	sld [smem:$0x3FFD];
	_ =	sdelay $0x3  }
0x96: {  	_ =	strace s2  }
0x97: {  	_ =	strace $0x8FFFFFFF  }
0x98: {  	s18 =	sld [smem:$0x3FDB];
	_ =	sdelay $0x1  }
0x99: {  	s19 =	simm.s32 $_scs_section_size  }
0x9a: {  	s4 =	simm.s32 $_size__tile_overlayer_lowered;
	s5 =	simm.s32 $_tile_overlayer_lowered  }
0x9b: {  	s22 =	simm.s32 $0x1BFF;
	s21 =	sshll.u32 s5, $0x1;
	s2 =	sadd.s32 s19, s18  }
0x9c: {  	s6 =	simm.s32 $0x0;
	s20 =	sshll.u32 s4, $0x1;
	s4 =	sadd.s32 s21, s2  }
0x9d: {  	[timem:s6], [sflag:s22] =	dma.local [hbm:s4], s20  }
0x9e: {  	_ =	swait.ge [sflag:s22], s20  }
0x9f: {  	s3 =	ssub.s32 $0x0, s20;
	[sflag:s22] =	ssyncset.done $0x0  }
0xa0: {  	[sflag:s22] =	ssyncadd.s32 s3;
	_ =	sdelay $0x1  }
0xa1: {  	s23 =	simm.s32 $0x1B8B  }
0xa2: {  	_ =	swait.ge [sflag:s23], $0x1  }
0xa3: {  	[sflag:s23] =	ssyncset.done $0x0  }
0xa4: {  	s25 =	simm.s32 $0x1B8E;
	s24 =	sld [smem:$0x3FFE];
	[sflag:s23] =	ssyncadd.s32 $0xFFFFFFFF  }
0xa5: {  	s26 =	simm.s32 $execute0_lowered;
	[smem:$0x3FD2] =	sst s25  }
0xa6: {  	s4 =	sshll.u32 s26, $0x1;
	_ =	strace $0x80000046;
	[dreg:$0x1] =	wrdreg $0xFFFFFFFF  }
0xa7: {  	s28 =	simm.s32 $_size_execute0_lowered;
	s2 =	sadd.s32 s2, s4;
	[dreg:$0x0] =	wrdreg $0x0  }
0xa8: {  	s4 =	sshll.u32 s28, $0x1;
	[dreg:$0x2] =	wrdreg s2  }
0xa9: {  	[dreg:$0x3] =	wrdreg s4  }
0xaa: {  	[dreg:$0x4] =	wrdreg $0xC0  }
0xab: {  	_ =	task [dreg:s6], $0x5FFFF  }
0xac: {  	[dreg:$0x1] =	wrdreg $0xFFFFFFFF  }
0xad: {  	[dreg:$0x0] =	wrdreg $0x60  }
0xae: {  	[dreg:$0x2] =	wrdreg s24  }
0xaf: {  	[dreg:$0x3] =	wrdreg $0x9  }
0xb0: {  	_ =	task.clear_ibuf [dreg:s6], $0x4FFFF;
	_ =	strace $0x90000046  }
0xb1: {  	s29 =	simm.s32 $0x9;
	_ =	strace $0x80000048  }
0xb2: {  	_ =	swait.ge [sflag:s29], $0x1  }
0xb3: {  	[sflag:s29] =	ssyncadd.s32 $0xFFFFFFFF  }
0xb4: {  	_ =	strace $0x90000048  }
0xb5: {  	_ =	sfence  }
0xb6: {  	s30 =	sld [smem:$0x0];
	_ =	sdelay $0x2  }
0xb7: {  	s31 =	sshll.u32 s1, $0xD;
	s1 =	sshrl.u32 s1, $0x2  }
0xb8: {  	s3 =	sand.u32 $0x4000, s31;
	s1 =	sadd.s32 s1, s30  }
0xb9: {  	s0 =	sor.u32 s3, s0;
	s1 =	sshll.u32 s1, $0x11  }
0xba: {  	s0 =	sor.u32 s1, s0  }
0xbb: {  	s0 =	sadd.s32 $0x8F2B, s0  }
0xbc: {  	[sflag:s0] =	ssyncadd.remote.s32 $0x1  }
0xbd: {  	_ =	sfence.sel $0xFFFF  }
0xbe: {  	[dreg:$0x0] =	wrdreg $0xFFFFFFFF;
	(pc) =	sbr.abs _section_cstart, $3  }
0xbf: {  	[dreg:$0x1] =	wrdreg $0xFFFFFFFF  }
0xc0: {  	_ =	task.clear_ibuf [dreg:s6], $0x2FFFF;
	_ =	strace $0x9FFFFFFF  }
0xc1: {  	(tm) =	ssettm $0x7FFFFFFF  }
tec
execute0_lowered:
.L_overlay_start_1:
0x0: {  	(tag) =	ssettag $0x1  }
0x1: {  	s2 =	rddreg [dreg:$0x0]  }
0x2: {  	s0 =	rddreg [dreg:$0x1]  }
0x3: {  	s1 =	simm.s32 $0x0;
	s4 =	srdreg.scid;
	s6 =	simm.s32 $0x10  }
0x4: {  	s9 =	simm.s32 $0xC8;
	s10 =	simm.s32 $0x186A0;
	s11 =	simm.s32 $0x1  }
0x5: {  	s12 =	simm.s32 $0x3200;
	s13 =	simm.s32 $0x0;
	s4 =	sand.u32 $0x1, s4  }
0x6: {  	v0 =	vlaneseq.u32;
	[smem:$0x7FF] =	sst s1;
	s3 =	sadd.s32 $0xA00, s2;
	s7 =	ssub.s32 $0x2, s4  }
0x7: {  	s5 =	sadd.s32 $0xC4000, s2;
	s2 =	stileid.u32;
	v0 =	vmul.u32 $0xC8, v0;
	s8 =	sshrl.u32 s7, $0x1  }
0x8: {  	_ =	strace $0x80000047;
	p0 =	slt.u32 s2, $0xA;
	s8 =	ssub.s32 s7, s8  }
0x9: {  	s6 =	simm.s32 @!p0 $0xF;
	v1 =	vadd.s32 $0xC80, v0;
	v2 =	vadd.s32 $0x1900, v0;
	v3 =	vadd.s32 $0x2580, v0;
	s7 =	sshll.u32 s2, $0x1;
	s8 =	smax.u32 s8, $0x1  }
.LBB2_1:
0xa: {  	s14 =	simm.s32 $0x0  }
.LBB2_2:
0xb: {  	s15 =	sshll.u32 s14, $0x5  }
0xc: {  	s15 =	sor.u32 s15, s7  }
0xd: {  	s15 =	sor.u32 s4, s15  }
0xe: {  	s17 =	simm.s32 $0x0;
	s16 =	smul.u32 $0xC8, s15  }
0xf: {  	v4 =	vmov s17  }
0x10: {  	s18 =	simm.s32 $0x1;
	v7 =	vand.u32 $0xFC, v4;
	s16 =	sshrl.u32 s16, $0x3  }
0x11: {  	v6 =	vmov s18;
	v5 =	vadd.s32 v1, v7;
	s16 =	sadd.s32 s3, s16  }
0x12: {  	v9 =	vand.u32 $0xFD, v6;
	v8 =	vadd.s32 v2, v7;
	[tilespmem:s17], [sflag:$0x1] =	stream.strided.gather [hbm4b:s16+s9], $0x3200, s10, s9, $0x38;
	[tilespmem:$0x4B00] =	vst v63  }
0x13: {  	v10 =	vadd.s32 v0, v9;
	_ =	swait.ge [sflag:s11], $0x3200  }
0x14: {  	s28 =	simm.s32 $0x3;
	v11 =	vadd.s32 v1, v9;
	[sflag:s11] =	ssyncset.done $0x0  }
0x15: {  	v13 =	vmov s28;
	v12 =	vadd.s32 v2, v9;
	[sflag:s11] =	ssyncadd.s32 $0xFFFFCE00  }
0x16: {  	v14 =	vand.u32 $0xFF, v13;
	v9 =	vadd.s32 v3, v9;
	v6 =	vld.idx.msk [tilespmem:v5+s1+$0x0], $0xffff  }
0x17: {  	s29 =	simm.s32 $0x2;
	v13 =	vadd.s32 v2, v14;
	v5 =	vld.idx.msk [tilespmem:v8+s1+$0x0], $0xffff  }
0x18: {  	v8 =	vmov s29;
	v19 =	vld.idx.msk [tilespmem:v10+s1+$0x0], $0xffff;
	v10 =	vadd.s32 v3, v14  }
0x19: {  	v17 =	vadd.s32 v3, v7;
	v22 =	vld.idx.msk [tilespmem:v11+s1+$0x0], $0xffff;
	v8 =	vand.u32 $0xFE, v8  }
0x1a: {  	v24 =	vld.idx.msk [tilespmem:v12+s1+$0x0], $0xffff;
	v11 =	vadd.s32 v0, v8  }
0x1b: {  	v25 =	vld.idx.msk [tilespmem:v9+s1+$0x0], $0xffff;
	v12 =	vadd.s32 v1, v8  }
0x1c: {  	v16 =	vld.idx.msk [tilespmem:v13+s1+$0x0], $0xffff;
	v9 =	vadd.s32 v2, v8  }
0x1d: {  	v8 =	vadd.s32 v3, v8;
	v23 =	vld.idx.msk [tilespmem:v10+s1+$0x0], $0xffff  }
0x1e: {  	v18 =	vadd.s32 v0, v14;
	s17 =	simm.s32 $0x4;
	v10 =	vld.idx.msk [tilespmem:v17+s1+$0x0], $0xffff  }
0x1f: {  	v4 =	vadd.s32 v0, v7;
	v7 =	vmov s17;
	v11 =	vld.idx.msk [tilespmem:v11+s1+$0x0], $0xffff  }
0x20: {  	v7 =	vand.u32 $0xFC, v7;
	v14 =	vadd.s32 v1, v14;
	v13 =	vld.idx.msk [tilespmem:v12+s1+$0x0], $0xffff  }
0x21: {  	s30 =	simm.s32 $0x5;
	v12 =	vld.idx.msk [tilespmem:v9+s1+$0x0], $0xffff;
	v9 =	vadd.s32 v0, v7  }
0x22: {  	v20 =	vadd.s32 v1, v7;
	v17 =	vmov s30;
	v15 =	vld.idx.msk [tilespmem:v8+s1+$0x0], $0xffff  }
0x23: {  	v21 =	vand.u32 $0xFD, v17;
	v8 =	vld.idx.msk [tilespmem:v18+s1+$0x0], $0xffff;
	v18 =	vadd.s32 v2, v7  }
0x24: {  	s16 =	simm.s32 $0x3240;
	v4 =	vld.idx.msk [tilespmem:v4+s1+$0x0], $0xffff;
	v22 =	vpack.i.f32.bf16 v22, v19;
	v17 =	vadd.s32 v0, v21  }
0x25: {  	s31 =	simm.s32 $0x7;
	v14 =	vld.idx.msk [tilespmem:v14+s1+$0x0], $0xffff;
	[tilespmem:s16+$0xFFFFFFE0] =	vst v22;
	v23 =	vpack.i.f32.bf16 v23, v16;
	v16 =	vadd.s32 v1, v21  }
0x26: {  	s18 =	simm.s32 $0x8;
	v22 =	vpack.i.f32.bf16 v25, v24;
	v19 =	vadd.s32 v2, v21;
	[tilespmem:s16+$0x30] =	vst v23;
	v23 =	vmov s31;
	v9 =	vld.idx.msk [tilespmem:v9+s1+$0x0], $0xffff  }
.LBB2_3:
0x27: {  	p0 =	slt.u32 s18, $0xC4;
	v20 =	vld.idx.msk [tilespmem:v20+s1+$0x0], $0xffff;
	v21 =	vadd.s32 v3, v21;
	s19 =	sadd.s32 $0x2, s17;
	v23 =	vand.u32 $0xFF, v23;
	[tilespmem:s16+$0xFFFFFFF0] =	vst v22;
	v11 =	vpack.i.f32.bf16 v13, v11;
	s17 =	smov.u32 s18  }
0x28: {  	v13 =	vld.idx.msk [tilespmem:v18+s1+$0x0], $0xffff;
	v18 =	vmov s19;
	v22 =	vadd.s32 v2, v23;
	[tilespmem:s16+$0x0] =	vst v11;
	v11 =	vpack.i.f32.bf16 v15, v12  }
0x29: {  	v4 =	vpack.i.f32.bf16 v6, v4;
	v15 =	vadd.s32 v3, v23;
	v24 =	vld.idx.msk [tilespmem:v17+s1+$0x0], $0xffff;
	v12 =	vand.u32 $0xFE, v18;
	[tilespmem:s16+$0x10] =	vst v11  }
0x2a: {  	v6 =	vpack.i.f32.bf16 v10, v5;
	v25 =	vld.idx.msk [tilespmem:v16+s1+$0x0], $0xffff;
	v11 =	vadd.s32 v0, v12;
	[tilespmem:s16+$0xFFFFFFC0] =	vst v4  }
0x2b: {  	v10 =	vadd.s32 v1, v12;
	v5 =	vpack.i.f32.bf16 v14, v8;
	v26 =	vld.idx.msk [tilespmem:v19+s1+$0x0], $0xffff;
	[tilespmem:s16+$0xFFFFFFD0] =	vst v6  }
0x2c: {  	v8 =	vadd.s32 v2, v12;
	v4 =	vmov v9;
	v27 =	vld.idx.msk [tilespmem:v21+s1+$0x0], $0xffff;
	[tilespmem:s16+$0x20] =	vst v5  }
0x2d: {  	v9 =	vadd.s32 v3, v12;
	v6 =	vmov v20;
	v14 =	vld.idx.msk [tilespmem:v22+s1+$0x0], $0xffff  }
0x2e: {  	v16 =	vadd.s32 v3, v7;
	v5 =	vmov v13;
	v19 =	vld.idx.msk [tilespmem:v15+s1+$0x0], $0xffff  }
0x2f: {  	v7 =	vmov s18;
	v22 =	vadd.s32 v0, v23;
	v11 =	vld.idx.msk [tilespmem:v11+s1+$0x0], $0xffff  }
0x30: {  	v7 =	vand.u32 $0xFC, v7;
	v23 =	vadd.s32 v1, v23;
	v13 =	vld.idx.msk [tilespmem:v10+s1+$0x0], $0xffff  }
0x31: {  	s19 =	sadd.s32 $0x1, s18;
	v28 =	vadd.s32 v0, v7;
	v12 =	vld.idx.msk [tilespmem:v8+s1+$0x0], $0xffff  }
.Ltmp0:
0x32: {  	v20 =	vadd.s32 v1, v7;
	v8 =	vmov s19;
	v15 =	vld.idx.msk [tilespmem:v9+s1+$0x0], $0xffff;
	(pc) =	sbr.rel @p0 .LBB2_3-.Ltmp0, $4  }
0x33: {  	v18 =	vadd.s32 v2, v7;
	v21 =	vand.u32 $0xFD, v8;
	v10 =	vld.idx.msk [tilespmem:v16+s1+$0x0], $0xffff  }
0x34: {  	s16 =	sadd.s32 $0x80, s16;
	v17 =	vadd.s32 v0, v21;
	v9 =	vpack.i.f32.bf16 v19, v14;
	v8 =	vld.idx.msk [tilespmem:v22+s1+$0x0], $0xffff  }
0x35: {  	s19 =	sadd.s32 $0x3, s18;
	v16 =	vadd.s32 v1, v21;
	v22 =	vpack.i.f32.bf16 v25, v24;
	v14 =	vld.idx.msk [tilespmem:v23+s1+$0x0], $0xffff;
	[tilespmem:s16+$0x30] =	vst v9  }
0x36: {  	s18 =	sadd.s32 $0x4, s18;
	v19 =	vadd.s32 v2, v21;
	v23 =	vmov s19;
	v9 =	vld.idx.msk [tilespmem:v28+s1+$0x0], $0xffff;
	[tilespmem:s16+$0xFFFFFFE0] =	vst v22;
	v22 =	vpack.i.f32.bf16 v27, v26  }
0x37: {  	_ =	sdelay $0x3  }
0x38: {  	v20 =	vld.idx.msk [tilespmem:v20+s1+$0x0], $0xffff;
	v21 =	vadd.s32 v3, v21;
	s17 =	sadd.s32 $0x2, s17;
	v23 =	vand.u32 $0xFF, v23  }
0x39: {  	v18 =	vld.idx.msk [tilespmem:v18+s1+$0x0], $0xffff;
	v24 =	vmov s17;
	v25 =	vadd.s32 v2, v23  }
0x3a: {  	v17 =	vld.idx.msk [tilespmem:v17+s1+$0x0], $0xffff;
	v26 =	vadd.s32 v3, v23;
	v24 =	vand.u32 $0xFE, v24  }
0x3b: {  	v16 =	vld.idx.msk [tilespmem:v16+s1+$0x0], $0xffff;
	v27 =	vadd.s32 v0, v24  }
0x3c: {  	v19 =	vld.idx.msk [tilespmem:v19+s1+$0x0], $0xffff;
	v28 =	vadd.s32 v1, v24  }
0x3d: {  	v29 =	vadd.s32 v2, v24;
	v21 =	vld.idx.msk [tilespmem:v21+s1+$0x0], $0xffff  }
0x3e: {  	v24 =	vadd.s32 v3, v24;
	v25 =	vld.idx.msk [tilespmem:v25+s1+$0x0], $0xffff  }
0x3f: {  	[tilespmem:s16+$0xFFFFFFF0] =	vst v22;
	v11 =	vpack.i.f32.bf16 v13, v11;
	v7 =	vadd.s32 v3, v7;
	v26 =	vld.idx.msk [tilespmem:v26+s1+$0x0], $0xffff  }
0x40: {  	v58 =	vpack.i.f32.bf16 v15, v12;
	v30 =	vadd.s32 v0, v23;
	[tilespmem:s16+$0x0] =	vst v11;
	v56 =	vld.idx.msk [tilespmem:v27+s1+$0x0], $0xffff  }
0x41: {  	v4 =	vpack.i.f32.bf16 v6, v4;
	v57 =	vadd.s32 v1, v23;
	[tilespmem:s16+$0x10] =	vst v58;
	v59 =	vld.idx.msk [tilespmem:v28+s1+$0x0], $0xffff  }
0x42: {  	[tilespmem:s16+$0xFFFFFFC0] =	vst v4;
	v4 =	vpack.i.f32.bf16 v10, v5;
	v60 =	vld.idx.msk [tilespmem:v29+s1+$0x0], $0xffff  }
0x43: {  	[tilespmem:s16+$0xFFFFFFD0] =	vst v4;
	v4 =	vpack.i.f32.bf16 v14, v8;
	v5 =	vld.idx.msk [tilespmem:v24+s1+$0x0], $0xffff  }
0x44: {  	s31 =	sadd.s32 $0x80, s16;
	[tilespmem:s16+$0x20] =	vst v4;
	v7 =	vld.idx.msk [tilespmem:v7+s1+$0x0], $0xffff;
	v63 =	vpack.i.f32.bf16 v16, v17  }
0x45: {  	v61 =	vld.idx.msk [tilespmem:v30+s1+$0x0], $0xffff;
	[tilespmem:s31+$0xFFFFFFE0] =	vst v63;
	v4 =	vpack.i.f32.bf16 v26, v25  }
0x46: {  	v62 =	vld.idx.msk [tilespmem:v57+s1+$0x0], $0xffff;
	[tilespmem:s31+$0x30] =	vst v4;
	v4 =	vpack.i.f32.bf16 v21, v19  }
0x47: {  	[tilespmem:s31+$0xFFFFFFF0] =	vst v4;
	v4 =	vpack.i.f32.bf16 v59, v56  }
0x48: {  	[tilespmem:s31+$0x0] =	vst v4;
	v4 =	vpack.i.f32.bf16 v5, v60  }
0x49: {  	s15 =	smul.u32 $0x3200, s15;
	v5 =	vpack.i.f32.bf16 v20, v9;
	[tilespmem:s31+$0x10] =	vst v4  }
0x4a: {  	s14 =	sadd.s32 $0x1, s14;
	[tilespmem:s31+$0xFFFFFFC0] =	vst v5;
	v4 =	vpack.i.f32.bf16 v7, v18  }
0x4b: {  	p0 =	sne.s32 s14, s6;
	s15 =	sshrl.u32 s15, $0x4;
	[tilespmem:s31+$0xFFFFFFD0] =	vst v4;
	v4 =	vpack.i.f32.bf16 v62, v61  }
.Ltmp1:
0x4c: {  	s15 =	sadd.s32 s5, s15;
	[tilespmem:s31+$0x20] =	vst v4;
	(pc) =	sbr.rel @p0 .LBB2_2-.Ltmp1, $4  }
0x4d: {  	[hbm4b:s15+s1] =	stream.linear.scatter [tilespmem:s12], [sflag:$0x1], $0x1900, $0x38;
	[tilespmem:$0x4B00] =	vst v63  }
0x4e: {  	_ =	swait.ge [sflag:s11], $0x1900  }
0x4f: {  	[sflag:s11] =	ssyncset.done $0x0  }
0x50: {  	[sflag:s11] =	ssyncadd.s32 $0xFFFFE700  }
0x51: {  	s13 =	sadd.s32 $0x1, s13  }
0x52: {  	p0 =	sne.s32 s13, s8  }
.Ltmp2:
0x53: {  	_ = 	snop;
	(pc) =	sbr.rel @p0 .LBB2_1-.Ltmp2, $1  }
0x54: {  	_ =	sdelay $0x3  }
0x55: {  	_ =	sfence.sel $0x180000  }
0x56: {  	[bflag:$0x0] =	sbarrier.arrive $0xFFFF  }
0x57: {  	p0 =	sne.s32 s2, $0x0;
	_ =	strace $0x90000047  }
0x58: {  	s0 =	sadd.s32 @!p0 $0x100000, s0;
	[bflag:$0x2] =	sbarrier.arrive $0xFFFF  }
0x59: {  	[sflag:s0] =	ssyncadd.tile.s32 @!p0 $0x1;
	_ =	shalt  }
.Lfunc_end2:
_tile_overlayer_lowered:
.L_overlay_start_2:
0x5a: {  	(tag) =	ssettag $0x2  }
0x5b: {  	s0 =	rddreg [dreg:$0x0];
	s2 =	stileid.u32  }
0x5c: {  	s1 =	rddreg [dreg:$0x1];
	p0 =	sne.s32 s2, $0x0  }
0x5d: {  	s3 =	rddreg [dreg:$0x2];
	[bflag:$0x3] =	sbarrier.arrive $0xFFFF;
	s2 =	simm.s32 @!p0 $0x1C01  }
0x5e: {  	[timem:s3], [sflag:s2] =	dma.local @!p0 [hbm:s0], s1  }
0x5f: {  	s0 =	simm.s32 @!p0 $0x1  }
0x60: {  	_ =	swait.ge @!p0 [sflag:s0], s1  }
0x61: {  	s1 =	ssub.s32 @!p0 $0x0, s1;
	[sflag:s0] =	ssyncset.done @!p0 $0x0  }
0x62: {  	[sflag:s0] =	ssyncadd.s32 @!p0 s1  }
0x63: {  	[bflag:$0x3] =	sbarrier.arrive $0xFFFF  }
0x64: {  	_ =	shalt  }

// kernel: kernel.8.cloned.1.call-start
scs
__scs_entry_jumppad:
0x0: {  	(pc) =	sbr.rel $0x88, $3  }
0x1: {  	(tag) =	ssettag $0x0;
	lr =	simm.s32 $0x1  }
0x2: {  	[smem:$0x3F9F] =	sst lr;
	_ =	strace $0xD0000000  }
0x3: {  	_ = 	snop  }
0x4: {  	_ = 	snop  }
0x5: {  	_ = 	snop  }
0x6: {  	_ = 	snop  }
0x7: {  	_ = 	snop  }
__scs_overlays_trampoline_lowered:
0x8: {  	[smem:$0x3FAE] =	sst s0  }
0x9: {  	[smem:$0x3FAF] =	sst s1  }
0xa: {  	[smem:$0x3FB0] =	sst s2  }
0xb: {  	[smem:$0x3FB1] =	sst s3  }
0xc: {  	[smem:$0x3FB2] =	sst s4  }
0xd: {  	[smem:$0x3FB3] =	sst s5  }
0xe: {  	[smem:$0x3FB4] =	sst s6  }
0xf: {  	[smem:$0x3FB5] =	sst s7  }
0x10: {  	[smem:$0x3FB6] =	sst s8  }
0x11: {  	[smem:$0x3FB7] =	sst s9;
	s0 =	simm.s32 @!p0 $0x0  }
0x12: {  	s1 =	sld [smem:$0x3F9D];
	s0 =	simm.s32 @p0 $0x1  }
0x13: {  	[smem:$0x3FB8] =	sst s0;
	s0 =	simm.s32 @!p1 $0x0  }
0x14: {  	s2 =	sld [smem:$0x3F9C];
	s0 =	simm.s32 @p1 $0x1  }
0x15: {  	[smem:$0x3FB9] =	sst s0;
	s0 =	simm.s32 @!p2 $0x0  }
0x16: {  	s3 =	sld [smem:$0x3FDB];
	s0 =	simm.s32 @p2 $0x1  }
0x17: {  	s4 =	simm.s32 $0x1BF5;
	[smem:$0x3FBB] =	sst s0  }
0x18: {  	s0 =	sld [smem:$0x3F9E];
	_ =	swait.ge [sflag:s4], $0x0  }
0x19: {  	s7 =	sld [smem:$0x3F9F]  }
0x1a: {  	s8 =	sadd.s32 $0xFFFFE003, lr  }
0x1b: {  	s9 =	sadd.s32 $0xFFFFFEF7, lr;
	s5 =	simm.s32 $0xFFFFFFFF;
	p2 =	slt.u32 s8, $0xFFFFF086  }
0x1c: {  	p1 =	slt.u32 s9, $0xF7A;
	s5 =	simm.s32 @!p2 $0x0  }
0x1d: {  	s5 =	simm.s32 @p1 $0x1;
	p0 =	seq.s32 s7, s2  }
0x1e: {  	s7 =	smul.u32 @!p0 $0xF7A, s2;
	p2 =	seq.s32 @!p0 s5, $0x0  }
0x1f: {  	s9 =	smul.u32 $0xF7A, s1;
	s8 =	simm.s32 @!p0 $0x1BF5;
	p2 =	por !p2, p0  }
0x20: {  	[sflag:s8] =	ssyncset.s32 @!p0 $0xFFFFF086;
	s6 =	sadd.s32 @!p0 s3, s7;
	s7 =	simm.s32 @!p0 $0x108  }
0x21: {  	s3 =	sadd.s32 s3, s9;
	s6 =	sadd.s32 @!p0 $0x88, s6;
	s7 =	simm.s32 @p2 $0x1082  }
0x22: {  	[simem:s7], [sflag:s8] =	dma.local @!p0 [hbm:s6], $0xF7A  }
0x23: {  	s9 =	sor.u32 $0xD0000000, s2;
	s6 =	simm.s32 $0x108;
	_ =	swait.ge @!p0 [sflag:s8], $0x0  }
0x24: {  	s3 =	sadd.s32 $0x88, s3;
	s6 =	simm.s32 @!p1 $0x1082;
	[sflag:s4] =	ssyncset.s32 $0xFFFFF086  }
0x25: {  	[simem:s6], [sflag:s4] =	dma.local [hbm:s3], $0xF7A  }
0x26: {  	[smem:$0x3F9F] =	sst s1;
	(tag) =	ssettag s2;
	_ =	strace s9  }
0x27: {  	s1 =	sld [smem:$0x3FAF]  }
0x28: {  	s2 =	sld [smem:$0x3FB0]  }
0x29: {  	s4 =	sld [smem:$0x3FB2]  }
0x2a: {  	p0 =	seq.s32 s5, $0x0;
	s5 =	sld [smem:$0x3FB3]  }
0x2b: {  	s6 =	sld [smem:$0x3FB4]  }
0x2c: {  	s7 =	sld [smem:$0x3FB5]  }
0x2d: {  	s3 =	simm.s32 $0x108;
	s8 =	sld [smem:$0x3FB6]  }
0x2e: {  	s3 =	simm.s32 @!p0 $0x1082;
	s9 =	sld [smem:$0x3FB7]  }
0x2f: {  	lr =	sadd.s32 s0, s3;
	s0 =	sld [smem:$0x3FAE]  }
0x30: {  	s3 =	sld [smem:$0x3FB1]  }
0x31: {  	[smem:$0x3FBA] =	sst s10  }
0x32: {  	s10 =	sld [smem:$0x3FB8];
	_ =	sdelay $0x3  }
0x33: {  	p0 =	seq.s32 s10, $0x1;
	s10 =	sld [smem:$0x3FBA];
	_ =	sdelay $0x3  }
0x34: {  	[smem:$0x3FBA] =	sst s10  }
0x35: {  	s10 =	sld [smem:$0x3FB9];
	_ =	sdelay $0x3  }
0x36: {  	p1 =	seq.s32 s10, $0x1;
	s10 =	sld [smem:$0x3FBA];
	_ =	sdelay $0x3  }
0x37: {  	[smem:$0x3FBA] =	sst s10  }
0x38: {  	s10 =	sld [smem:$0x3FBB]  }
0x39: {  	_ = 	snop;
	(pc) =	sbr.ind lr, $3  }
0x3a: {  	_ = 	snop  }
0x3b: {  	_ = 	snop  }
0x3c: {  	p2 =	seq.s32 s10, $0x1;
	s10 =	sld [smem:$0x3FBA]  }
0x3d: {  	_ =	shalt  }
0x3e: {  	_ =	shalt  }
0x3f: {  	_ =	shalt  }
0x40: {  	_ =	shalt  }
0x41: {  	_ =	shalt  }
0x42: {  	_ =	shalt  }
0x43: {  	_ =	shalt  }
0x44: {  	_ =	shalt  }
0x45: {  	_ =	shalt  }
0x46: {  	_ =	shalt  }
0x47: {  	_ =	shalt  }
0x48: {  	_ =	shalt  }
0x49: {  	_ =	shalt  }
0x4a: {  	_ =	shalt  }
0x4b: {  	_ =	shalt  }
0x4c: {  	_ =	shalt  }
0x4d: {  	_ =	shalt  }
0x4e: {  	_ =	shalt  }
0x4f: {  	_ =	shalt  }
0x50: {  	_ =	shalt  }
0x51: {  	_ =	shalt  }
0x52: {  	_ =	shalt  }
0x53: {  	_ =	shalt  }
0x54: {  	_ =	shalt  }
0x55: {  	_ =	shalt  }
0x56: {  	_ =	shalt  }
0x57: {  	_ =	shalt  }
0x58: {  	_ =	shalt  }
0x59: {  	_ =	shalt  }
0x5a: {  	_ =	shalt  }
0x5b: {  	_ =	shalt  }
0x5c: {  	_ =	shalt  }
0x5d: {  	_ =	shalt  }
0x5e: {  	_ =	shalt  }
0x5f: {  	_ =	shalt  }
0x60: {  	_ =	shalt  }
0x61: {  	_ =	shalt  }
0x62: {  	_ =	shalt  }
0x63: {  	_ =	shalt  }
0x64: {  	_ =	shalt  }
0x65: {  	_ =	shalt  }
0x66: {  	_ =	shalt  }
0x67: {  	_ =	shalt  }
0x68: {  	_ =	shalt  }
0x69: {  	_ =	shalt  }
0x6a: {  	_ =	shalt  }
0x6b: {  	_ =	shalt  }
0x6c: {  	_ =	shalt  }
0x6d: {  	_ =	shalt  }
0x6e: {  	_ =	shalt  }
0x6f: {  	_ =	shalt  }
0x70: {  	_ =	shalt  }
0x71: {  	_ =	shalt  }
0x72: {  	_ =	shalt  }
0x73: {  	_ =	shalt  }
0x74: {  	_ =	shalt  }
0x75: {  	_ =	shalt  }
0x76: {  	_ =	shalt  }
0x77: {  	_ =	shalt  }
0x78: {  	_ =	shalt  }
0x79: {  	_ =	shalt  }
0x7a: {  	_ =	shalt  }
0x7b: {  	_ =	shalt  }
0x7c: {  	_ =	shalt  }
0x7d: {  	_ =	shalt  }
0x7e: {  	_ =	shalt  }
0x7f: {  	_ =	shalt  }
0x80: {  	_ =	shalt  }
0x81: {  	_ =	shalt  }
0x82: {  	_ =	shalt  }
0x83: {  	_ =	shalt  }
0x84: {  	_ =	shalt  }
0x85: {  	_ =	shalt  }
0x86: {  	_ =	shalt  }
0x87: {  	_ =	shalt  }
.Lfunc_end0:
.L_simem_size_0:
called_computation.1_lowered:
.L_overlay_start_0:
0x88: {  	s2 =	sld [smem:$0x3FD9]  }
0x89: {  	s3 =	sld [smem:$0x3FFE];
	_ =	sdelay $0x1  }
0x8a: {  	s1 =	srdreg.scid  }
0x8b: {  	s0 =	sand.u32 $0x1, s1  }
0x8c: {  	s17 =	sshll.u32 s0, $0xA;
	s2 =	sadd.s32 s3, s2  }
0x8d: {  	s2 =	sadd.s32 s2, s17  }
0x8e: {  	[smem:$0x3FC6] =	sst s2  }
0x8f: {  	_ = 	snop  }
0x90: {  	s2 =	sld [smem:$0x3FD0];
	(tm) =	ssettm $0x1  }
0x91: {  	s18 =	sld [smem:$0x3FFB];
	_ =	sdelay $0x3  }
0x92: {  	_ =	strace s18  }
0x93: {  	s3 =	sld [smem:$0x3FFC];
	_ =	sdelay $0x3  }
0x94: {  	_ =	strace s3  }
0x95: {  	s3 =	sld [smem:$0x3FFD];
	_ =	sdelay $0x3  }
0x96: {  	_ =	strace s3  }
0x97: {  	_ =	strace $0x8FFFFFFF  }
0x98: {  	s19 =	sld [smem:$0x3FDB];
	_ =	sdelay $0x1  }
0x99: {  	s4 =	simm.s32 $_scs_section_size  }
0x9a: {  	s5 =	simm.s32 $_size__tile_overlayer_lowered;
	s6 =	simm.s32 $_tile_overlayer_lowered  }
0x9b: {  	s22 =	simm.s32 $0x1BFF;
	s21 =	sshll.u32 s6, $0x1;
	s3 =	sadd.s32 s4, s19  }
0x9c: {  	s7 =	simm.s32 $0x0;
	s20 =	sshll.u32 s5, $0x1;
	s5 =	sadd.s32 s21, s3  }
0x9d: {  	[timem:s7], [sflag:s22] =	dma.local [hbm:s5], s20  }
0x9e: {  	_ =	swait.ge [sflag:s22], s20  }
0x9f: {  	s4 =	ssub.s32 $0x0, s20;
	[sflag:s22] =	ssyncset.done $0x0  }
0xa0: {  	[sflag:s22] =	ssyncadd.s32 s4;
	_ =	sdelay $0x1  }
0xa1: {  	s23 =	simm.s32 $0x1B8B  }
0xa2: {  	_ =	swait.ge [sflag:s23], $0x1  }
0xa3: {  	[sflag:s23] =	ssyncset.done $0x0  }
0xa4: {  	s25 =	simm.s32 $0x1B8E;
	s24 =	sld [smem:$0x3FFE];
	[sflag:s23] =	ssyncadd.s32 $0xFFFFFFFF  }
0xa5: {  	s26 =	simm.s32 $execute0_lowered;
	[smem:$0x3FD2] =	sst s25  }
0xa6: {  	s5 =	sshll.u32 s26, $0x1;
	_ =	strace $0x80000049;
	[dreg:$0x1] =	wrdreg $0xFFFFFFFF  }
0xa7: {  	s28 =	simm.s32 $_size_execute0_lowered;
	s3 =	sadd.s32 s3, s5;
	[dreg:$0x0] =	wrdreg $0x0  }
0xa8: {  	s5 =	sshll.u32 s28, $0x1;
	[dreg:$0x2] =	wrdreg s3  }
0xa9: {  	[dreg:$0x3] =	wrdreg s5  }
0xaa: {  	[dreg:$0x4] =	wrdreg $0xC0  }
0xab: {  	_ =	task [dreg:s7], $0x5FFFF  }
0xac: {  	[dreg:$0x1] =	wrdreg $0xFFFFFFFF  }
0xad: {  	[dreg:$0x0] =	wrdreg $0x60  }
0xae: {  	[dreg:$0x2] =	wrdreg s24  }
0xaf: {  	[dreg:$0x3] =	wrdreg s2  }
0xb0: {  	[dreg:$0x4] =	wrdreg $0x9  }
0xb1: {  	_ =	task.clear_ibuf [dreg:s7], $0x5FFFF;
	_ =	strace $0x90000049  }
0xb2: {  	s29 =	simm.s32 $0x9;
	_ =	strace $0x8000004B  }
0xb3: {  	_ =	swait.ge [sflag:s29], $0x1  }
0xb4: {  	[sflag:s29] =	ssyncadd.s32 $0xFFFFFFFF  }
0xb5: {  	_ =	strace $0x9000004B  }
0xb6: {  	_ =	sfence  }
0xb7: {  	s30 =	sld [smem:$0x0];
	_ =	sdelay $0x2  }
0xb8: {  	s31 =	sshll.u32 s1, $0xD;
	s1 =	sshrl.u32 s1, $0x2  }
0xb9: {  	s3 =	sand.u32 $0x4000, s31;
	s1 =	sadd.s32 s1, s30  }
0xba: {  	s0 =	sor.u32 s3, s0;
	s1 =	sshll.u32 s1, $0x11  }
0xbb: {  	s0 =	sor.u32 s1, s0  }
0xbc: {  	s0 =	sadd.s32 $0x8F2B, s0  }
0xbd: {  	[sflag:s0] =	ssyncadd.remote.s32 $0x1  }
0xbe: {  	_ =	sfence.sel $0xFFFF  }
0xbf: {  	[dreg:$0x0] =	wrdreg $0xFFFFFFFF;
	(pc) =	sbr.abs _section_cstart, $3  }
0xc0: {  	[dreg:$0x1] =	wrdreg $0xFFFFFFFF  }
0xc1: {  	_ =	task.clear_ibuf [dreg:s7], $0x2FFFF;
	_ =	strace $0x9FFFFFFF  }
0xc2: {  	(tm) =	ssettm $0x7FFFFFFF  }
0xc3: {  	_ =	shalt  }
tec
execute0_lowered:
.L_overlay_start_1:
0x0: {  	(tag) =	ssettag $0x1  }
0x1: {  	s1 =	srdreg.scid  }
0x2: {  	s0 =	stileid.u32;
	s4 =	rddreg [dreg:$0x0]  }
0x3: {  	s5 =	rddreg [dreg:$0x1];
	s9 =	simm.s32 $0x6400;
	s10 =	simm.s32 $0x6E00  }
0x4: {  	s11 =	simm.s32 $0x1;
	s12 =	simm.s32 $0x2;
	s13 =	simm.s32 $0x7800  }
0x5: {  	s14 =	simm.s32 $0x0;
	s3 =	sand.u32 $0x1, s1;
	s30 =	sshll.u32 s0, $0x6  }
0x6: {  	s1 =	rddreg [dreg:$0x2];
	s2 =	sshll.u32 s3, $0x5;
	s8 =	ssub.s32 $0x2, s3  }
0x7: {  	s3 =	sadd.s32 $0xC4000, s4;
	s6 =	sor.u32 s2, s30;
	s2 =	simm.s32 $0x0  }
0x8: {  	s31 =	sshrl.u32 s8, $0x1;
	s7 =	smul.u32 $0x64, s6;
	[smem:$0x7FF] =	sst s2  }
0x9: {  	s6 =	sshll.u32 s6, $0x3;
	s8 =	ssub.s32 s8, s31;
	_ =	strace $0x8000004A  }
0xa: {  	s5 =	sadd.s32 s5, s6;
	s6 =	smax.u32 s8, $0x1;
	s7 =	sadd.s32 s7, s4  }
0xb: {  	s8 =	simm.s32 $0x50;
	s4 =	sadd.s32 $0x125C00, s7;
	s7 =	simm.s32 $0x3  }
.LBB2_1:
0xc: {  	[tilespmem:s2], [sflag:$0x3] =	stream.linear.gather [hbm4b:s4+s2], $0x6400, $0x38;
	[tilespmem:$0x8000] =	vst v63  }
0xd: {  	_ =	swait.ge [sflag:s7], $0x6400  }
0xe: {  	[sflag:s7] =	ssyncset.done $0x0  }
0xf: {  	[sflag:s7] =	ssyncadd.s32 $0xFFFF9C00  }
0x10: {  	[tilespmem:s9], [sflag:$0x1] =	stream.indirect.gather [hbm4b:s3+s8], $0x20, s2, s8, $0xb8;
	[tilespmem:$0x8000] =	vst v63  }
0x11: {  	s15 =	simm.s32 $0x0  }
0x12: {  	[tilespmem:s10], [sflag:$0x2] =	stream.indirect.gather [hbm4b:s3+s8], $0x20, s8, s8, $0xb8;
	[tilespmem:$0x8000] =	vst v63  }
.LBB2_2:
0x13: {  	_ =	swait.ge [sflag:s11], $0xA00  }
0x14: {  	[sflag:s11] =	ssyncset.done $0x0  }
0x15: {  	s17 =	simm.s32 $0x6450;
	[sflag:s11] =	ssyncadd.s32 $0xFFFFF600  }
0x16: {  	v0 =	vld [tilespmem:s17+$0x30]  }
0x17: {  	v2 =	vld [tilespmem:s17+$0x10]  }
0x18: {  	v5 =	vld [tilespmem:s17+$0xFFFFFFF0]  }
0x19: {  	v6 =	vld [tilespmem:s17+$0xFFFFFFD0]  }
0x1a: {  	v8 =	vld [tilespmem:s17+$0xFFFFFFB0]  }
0x1b: {  	v9 =	vld [tilespmem:s17+$0xFFFFFFC0];
	_ =	sdelay $0x1  }
0x1c: {  	v10 =	vimm.f32 $0.0e+00;
	v14 =	vld [tilespmem:s17+$0xFFFFFFE0];
	v1 =	vshll.u32 v0, $0x10;
	v0 =	vand.u32 $0xFFFF0000, v0  }
0x1d: {  	v4 =	vshll.u32 v5, $0x10;
	v11 =	vshll.u32 v6, $0x10;
	v15 =	vand.u32 $0xFFFF0000, v6  }
0x1e: {  	v7 =	vand.u32 $0xFFFF0000, v5;
	v5 =	vshll.u32 v8, $0x10;
	v6 =	vand.u32 $0xFFFF0000, v8;
	v8 =	vld [tilespmem:s17+$0x0]  }
0x1f: {  	v3 =	vshll.u32 v2, $0x10;
	v2 =	vand.u32 $0xFFFF0000, v2;
	v12 =	vshll.u32 v9, $0x10  }
0x20: {  	v9 =	vand.u32 $0xFFFF0000, v9;
	v5 =	vadd.f32 v5, v10;
	v16 =	vadd.f32 v6, v10;
	v6 =	vld [tilespmem:s17+$0x20]  }
0x21: {  	v13 =	vshll.u32 v14, $0x10;
	v12 =	vadd.f32 v12, v10;
	v10 =	vadd.f32 v9, v10  }
0x22: {  	s16 =	simm.s32 $0x0;
	v14 =	vand.u32 $0xFFFF0000, v14;
	v11 =	vadd.f32 v11, v5;
	v9 =	vadd.f32 v15, v16;
	v5 =	vld [tilespmem:s17+$0x40];
	s17 =	simm.s32 $0x64F0  }
.LBB2_3:
0x23: {  	v15 =	vld [tilespmem:s17+$0x30];
	v12 =	vadd.f32 v13, v12;
	v10 =	vadd.f32 v14, v10;
	v13 =	vshll.u32 v8, $0x10  }
0x24: {  	v8 =	vand.u32 $0xFFFF0000, v8;
	v14 =	vld [tilespmem:s17+$0x10];
	v4 =	vadd.f32 v4, v11;
	v7 =	vadd.f32 v7, v9  }
0x25: {  	v9 =	vld [tilespmem:s17+$0xFFFFFFF0];
	v11 =	vadd.f32 v13, v12;
	v8 =	vadd.f32 v8, v10;
	v10 =	vshll.u32 v6, $0x10  }
0x26: {  	v12 =	vld [tilespmem:s17+$0xFFFFFFD0];
	v3 =	vadd.f32 v3, v4;
	v2 =	vadd.f32 v2, v7;
	v4 =	vand.u32 $0xFFFF0000, v6  }
0x27: {  	v6 =	vld [tilespmem:s17+$0xFFFFFFB0];
	v7 =	vadd.f32 v10, v11;
	v4 =	vadd.f32 v4, v8;
	v8 =	vshll.u32 v5, $0x10  }
0x28: {  	v10 =	vld [tilespmem:s17+$0xFFFFFFC0];
	v11 =	vadd.f32 v1, v3;
	v13 =	vadd.f32 v0, v2;
	v0 =	vand.u32 $0xFFFF0000, v5  }
0x29: {  	s16 =	sadd.s32 $0x5, s16;
	v5 =	vadd.f32 v8, v7;
	v16 =	vadd.f32 v0, v4  }
0x2a: {  	p0 =	slt.u32 s16, $0x4B;
	v1 =	vshll.u32 v15, $0x10;
	v0 =	vand.u32 $0xFFFF0000, v15;
	v17 =	vld [tilespmem:s17+$0xFFFFFFE0]  }
0x2b: {  	v3 =	vshll.u32 v14, $0x10;
	v2 =	vand.u32 $0xFFFF0000, v14;
	v4 =	vshll.u32 v9, $0x10  }
.Ltmp0:
0x2c: {  	v7 =	vand.u32 $0xFFFF0000, v9;
	v14 =	vshll.u32 v12, $0x10;
	v15 =	vand.u32 $0xFFFF0000, v12;
	v8 =	vld [tilespmem:s17+$0x0];
	(pc) =	sbr.rel @p0 .LBB2_3-.Ltmp0, $4  }
0x2d: {  	v9 =	vshll.u32 v6, $0x10;
	v6 =	vand.u32 $0xFFFF0000, v6;
	v12 =	vshll.u32 v10, $0x10  }
0x2e: {  	v9 =	vadd.f32 v9, v11;
	v18 =	vadd.f32 v6, v13;
	v10 =	vand.u32 $0xFFFF0000, v10;
	v6 =	vld [tilespmem:s17+$0x20]  }
0x2f: {  	v12 =	vadd.f32 v12, v5;
	v10 =	vadd.f32 v10, v16;
	v13 =	vshll.u32 v17, $0x10  }
0x30: {  	v11 =	vadd.f32 v14, v9;
	v9 =	vadd.f32 v15, v18;
	v14 =	vand.u32 $0xFFFF0000, v17;
	v5 =	vld [tilespmem:s17+$0x40];
	s17 =	sadd.s32 $0xA0, s17  }
0x31: {  	s16 =	smul.u32 $0xC80, s15;
	_ =	sdelay $0x1  }
0x32: {  	s16 =	sshra.s32 s16, $0x2  }
0x33: {  	s17 =	sadd.s32 $0xA0, s16  }
0x34: {  	[tilespmem:s9], [sflag:$0x1] =	stream.indirect.gather [hbm4b:s3+s8], $0x20, s17, s8, $0xb8;
	[tilespmem:$0x8000] =	vst v63  }
0x35: {  	_ =	swait.ge [sflag:s12], $0xA00  }
0x36: {  	[sflag:s12] =	ssyncset.done $0x0  }
0x37: {  	s18 =	simm.s32 $0x6E50;
	[sflag:s12] =	ssyncadd.s32 $0xFFFFF600  }
0x38: {  	v12 =	vadd.f32 v13, v12;
	v13 =	vld [tilespmem:s18+$0x30]  }
0x39: {  	v10 =	vadd.f32 v14, v10;
	v14 =	vshll.u32 v8, $0x10;
	v4 =	vadd.f32 v4, v11;
	v11 =	vld [tilespmem:s18+$0x10]  }
0x3a: {  	v8 =	vand.u32 $0xFFFF0000, v8;
	v7 =	vadd.f32 v7, v9;
	v9 =	vadd.f32 v14, v12;
	v12 =	vld [tilespmem:s18+$0xFFFFFFF0]  }
0x3b: {  	v8 =	vadd.f32 v8, v10;
	v10 =	vshll.u32 v6, $0x10;
	v3 =	vadd.f32 v3, v4;
	v14 =	vld [tilespmem:s18+$0xFFFFFFD0]  }
0x3c: {  	v2 =	vadd.f32 v2, v7;
	v4 =	vand.u32 $0xFFFF0000, v6;
	v6 =	vadd.f32 v10, v9;
	v9 =	vld [tilespmem:s18+$0xFFFFFFB0]  }
0x3d: {  	v4 =	vadd.f32 v4, v8;
	v7 =	vshll.u32 v5, $0x10;
	v10 =	vadd.f32 v1, v3;
	v15 =	vld [tilespmem:s18+$0xFFFFFFC0]  }
0x3e: {  	v16 =	vadd.f32 v0, v2;
	v0 =	vand.u32 $0xFFFF0000, v5;
	v5 =	vadd.f32 v7, v6  }
0x3f: {  	v17 =	vadd.f32 v0, v4;
	v18 =	vld [tilespmem:s18+$0xFFFFFFE0];
	v1 =	vshll.u32 v13, $0x10;
	v0 =	vand.u32 $0xFFFF0000, v13  }
0x40: {  	v4 =	vshll.u32 v12, $0x10;
	v3 =	vshll.u32 v11, $0x10;
	v2 =	vand.u32 $0xFFFF0000, v11  }
0x41: {  	v8 =	vld [tilespmem:s18+$0x0];
	v11 =	vshll.u32 v14, $0x10;
	v14 =	vand.u32 $0xFFFF0000, v14;
	v7 =	vand.u32 $0xFFFF0000, v12  }
0x42: {  	v6 =	vshll.u32 v9, $0x10;
	v9 =	vand.u32 $0xFFFF0000, v9;
	v12 =	vshll.u32 v15, $0x10  }
0x43: {  	v19 =	vadd.f32 v6, v10;
	v9 =	vadd.f32 v9, v16;
	v10 =	vand.u32 $0xFFFF0000, v15;
	v6 =	vld [tilespmem:s18+$0x20]  }
0x44: {  	v13 =	vshll.u32 v18, $0x10;
	v12 =	vadd.f32 v12, v5;
	v10 =	vadd.f32 v10, v17  }
0x45: {  	s17 =	simm.s32 $0x0;
	v5 =	vld [tilespmem:s18+$0x40];
	s18 =	simm.s32 $0x6EF0;
	v11 =	vadd.f32 v11, v19;
	v9 =	vadd.f32 v14, v9;
	v14 =	vand.u32 $0xFFFF0000, v18  }
.LBB2_5:
0x46: {  	v15 =	vld [tilespmem:s18+$0x30];
	v12 =	vadd.f32 v13, v12;
	v10 =	vadd.f32 v14, v10;
	v13 =	vshll.u32 v8, $0x10  }
0x47: {  	v8 =	vand.u32 $0xFFFF0000, v8;
	v14 =	vld [tilespmem:s18+$0x10];
	v4 =	vadd.f32 v4, v11;
	v7 =	vadd.f32 v7, v9  }
0x48: {  	v9 =	vld [tilespmem:s18+$0xFFFFFFF0];
	v11 =	vadd.f32 v13, v12;
	v8 =	vadd.f32 v8, v10;
	v10 =	vshll.u32 v6, $0x10  }
0x49: {  	v12 =	vld [tilespmem:s18+$0xFFFFFFD0];
	v3 =	vadd.f32 v3, v4;
	v2 =	vadd.f32 v2, v7;
	v4 =	vand.u32 $0xFFFF0000, v6  }
0x4a: {  	v6 =	vld [tilespmem:s18+$0xFFFFFFB0];
	v7 =	vadd.f32 v10, v11;
	v4 =	vadd.f32 v4, v8;
	v8 =	vshll.u32 v5, $0x10  }
0x4b: {  	v10 =	vld [tilespmem:s18+$0xFFFFFFC0];
	v11 =	vadd.f32 v1, v3;
	v13 =	vadd.f32 v0, v2;
	v0 =	vand.u32 $0xFFFF0000, v5  }
0x4c: {  	s17 =	sadd.s32 $0x5, s17;
	v5 =	vadd.f32 v8, v7;
	v16 =	vadd.f32 v0, v4  }
0x4d: {  	p0 =	slt.u32 s17, $0x4B;
	v1 =	vshll.u32 v15, $0x10;
	v0 =	vand.u32 $0xFFFF0000, v15;
	v17 =	vld [tilespmem:s18+$0xFFFFFFE0]  }
0x4e: {  	v3 =	vshll.u32 v14, $0x10;
	v2 =	vand.u32 $0xFFFF0000, v14;
	v4 =	vshll.u32 v9, $0x10  }
.Ltmp1:
0x4f: {  	v7 =	vand.u32 $0xFFFF0000, v9;
	v14 =	vshll.u32 v12, $0x10;
	v15 =	vand.u32 $0xFFFF0000, v12;
	v8 =	vld [tilespmem:s18+$0x0];
	(pc) =	sbr.rel @p0 .LBB2_5-.Ltmp1, $4  }
0x50: {  	v9 =	vshll.u32 v6, $0x10;
	v6 =	vand.u32 $0xFFFF0000, v6;
	v12 =	vshll.u32 v10, $0x10  }
0x51: {  	v9 =	vadd.f32 v9, v11;
	v18 =	vadd.f32 v6, v13;
	v10 =	vand.u32 $0xFFFF0000, v10;
	v6 =	vld [tilespmem:s18+$0x20]  }
0x52: {  	v12 =	vadd.f32 v12, v5;
	v10 =	vadd.f32 v10, v16;
	v13 =	vshll.u32 v17, $0x10  }
0x53: {  	v11 =	vadd.f32 v14, v9;
	v9 =	vadd.f32 v15, v18;
	v14 =	vand.u32 $0xFFFF0000, v17;
	v5 =	vld [tilespmem:s18+$0x40];
	s18 =	sadd.s32 $0xA0, s18  }
0x54: {  	s17 =	sadd.s32 $0xF0, s16  }
0x55: {  	[tilespmem:s10], [sflag:$0x2] =	stream.indirect.gather [hbm4b:s3+s8], $0x20, s17, s8, $0xb8;
	[tilespmem:$0x8000] =	vst v63  }
0x56: {  	_ =	swait.ge [sflag:s11], $0xA00  }
0x57: {  	[sflag:s11] =	ssyncset.done $0x0  }
0x58: {  	s18 =	simm.s32 $0x6450;
	[sflag:s11] =	ssyncadd.s32 $0xFFFFF600  }
0x59: {  	v12 =	vadd.f32 v13, v12;
	v13 =	vld [tilespmem:s18+$0x30]  }
0x5a: {  	v10 =	vadd.f32 v14, v10;
	v14 =	vshll.u32 v8, $0x10;
	v4 =	vadd.f32 v4, v11;
	v11 =	vld [tilespmem:s18+$0x10]  }
0x5b: {  	v8 =	vand.u32 $0xFFFF0000, v8;
	v7 =	vadd.f32 v7, v9;
	v9 =	vadd.f32 v14, v12;
	v12 =	vld [tilespmem:s18+$0xFFFFFFF0]  }
0x5c: {  	v8 =	vadd.f32 v8, v10;
	v10 =	vshll.u32 v6, $0x10;
	v3 =	vadd.f32 v3, v4;
	v14 =	vld [tilespmem:s18+$0xFFFFFFD0]  }
0x5d: {  	v2 =	vadd.f32 v2, v7;
	v4 =	vand.u32 $0xFFFF0000, v6;
	v6 =	vadd.f32 v10, v9;
	v9 =	vld [tilespmem:s18+$0xFFFFFFB0]  }
0x5e: {  	v4 =	vadd.f32 v4, v8;
	v7 =	vshll.u32 v5, $0x10;
	v10 =	vadd.f32 v1, v3;
	v15 =	vld [tilespmem:s18+$0xFFFFFFC0]  }
0x5f: {  	v16 =	vadd.f32 v0, v2;
	v0 =	vand.u32 $0xFFFF0000, v5;
	v5 =	vadd.f32 v7, v6  }
0x60: {  	v18 =	vld [tilespmem:s18+$0xFFFFFFE0];
	v17 =	vadd.f32 v0, v4;
	v1 =	vshll.u32 v13, $0x10;
	v0 =	vand.u32 $0xFFFF0000, v13  }
0x61: {  	v4 =	vshll.u32 v12, $0x10;
	v3 =	vshll.u32 v11, $0x10;
	v2 =	vand.u32 $0xFFFF0000, v11  }
0x62: {  	v8 =	vld [tilespmem:s18+$0x0];
	v11 =	vshll.u32 v14, $0x10;
	v14 =	vand.u32 $0xFFFF0000, v14;
	v7 =	vand.u32 $0xFFFF0000, v12  }
0x63: {  	v6 =	vshll.u32 v9, $0x10;
	v9 =	vand.u32 $0xFFFF0000, v9;
	v12 =	vshll.u32 v15, $0x10  }
0x64: {  	v19 =	vadd.f32 v6, v10;
	v9 =	vadd.f32 v9, v16;
	v10 =	vand.u32 $0xFFFF0000, v15;
	v6 =	vld [tilespmem:s18+$0x20]  }
0x65: {  	v13 =	vshll.u32 v18, $0x10;
	v12 =	vadd.f32 v12, v5;
	v10 =	vadd.f32 v10, v17  }
0x66: {  	s17 =	simm.s32 $0x0;
	v5 =	vld [tilespmem:s18+$0x40];
	s18 =	simm.s32 $0x64F0;
	v11 =	vadd.f32 v11, v19;
	v9 =	vadd.f32 v14, v9;
	v14 =	vand.u32 $0xFFFF0000, v18  }
.LBB2_7:
0x67: {  	v15 =	vld [tilespmem:s18+$0x30];
	v12 =	vadd.f32 v13, v12;
	v10 =	vadd.f32 v14, v10;
	v13 =	vshll.u32 v8, $0x10  }
0x68: {  	v8 =	vand.u32 $0xFFFF0000, v8;
	v14 =	vld [tilespmem:s18+$0x10];
	v4 =	vadd.f32 v4, v11;
	v7 =	vadd.f32 v7, v9  }
0x69: {  	v9 =	vld [tilespmem:s18+$0xFFFFFFF0];
	v11 =	vadd.f32 v13, v12;
	v8 =	vadd.f32 v8, v10;
	v10 =	vshll.u32 v6, $0x10  }
0x6a: {  	v12 =	vld [tilespmem:s18+$0xFFFFFFD0];
	v3 =	vadd.f32 v3, v4;
	v2 =	vadd.f32 v2, v7;
	v4 =	vand.u32 $0xFFFF0000, v6  }
0x6b: {  	v6 =	vld [tilespmem:s18+$0xFFFFFFB0];
	v7 =	vadd.f32 v10, v11;
	v4 =	vadd.f32 v4, v8;
	v8 =	vshll.u32 v5, $0x10  }
0x6c: {  	v10 =	vld [tilespmem:s18+$0xFFFFFFC0];
	v11 =	vadd.f32 v1, v3;
	v13 =	vadd.f32 v0, v2;
	v0 =	vand.u32 $0xFFFF0000, v5  }
0x6d: {  	s17 =	sadd.s32 $0x5, s17;
	v5 =	vadd.f32 v8, v7;
	v16 =	vadd.f32 v0, v4  }
0x6e: {  	p0 =	slt.u32 s17, $0x4B;
	v1 =	vshll.u32 v15, $0x10;
	v0 =	vand.u32 $0xFFFF0000, v15;
	v17 =	vld [tilespmem:s18+$0xFFFFFFE0]  }
0x6f: {  	v3 =	vshll.u32 v14, $0x10;
	v2 =	vand.u32 $0xFFFF0000, v14;
	v4 =	vshll.u32 v9, $0x10  }
.Ltmp2:
0x70: {  	v7 =	vand.u32 $0xFFFF0000, v9;
	v14 =	vshll.u32 v12, $0x10;
	v15 =	vand.u32 $0xFFFF0000, v12;
	v8 =	vld [tilespmem:s18+$0x0];
	(pc) =	sbr.rel @p0 .LBB2_7-.Ltmp2, $4  }
0x71: {  	v9 =	vshll.u32 v6, $0x10;
	v6 =	vand.u32 $0xFFFF0000, v6;
	v12 =	vshll.u32 v10, $0x10  }
0x72: {  	v9 =	vadd.f32 v9, v11;
	v18 =	vadd.f32 v6, v13;
	v10 =	vand.u32 $0xFFFF0000, v10;
	v6 =	vld [tilespmem:s18+$0x20]  }
0x73: {  	v12 =	vadd.f32 v12, v5;
	v10 =	vadd.f32 v10, v16;
	v13 =	vshll.u32 v17, $0x10  }
0x74: {  	v11 =	vadd.f32 v14, v9;
	v9 =	vadd.f32 v15, v18;
	v14 =	vand.u32 $0xFFFF0000, v17;
	v5 =	vld [tilespmem:s18+$0x40];
	s18 =	sadd.s32 $0xA0, s18  }
0x75: {  	s17 =	sadd.s32 $0x140, s16  }
0x76: {  	[tilespmem:s9], [sflag:$0x1] =	stream.indirect.gather [hbm4b:s3+s8], $0x20, s17, s8, $0xb8;
	[tilespmem:$0x8000] =	vst v63  }
0x77: {  	_ =	swait.ge [sflag:s12], $0xA00  }
0x78: {  	[sflag:s12] =	ssyncset.done $0x0  }
0x79: {  	s18 =	simm.s32 $0x6E50;
	[sflag:s12] =	ssyncadd.s32 $0xFFFFF600  }
0x7a: {  	v12 =	vadd.f32 v13, v12;
	v13 =	vld [tilespmem:s18+$0x30]  }
0x7b: {  	v10 =	vadd.f32 v14, v10;
	v14 =	vshll.u32 v8, $0x10;
	v4 =	vadd.f32 v4, v11;
	v11 =	vld [tilespmem:s18+$0x10]  }
0x7c: {  	v8 =	vand.u32 $0xFFFF0000, v8;
	v7 =	vadd.f32 v7, v9;
	v9 =	vadd.f32 v14, v12;
	v12 =	vld [tilespmem:s18+$0xFFFFFFF0]  }
0x7d: {  	v8 =	vadd.f32 v8, v10;
	v10 =	vshll.u32 v6, $0x10;
	v3 =	vadd.f32 v3, v4;
	v14 =	vld [tilespmem:s18+$0xFFFFFFD0]  }
0x7e: {  	v2 =	vadd.f32 v2, v7;
	v4 =	vand.u32 $0xFFFF0000, v6;
	v6 =	vadd.f32 v10, v9;
	v9 =	vld [tilespmem:s18+$0xFFFFFFB0]  }
0x7f: {  	v4 =	vadd.f32 v4, v8;
	v7 =	vshll.u32 v5, $0x10;
	v10 =	vadd.f32 v1, v3;
	v15 =	vld [tilespmem:s18+$0xFFFFFFC0]  }
0x80: {  	v16 =	vadd.f32 v0, v2;
	v0 =	vand.u32 $0xFFFF0000, v5;
	v5 =	vadd.f32 v7, v6  }
0x81: {  	v18 =	vld [tilespmem:s18+$0xFFFFFFE0];
	v17 =	vadd.f32 v0, v4;
	v1 =	vshll.u32 v13, $0x10;
	v0 =	vand.u32 $0xFFFF0000, v13  }
0x82: {  	v4 =	vshll.u32 v12, $0x10;
	v3 =	vshll.u32 v11, $0x10;
	v2 =	vand.u32 $0xFFFF0000, v11  }
0x83: {  	v8 =	vld [tilespmem:s18+$0x0];
	v11 =	vshll.u32 v14, $0x10;
	v14 =	vand.u32 $0xFFFF0000, v14;
	v7 =	vand.u32 $0xFFFF0000, v12  }
0x84: {  	v6 =	vshll.u32 v9, $0x10;
	v9 =	vand.u32 $0xFFFF0000, v9;
	v12 =	vshll.u32 v15, $0x10  }
0x85: {  	v19 =	vadd.f32 v6, v10;
	v9 =	vadd.f32 v9, v16;
	v10 =	vand.u32 $0xFFFF0000, v15;
	v6 =	vld [tilespmem:s18+$0x20]  }
0x86: {  	v13 =	vshll.u32 v18, $0x10;
	v12 =	vadd.f32 v12, v5;
	v10 =	vadd.f32 v10, v17  }
0x87: {  	s17 =	simm.s32 $0x0;
	v5 =	vld [tilespmem:s18+$0x40];
	s18 =	simm.s32 $0x6EF0;
	v11 =	vadd.f32 v11, v19;
	v9 =	vadd.f32 v14, v9;
	v14 =	vand.u32 $0xFFFF0000, v18  }
.LBB2_9:
0x88: {  	v15 =	vld [tilespmem:s18+$0x30];
	v12 =	vadd.f32 v13, v12;
	v10 =	vadd.f32 v14, v10;
	v13 =	vshll.u32 v8, $0x10  }
0x89: {  	v8 =	vand.u32 $0xFFFF0000, v8;
	v14 =	vld [tilespmem:s18+$0x10];
	v4 =	vadd.f32 v4, v11;
	v7 =	vadd.f32 v7, v9  }
0x8a: {  	v9 =	vld [tilespmem:s18+$0xFFFFFFF0];
	v11 =	vadd.f32 v13, v12;
	v8 =	vadd.f32 v8, v10;
	v10 =	vshll.u32 v6, $0x10  }
0x8b: {  	v12 =	vld [tilespmem:s18+$0xFFFFFFD0];
	v3 =	vadd.f32 v3, v4;
	v2 =	vadd.f32 v2, v7;
	v4 =	vand.u32 $0xFFFF0000, v6  }
0x8c: {  	v6 =	vld [tilespmem:s18+$0xFFFFFFB0];
	v7 =	vadd.f32 v10, v11;
	v4 =	vadd.f32 v4, v8;
	v8 =	vshll.u32 v5, $0x10  }
0x8d: {  	v10 =	vld [tilespmem:s18+$0xFFFFFFC0];
	v11 =	vadd.f32 v1, v3;
	v13 =	vadd.f32 v0, v2;
	v0 =	vand.u32 $0xFFFF0000, v5  }
0x8e: {  	s17 =	sadd.s32 $0x5, s17;
	v5 =	vadd.f32 v8, v7;
	v16 =	vadd.f32 v0, v4  }
0x8f: {  	p0 =	slt.u32 s17, $0x4B;
	v1 =	vshll.u32 v15, $0x10;
	v0 =	vand.u32 $0xFFFF0000, v15;
	v17 =	vld [tilespmem:s18+$0xFFFFFFE0]  }
0x90: {  	v3 =	vshll.u32 v14, $0x10;
	v2 =	vand.u32 $0xFFFF0000, v14;
	v4 =	vshll.u32 v9, $0x10  }
.Ltmp3:
0x91: {  	v7 =	vand.u32 $0xFFFF0000, v9;
	v14 =	vshll.u32 v12, $0x10;
	v15 =	vand.u32 $0xFFFF0000, v12;
	v8 =	vld [tilespmem:s18+$0x0];
	(pc) =	sbr.rel @p0 .LBB2_9-.Ltmp3, $4  }
0x92: {  	v9 =	vshll.u32 v6, $0x10;
	v6 =	vand.u32 $0xFFFF0000, v6;
	v12 =	vshll.u32 v10, $0x10  }
0x93: {  	v9 =	vadd.f32 v9, v11;
	v18 =	vadd.f32 v6, v13;
	v10 =	vand.u32 $0xFFFF0000, v10;
	v6 =	vld [tilespmem:s18+$0x20]  }
0x94: {  	v12 =	vadd.f32 v12, v5;
	v10 =	vadd.f32 v10, v16;
	v13 =	vshll.u32 v17, $0x10  }
0x95: {  	v11 =	vadd.f32 v14, v9;
	v9 =	vadd.f32 v15, v18;
	v14 =	vand.u32 $0xFFFF0000, v17;
	v5 =	vld [tilespmem:s18+$0x40];
	s18 =	sadd.s32 $0xA0, s18  }
0x96: {  	s17 =	sadd.s32 $0x190, s16  }
0x97: {  	[tilespmem:s10], [sflag:$0x2] =	stream.indirect.gather [hbm4b:s3+s8], $0x20, s17, s8, $0xb8;
	[tilespmem:$0x8000] =	vst v63  }
0x98: {  	_ =	swait.ge [sflag:s11], $0xA00  }
0x99: {  	[sflag:s11] =	ssyncset.done $0x0  }
0x9a: {  	s18 =	simm.s32 $0x6450;
	[sflag:s11] =	ssyncadd.s32 $0xFFFFF600  }
0x9b: {  	v12 =	vadd.f32 v13, v12;
	v13 =	vld [tilespmem:s18+$0x30]  }
0x9c: {  	v10 =	vadd.f32 v14, v10;
	v14 =	vshll.u32 v8, $0x10;
	v4 =	vadd.f32 v4, v11;
	v11 =	vld [tilespmem:s18+$0x10]  }
0x9d: {  	v8 =	vand.u32 $0xFFFF0000, v8;
	v7 =	vadd.f32 v7, v9;
	v9 =	vadd.f32 v14, v12;
	v12 =	vld [tilespmem:s18+$0xFFFFFFF0]  }
0x9e: {  	v8 =	vadd.f32 v8, v10;
	v10 =	vshll.u32 v6, $0x10;
	v3 =	vadd.f32 v3, v4;
	v14 =	vld [tilespmem:s18+$0xFFFFFFD0]  }
0x9f: {  	v2 =	vadd.f32 v2, v7;
	v4 =	vand.u32 $0xFFFF0000, v6;
	v6 =	vadd.f32 v10, v9;
	v9 =	vld [tilespmem:s18+$0xFFFFFFB0]  }
0xa0: {  	v4 =	vadd.f32 v4, v8;
	v7 =	vshll.u32 v5, $0x10;
	v10 =	vadd.f32 v1, v3;
	v15 =	vld [tilespmem:s18+$0xFFFFFFC0]  }
0xa1: {  	v16 =	vadd.f32 v0, v2;
	v0 =	vand.u32 $0xFFFF0000, v5;
	v5 =	vadd.f32 v7, v6  }
0xa2: {  	v18 =	vld [tilespmem:s18+$0xFFFFFFE0];
	v17 =	vadd.f32 v0, v4;
	v1 =	vshll.u32 v13, $0x10;
	v0 =	vand.u32 $0xFFFF0000, v13  }
0xa3: {  	v4 =	vshll.u32 v12, $0x10;
	v3 =	vshll.u32 v11, $0x10;
	v2 =	vand.u32 $0xFFFF0000, v11  }
0xa4: {  	v8 =	vld [tilespmem:s18+$0x0];
	v11 =	vshll.u32 v14, $0x10;
	v14 =	vand.u32 $0xFFFF0000, v14;
	v7 =	vand.u32 $0xFFFF0000, v12  }
0xa5: {  	v6 =	vshll.u32 v9, $0x10;
	v9 =	vand.u32 $0xFFFF0000, v9;
	v12 =	vshll.u32 v15, $0x10  }
0xa6: {  	v19 =	vadd.f32 v6, v10;
	v9 =	vadd.f32 v9, v16;
	v10 =	vand.u32 $0xFFFF0000, v15;
	v6 =	vld [tilespmem:s18+$0x20]  }
0xa7: {  	v13 =	vshll.u32 v18, $0x10;
	v12 =	vadd.f32 v12, v5;
	v10 =	vadd.f32 v10, v17  }
0xa8: {  	s17 =	simm.s32 $0x0;
	v5 =	vld [tilespmem:s18+$0x40];
	s18 =	simm.s32 $0x64F0;
	v11 =	vadd.f32 v11, v19;
	v9 =	vadd.f32 v14, v9;
	v14 =	vand.u32 $0xFFFF0000, v18  }
.LBB2_11:
0xa9: {  	v15 =	vld [tilespmem:s18+$0x30];
	v12 =	vadd.f32 v13, v12;
	v10 =	vadd.f32 v14, v10;
	v13 =	vshll.u32 v8, $0x10  }
0xaa: {  	v8 =	vand.u32 $0xFFFF0000, v8;
	v14 =	vld [tilespmem:s18+$0x10];
	v4 =	vadd.f32 v4, v11;
	v7 =	vadd.f32 v7, v9  }
0xab: {  	v9 =	vld [tilespmem:s18+$0xFFFFFFF0];
	v11 =	vadd.f32 v13, v12;
	v8 =	vadd.f32 v8, v10;
	v10 =	vshll.u32 v6, $0x10  }
0xac: {  	v12 =	vld [tilespmem:s18+$0xFFFFFFD0];
	v3 =	vadd.f32 v3, v4;
	v2 =	vadd.f32 v2, v7;
	v4 =	vand.u32 $0xFFFF0000, v6  }
0xad: {  	v6 =	vld [tilespmem:s18+$0xFFFFFFB0];
	v7 =	vadd.f32 v10, v11;
	v4 =	vadd.f32 v4, v8;
	v8 =	vshll.u32 v5, $0x10  }
0xae: {  	v10 =	vld [tilespmem:s18+$0xFFFFFFC0];
	v11 =	vadd.f32 v1, v3;
	v13 =	vadd.f32 v0, v2;
	v0 =	vand.u32 $0xFFFF0000, v5  }
0xaf: {  	s17 =	sadd.s32 $0x5, s17;
	v5 =	vadd.f32 v8, v7;
	v16 =	vadd.f32 v0, v4  }
0xb0: {  	p0 =	slt.u32 s17, $0x4B;
	v1 =	vshll.u32 v15, $0x10;
	v0 =	vand.u32 $0xFFFF0000, v15;
	v17 =	vld [tilespmem:s18+$0xFFFFFFE0]  }
0xb1: {  	v3 =	vshll.u32 v14, $0x10;
	v2 =	vand.u32 $0xFFFF0000, v14;
	v4 =	vshll.u32 v9, $0x10  }
.Ltmp4:
0xb2: {  	v7 =	vand.u32 $0xFFFF0000, v9;
	v14 =	vshll.u32 v12, $0x10;
	v15 =	vand.u32 $0xFFFF0000, v12;
	v8 =	vld [tilespmem:s18+$0x0];
	(pc) =	sbr.rel @p0 .LBB2_11-.Ltmp4, $4  }
0xb3: {  	v9 =	vshll.u32 v6, $0x10;
	v6 =	vand.u32 $0xFFFF0000, v6;
	v12 =	vshll.u32 v10, $0x10  }
0xb4: {  	v9 =	vadd.f32 v9, v11;
	v18 =	vadd.f32 v6, v13;
	v10 =	vand.u32 $0xFFFF0000, v10;
	v6 =	vld [tilespmem:s18+$0x20]  }
0xb5: {  	v12 =	vadd.f32 v12, v5;
	v10 =	vadd.f32 v10, v16;
	v13 =	vshll.u32 v17, $0x10  }
0xb6: {  	v11 =	vadd.f32 v14, v9;
	v9 =	vadd.f32 v15, v18;
	v14 =	vand.u32 $0xFFFF0000, v17;
	v5 =	vld [tilespmem:s18+$0x40];
	s18 =	sadd.s32 $0xA0, s18  }
0xb7: {  	s17 =	sadd.s32 $0x1E0, s16  }
0xb8: {  	[tilespmem:s9], [sflag:$0x1] =	stream.indirect.gather [hbm4b:s3+s8], $0x20, s17, s8, $0xb8;
	[tilespmem:$0x8000] =	vst v63  }
0xb9: {  	_ =	swait.ge [sflag:s12], $0xA00  }
0xba: {  	[sflag:s12] =	ssyncset.done $0x0  }
0xbb: {  	s18 =	simm.s32 $0x6E50;
	[sflag:s12] =	ssyncadd.s32 $0xFFFFF600  }
0xbc: {  	v12 =	vadd.f32 v13, v12;
	v13 =	vld [tilespmem:s18+$0x30]  }
0xbd: {  	v10 =	vadd.f32 v14, v10;
	v14 =	vshll.u32 v8, $0x10;
	v4 =	vadd.f32 v4, v11;
	v11 =	vld [tilespmem:s18+$0x10]  }
0xbe: {  	v8 =	vand.u32 $0xFFFF0000, v8;
	v7 =	vadd.f32 v7, v9;
	v9 =	vadd.f32 v14, v12;
	v12 =	vld [tilespmem:s18+$0xFFFFFFF0]  }
0xbf: {  	v8 =	vadd.f32 v8, v10;
	v10 =	vshll.u32 v6, $0x10;
	v3 =	vadd.f32 v3, v4;
	v14 =	vld [tilespmem:s18+$0xFFFFFFD0]  }
0xc0: {  	v2 =	vadd.f32 v2, v7;
	v4 =	vand.u32 $0xFFFF0000, v6;
	v6 =	vadd.f32 v10, v9;
	v9 =	vld [tilespmem:s18+$0xFFFFFFB0]  }
0xc1: {  	v4 =	vadd.f32 v4, v8;
	v7 =	vshll.u32 v5, $0x10;
	v10 =	vadd.f32 v1, v3;
	v15 =	vld [tilespmem:s18+$0xFFFFFFC0]  }
0xc2: {  	v16 =	vadd.f32 v0, v2;
	v0 =	vand.u32 $0xFFFF0000, v5;
	v5 =	vadd.f32 v7, v6  }
0xc3: {  	v18 =	vld [tilespmem:s18+$0xFFFFFFE0];
	v17 =	vadd.f32 v0, v4;
	v1 =	vshll.u32 v13, $0x10;
	v0 =	vand.u32 $0xFFFF0000, v13  }
0xc4: {  	v4 =	vshll.u32 v12, $0x10;
	v3 =	vshll.u32 v11, $0x10;
	v2 =	vand.u32 $0xFFFF0000, v11  }
0xc5: {  	v8 =	vld [tilespmem:s18+$0x0];
	v11 =	vshll.u32 v14, $0x10;
	v14 =	vand.u32 $0xFFFF0000, v14;
	v7 =	vand.u32 $0xFFFF0000, v12  }
0xc6: {  	v6 =	vshll.u32 v9, $0x10;
	v9 =	vand.u32 $0xFFFF0000, v9;
	v12 =	vshll.u32 v15, $0x10  }
0xc7: {  	v19 =	vadd.f32 v6, v10;
	v9 =	vadd.f32 v9, v16;
	v10 =	vand.u32 $0xFFFF0000, v15;
	v6 =	vld [tilespmem:s18+$0x20]  }
0xc8: {  	v13 =	vshll.u32 v18, $0x10;
	v12 =	vadd.f32 v12, v5;
	v10 =	vadd.f32 v10, v17  }
0xc9: {  	s17 =	simm.s32 $0x0;
	v5 =	vld [tilespmem:s18+$0x40];
	s18 =	simm.s32 $0x6EF0;
	v11 =	vadd.f32 v11, v19;
	v9 =	vadd.f32 v14, v9;
	v14 =	vand.u32 $0xFFFF0000, v18  }
.LBB2_13:
0xca: {  	v15 =	vld [tilespmem:s18+$0x30];
	v12 =	vadd.f32 v13, v12;
	v10 =	vadd.f32 v14, v10;
	v13 =	vshll.u32 v8, $0x10  }
0xcb: {  	v8 =	vand.u32 $0xFFFF0000, v8;
	v14 =	vld [tilespmem:s18+$0x10];
	v4 =	vadd.f32 v4, v11;
	v7 =	vadd.f32 v7, v9  }
0xcc: {  	v9 =	vld [tilespmem:s18+$0xFFFFFFF0];
	v11 =	vadd.f32 v13, v12;
	v8 =	vadd.f32 v8, v10;
	v10 =	vshll.u32 v6, $0x10  }
0xcd: {  	v12 =	vld [tilespmem:s18+$0xFFFFFFD0];
	v3 =	vadd.f32 v3, v4;
	v2 =	vadd.f32 v2, v7;
	v4 =	vand.u32 $0xFFFF0000, v6  }
0xce: {  	v6 =	vld [tilespmem:s18+$0xFFFFFFB0];
	v7 =	vadd.f32 v10, v11;
	v4 =	vadd.f32 v4, v8;
	v8 =	vshll.u32 v5, $0x10  }
0xcf: {  	v10 =	vld [tilespmem:s18+$0xFFFFFFC0];
	v11 =	vadd.f32 v1, v3;
	v13 =	vadd.f32 v0, v2;
	v0 =	vand.u32 $0xFFFF0000, v5  }
0xd0: {  	s17 =	sadd.s32 $0x5, s17;
	v5 =	vadd.f32 v8, v7;
	v16 =	vadd.f32 v0, v4  }
0xd1: {  	p0 =	slt.u32 s17, $0x4B;
	v1 =	vshll.u32 v15, $0x10;
	v0 =	vand.u32 $0xFFFF0000, v15;
	v17 =	vld [tilespmem:s18+$0xFFFFFFE0]  }
0xd2: {  	v3 =	vshll.u32 v14, $0x10;
	v2 =	vand.u32 $0xFFFF0000, v14;
	v4 =	vshll.u32 v9, $0x10  }
.Ltmp5:
0xd3: {  	v7 =	vand.u32 $0xFFFF0000, v9;
	v14 =	vshll.u32 v12, $0x10;
	v15 =	vand.u32 $0xFFFF0000, v12;
	v8 =	vld [tilespmem:s18+$0x0];
	(pc) =	sbr.rel @p0 .LBB2_13-.Ltmp5, $4  }
0xd4: {  	v9 =	vshll.u32 v6, $0x10;
	v6 =	vand.u32 $0xFFFF0000, v6;
	v12 =	vshll.u32 v10, $0x10  }
0xd5: {  	v9 =	vadd.f32 v9, v11;
	v18 =	vadd.f32 v6, v13;
	v10 =	vand.u32 $0xFFFF0000, v10;
	v6 =	vld [tilespmem:s18+$0x20]  }
0xd6: {  	v12 =	vadd.f32 v12, v5;
	v10 =	vadd.f32 v10, v16;
	v13 =	vshll.u32 v17, $0x10  }
0xd7: {  	v11 =	vadd.f32 v14, v9;
	v9 =	vadd.f32 v15, v18;
	v14 =	vand.u32 $0xFFFF0000, v17;
	v5 =	vld [tilespmem:s18+$0x40];
	s18 =	sadd.s32 $0xA0, s18  }
0xd8: {  	s17 =	sadd.s32 $0x230, s16  }
0xd9: {  	[tilespmem:s10], [sflag:$0x2] =	stream.indirect.gather [hbm4b:s3+s8], $0x20, s17, s8, $0xb8;
	[tilespmem:$0x8000] =	vst v63  }
0xda: {  	_ =	swait.ge [sflag:s11], $0xA00  }
0xdb: {  	[sflag:s11] =	ssyncset.done $0x0  }
0xdc: {  	s18 =	simm.s32 $0x6450;
	[sflag:s11] =	ssyncadd.s32 $0xFFFFF600  }
0xdd: {  	v12 =	vadd.f32 v13, v12;
	v13 =	vld [tilespmem:s18+$0x30]  }
0xde: {  	v10 =	vadd.f32 v14, v10;
	v14 =	vshll.u32 v8, $0x10;
	v4 =	vadd.f32 v4, v11;
	v11 =	vld [tilespmem:s18+$0x10]  }
0xdf: {  	v8 =	vand.u32 $0xFFFF0000, v8;
	v7 =	vadd.f32 v7, v9;
	v9 =	vadd.f32 v14, v12;
	v12 =	vld [tilespmem:s18+$0xFFFFFFF0]  }
0xe0: {  	v8 =	vadd.f32 v8, v10;
	v10 =	vshll.u32 v6, $0x10;
	v3 =	vadd.f32 v3, v4;
	v14 =	vld [tilespmem:s18+$0xFFFFFFD0]  }
0xe1: {  	v2 =	vadd.f32 v2, v7;
	v4 =	vand.u32 $0xFFFF0000, v6;
	v6 =	vadd.f32 v10, v9;
	v9 =	vld [tilespmem:s18+$0xFFFFFFB0]  }
0xe2: {  	v4 =	vadd.f32 v4, v8;
	v7 =	vshll.u32 v5, $0x10;
	v10 =	vadd.f32 v1, v3;
	v15 =	vld [tilespmem:s18+$0xFFFFFFC0]  }
0xe3: {  	v16 =	vadd.f32 v0, v2;
	v0 =	vand.u32 $0xFFFF0000, v5;
	v5 =	vadd.f32 v7, v6  }
0xe4: {  	v18 =	vld [tilespmem:s18+$0xFFFFFFE0];
	v17 =	vadd.f32 v0, v4;
	v1 =	vshll.u32 v13, $0x10;
	v0 =	vand.u32 $0xFFFF0000, v13  }
0xe5: {  	v4 =	vshll.u32 v12, $0x10;
	v3 =	vshll.u32 v11, $0x10;
	v2 =	vand.u32 $0xFFFF0000, v11  }
0xe6: {  	v8 =	vld [tilespmem:s18+$0x0];
	v11 =	vshll.u32 v14, $0x10;
	v14 =	vand.u32 $0xFFFF0000, v14;
	v7 =	vand.u32 $0xFFFF0000, v12  }
0xe7: {  	v6 =	vshll.u32 v9, $0x10;
	v9 =	vand.u32 $0xFFFF0000, v9;
	v12 =	vshll.u32 v15, $0x10  }
0xe8: {  	v19 =	vadd.f32 v6, v10;
	v9 =	vadd.f32 v9, v16;
	v10 =	vand.u32 $0xFFFF0000, v15;
	v6 =	vld [tilespmem:s18+$0x20]  }
0xe9: {  	v13 =	vshll.u32 v18, $0x10;
	v12 =	vadd.f32 v12, v5;
	v10 =	vadd.f32 v10, v17  }
0xea: {  	s17 =	simm.s32 $0x0;
	v5 =	vld [tilespmem:s18+$0x40];
	s18 =	simm.s32 $0x64F0;
	v11 =	vadd.f32 v11, v19;
	v9 =	vadd.f32 v14, v9;
	v14 =	vand.u32 $0xFFFF0000, v18  }
.LBB2_15:
0xeb: {  	v15 =	vld [tilespmem:s18+$0x30];
	v12 =	vadd.f32 v13, v12;
	v10 =	vadd.f32 v14, v10;
	v13 =	vshll.u32 v8, $0x10  }
0xec: {  	v8 =	vand.u32 $0xFFFF0000, v8;
	v14 =	vld [tilespmem:s18+$0x10];
	v4 =	vadd.f32 v4, v11;
	v7 =	vadd.f32 v7, v9  }
0xed: {  	v9 =	vld [tilespmem:s18+$0xFFFFFFF0];
	v11 =	vadd.f32 v13, v12;
	v8 =	vadd.f32 v8, v10;
	v10 =	vshll.u32 v6, $0x10  }
0xee: {  	v12 =	vld [tilespmem:s18+$0xFFFFFFD0];
	v3 =	vadd.f32 v3, v4;
	v2 =	vadd.f32 v2, v7;
	v4 =	vand.u32 $0xFFFF0000, v6  }
0xef: {  	v6 =	vld [tilespmem:s18+$0xFFFFFFB0];
	v7 =	vadd.f32 v10, v11;
	v4 =	vadd.f32 v4, v8;
	v8 =	vshll.u32 v5, $0x10  }
0xf0: {  	v10 =	vld [tilespmem:s18+$0xFFFFFFC0];
	v11 =	vadd.f32 v1, v3;
	v13 =	vadd.f32 v0, v2;
	v0 =	vand.u32 $0xFFFF0000, v5  }
0xf1: {  	s17 =	sadd.s32 $0x5, s17;
	v5 =	vadd.f32 v8, v7;
	v16 =	vadd.f32 v0, v4  }
0xf2: {  	p0 =	slt.u32 s17, $0x4B;
	v1 =	vshll.u32 v15, $0x10;
	v0 =	vand.u32 $0xFFFF0000, v15;
	v17 =	vld [tilespmem:s18+$0xFFFFFFE0]  }
0xf3: {  	v3 =	vshll.u32 v14, $0x10;
	v2 =	vand.u32 $0xFFFF0000, v14;
	v4 =	vshll.u32 v9, $0x10  }
.Ltmp6:
0xf4: {  	v7 =	vand.u32 $0xFFFF0000, v9;
	v14 =	vshll.u32 v12, $0x10;
	v15 =	vand.u32 $0xFFFF0000, v12;
	v8 =	vld [tilespmem:s18+$0x0];
	(pc) =	sbr.rel @p0 .LBB2_15-.Ltmp6, $4  }
0xf5: {  	v9 =	vshll.u32 v6, $0x10;
	v6 =	vand.u32 $0xFFFF0000, v6;
	v12 =	vshll.u32 v10, $0x10  }
0xf6: {  	v9 =	vadd.f32 v9, v11;
	v18 =	vadd.f32 v6, v13;
	v10 =	vand.u32 $0xFFFF0000, v10;
	v6 =	vld [tilespmem:s18+$0x20]  }
0xf7: {  	v12 =	vadd.f32 v12, v5;
	v10 =	vadd.f32 v10, v16;
	v13 =	vshll.u32 v17, $0x10  }
0xf8: {  	v11 =	vadd.f32 v14, v9;
	v9 =	vadd.f32 v15, v18;
	v14 =	vand.u32 $0xFFFF0000, v17;
	v5 =	vld [tilespmem:s18+$0x40];
	s18 =	sadd.s32 $0xA0, s18  }
0xf9: {  	s17 =	sadd.s32 $0x280, s16  }
0xfa: {  	[tilespmem:s9], [sflag:$0x1] =	stream.indirect.gather [hbm4b:s3+s8], $0x20, s17, s8, $0xb8;
	[tilespmem:$0x8000] =	vst v63  }
0xfb: {  	_ =	swait.ge [sflag:s12], $0xA00  }
0xfc: {  	[sflag:s12] =	ssyncset.done $0x0  }
0xfd: {  	s18 =	simm.s32 $0x6E50;
	[sflag:s12] =	ssyncadd.s32 $0xFFFFF600  }
0xfe: {  	v12 =	vadd.f32 v13, v12;
	v13 =	vld [tilespmem:s18+$0x30]  }
0xff: {  	v10 =	vadd.f32 v14, v10;
	v14 =	vshll.u32 v8, $0x10;
	v4 =	vadd.f32 v4, v11;
	v11 =	vld [tilespmem:s18+$0x10]  }
0x100: {  	v8 =	vand.u32 $0xFFFF0000, v8;
	v7 =	vadd.f32 v7, v9;
	v9 =	vadd.f32 v14, v12;
	v12 =	vld [tilespmem:s18+$0xFFFFFFF0]  }
0x101: {  	v8 =	vadd.f32 v8, v10;
	v10 =	vshll.u32 v6, $0x10;
	v3 =	vadd.f32 v3, v4;
	v14 =	vld [tilespmem:s18+$0xFFFFFFD0]  }
0x102: {  	v2 =	vadd.f32 v2, v7;
	v4 =	vand.u32 $0xFFFF0000, v6;
	v6 =	vadd.f32 v10, v9;
	v9 =	vld [tilespmem:s18+$0xFFFFFFB0]  }
0x103: {  	v4 =	vadd.f32 v4, v8;
	v7 =	vshll.u32 v5, $0x10;
	v10 =	vadd.f32 v1, v3;
	v15 =	vld [tilespmem:s18+$0xFFFFFFC0]  }
0x104: {  	v16 =	vadd.f32 v0, v2;
	v0 =	vand.u32 $0xFFFF0000, v5;
	v5 =	vadd.f32 v7, v6  }
0x105: {  	v18 =	vld [tilespmem:s18+$0xFFFFFFE0];
	v17 =	vadd.f32 v0, v4;
	v1 =	vshll.u32 v13, $0x10;
	v0 =	vand.u32 $0xFFFF0000, v13  }
0x106: {  	v4 =	vshll.u32 v12, $0x10;
	v3 =	vshll.u32 v11, $0x10;
	v2 =	vand.u32 $0xFFFF0000, v11  }
0x107: {  	v8 =	vld [tilespmem:s18+$0x0];
	v11 =	vshll.u32 v14, $0x10;
	v14 =	vand.u32 $0xFFFF0000, v14;
	v7 =	vand.u32 $0xFFFF0000, v12  }
0x108: {  	v6 =	vshll.u32 v9, $0x10;
	v9 =	vand.u32 $0xFFFF0000, v9;
	v12 =	vshll.u32 v15, $0x10  }
0x109: {  	v19 =	vadd.f32 v6, v10;
	v9 =	vadd.f32 v9, v16;
	v10 =	vand.u32 $0xFFFF0000, v15;
	v6 =	vld [tilespmem:s18+$0x20]  }
0x10a: {  	v13 =	vshll.u32 v18, $0x10;
	v12 =	vadd.f32 v12, v5;
	v10 =	vadd.f32 v10, v17  }
0x10b: {  	s17 =	simm.s32 $0x0;
	v5 =	vld [tilespmem:s18+$0x40];
	s18 =	simm.s32 $0x6EF0;
	v11 =	vadd.f32 v11, v19;
	v9 =	vadd.f32 v14, v9;
	v14 =	vand.u32 $0xFFFF0000, v18  }
.LBB2_17:
0x10c: {  	v15 =	vld [tilespmem:s18+$0x30];
	v12 =	vadd.f32 v13, v12;
	v10 =	vadd.f32 v14, v10;
	v13 =	vshll.u32 v8, $0x10  }
0x10d: {  	v8 =	vand.u32 $0xFFFF0000, v8;
	v14 =	vld [tilespmem:s18+$0x10];
	v4 =	vadd.f32 v4, v11;
	v7 =	vadd.f32 v7, v9  }
0x10e: {  	v9 =	vld [tilespmem:s18+$0xFFFFFFF0];
	v11 =	vadd.f32 v13, v12;
	v8 =	vadd.f32 v8, v10;
	v10 =	vshll.u32 v6, $0x10  }
0x10f: {  	v12 =	vld [tilespmem:s18+$0xFFFFFFD0];
	v3 =	vadd.f32 v3, v4;
	v2 =	vadd.f32 v2, v7;
	v4 =	vand.u32 $0xFFFF0000, v6  }
0x110: {  	v6 =	vld [tilespmem:s18+$0xFFFFFFB0];
	v7 =	vadd.f32 v10, v11;
	v4 =	vadd.f32 v4, v8;
	v8 =	vshll.u32 v5, $0x10  }
0x111: {  	v10 =	vld [tilespmem:s18+$0xFFFFFFC0];
	v11 =	vadd.f32 v1, v3;
	v13 =	vadd.f32 v0, v2;
	v0 =	vand.u32 $0xFFFF0000, v5  }
0x112: {  	s17 =	sadd.s32 $0x5, s17;
	v5 =	vadd.f32 v8, v7;
	v16 =	vadd.f32 v0, v4  }
0x113: {  	p0 =	slt.u32 s17, $0x4B;
	v1 =	vshll.u32 v15, $0x10;
	v0 =	vand.u32 $0xFFFF0000, v15;
	v17 =	vld [tilespmem:s18+$0xFFFFFFE0]  }
0x114: {  	v3 =	vshll.u32 v14, $0x10;
	v2 =	vand.u32 $0xFFFF0000, v14;
	v4 =	vshll.u32 v9, $0x10  }
.Ltmp7:
0x115: {  	v7 =	vand.u32 $0xFFFF0000, v9;
	v14 =	vshll.u32 v12, $0x10;
	v15 =	vand.u32 $0xFFFF0000, v12;
	v8 =	vld [tilespmem:s18+$0x0];
	(pc) =	sbr.rel @p0 .LBB2_17-.Ltmp7, $4  }
0x116: {  	v9 =	vshll.u32 v6, $0x10;
	v6 =	vand.u32 $0xFFFF0000, v6;
	v12 =	vshll.u32 v10, $0x10  }
0x117: {  	v9 =	vadd.f32 v9, v11;
	v18 =	vadd.f32 v6, v13;
	v10 =	vand.u32 $0xFFFF0000, v10;
	v6 =	vld [tilespmem:s18+$0x20]  }
0x118: {  	v12 =	vadd.f32 v12, v5;
	v10 =	vadd.f32 v10, v16;
	v13 =	vshll.u32 v17, $0x10  }
0x119: {  	v11 =	vadd.f32 v14, v9;
	v9 =	vadd.f32 v15, v18;
	v14 =	vand.u32 $0xFFFF0000, v17;
	v5 =	vld [tilespmem:s18+$0x40];
	s18 =	sadd.s32 $0xA0, s18  }
0x11a: {  	s17 =	sadd.s32 $0x2D0, s16  }
0x11b: {  	[tilespmem:s10], [sflag:$0x2] =	stream.indirect.gather [hbm4b:s3+s8], $0x20, s17, s8, $0xb8;
	[tilespmem:$0x8000] =	vst v63  }
0x11c: {  	_ =	swait.ge [sflag:s11], $0xA00  }
0x11d: {  	[sflag:s11] =	ssyncset.done $0x0  }
0x11e: {  	s18 =	simm.s32 $0x6450;
	[sflag:s11] =	ssyncadd.s32 $0xFFFFF600  }
0x11f: {  	v12 =	vadd.f32 v13, v12;
	v13 =	vld [tilespmem:s18+$0x30]  }
0x120: {  	v10 =	vadd.f32 v14, v10;
	v14 =	vshll.u32 v8, $0x10;
	v4 =	vadd.f32 v4, v11;
	v11 =	vld [tilespmem:s18+$0x10]  }
0x121: {  	v8 =	vand.u32 $0xFFFF0000, v8;
	v7 =	vadd.f32 v7, v9;
	v9 =	vadd.f32 v14, v12;
	v12 =	vld [tilespmem:s18+$0xFFFFFFF0]  }
0x122: {  	v8 =	vadd.f32 v8, v10;
	v10 =	vshll.u32 v6, $0x10;
	v3 =	vadd.f32 v3, v4;
	v14 =	vld [tilespmem:s18+$0xFFFFFFD0]  }
0x123: {  	v2 =	vadd.f32 v2, v7;
	v4 =	vand.u32 $0xFFFF0000, v6;
	v6 =	vadd.f32 v10, v9;
	v9 =	vld [tilespmem:s18+$0xFFFFFFB0]  }
0x124: {  	v4 =	vadd.f32 v4, v8;
	v7 =	vshll.u32 v5, $0x10;
	v10 =	vadd.f32 v1, v3;
	v15 =	vld [tilespmem:s18+$0xFFFFFFC0]  }
0x125: {  	v16 =	vadd.f32 v0, v2;
	v0 =	vand.u32 $0xFFFF0000, v5;
	v5 =	vadd.f32 v7, v6  }
0x126: {  	v18 =	vld [tilespmem:s18+$0xFFFFFFE0];
	v17 =	vadd.f32 v0, v4;
	v1 =	vshll.u32 v13, $0x10;
	v0 =	vand.u32 $0xFFFF0000, v13  }
0x127: {  	v4 =	vshll.u32 v12, $0x10;
	v3 =	vshll.u32 v11, $0x10;
	v2 =	vand.u32 $0xFFFF0000, v11  }
0x128: {  	v8 =	vld [tilespmem:s18+$0x0];
	v11 =	vshll.u32 v14, $0x10;
	v14 =	vand.u32 $0xFFFF0000, v14;
	v7 =	vand.u32 $0xFFFF0000, v12  }
0x129: {  	v6 =	vshll.u32 v9, $0x10;
	v9 =	vand.u32 $0xFFFF0000, v9;
	v12 =	vshll.u32 v15, $0x10  }
0x12a: {  	v19 =	vadd.f32 v6, v10;
	v9 =	vadd.f32 v9, v16;
	v10 =	vand.u32 $0xFFFF0000, v15;
	v6 =	vld [tilespmem:s18+$0x20]  }
0x12b: {  	v13 =	vshll.u32 v18, $0x10;
	v12 =	vadd.f32 v12, v5;
	v10 =	vadd.f32 v10, v17  }
0x12c: {  	s17 =	simm.s32 $0x0;
	v5 =	vld [tilespmem:s18+$0x40];
	s18 =	simm.s32 $0x64F0;
	v11 =	vadd.f32 v11, v19;
	v9 =	vadd.f32 v14, v9;
	v14 =	vand.u32 $0xFFFF0000, v18  }
.LBB2_19:
0x12d: {  	v15 =	vld [tilespmem:s18+$0x30];
	v12 =	vadd.f32 v13, v12;
	v10 =	vadd.f32 v14, v10;
	v13 =	vshll.u32 v8, $0x10  }
0x12e: {  	v8 =	vand.u32 $0xFFFF0000, v8;
	v14 =	vld [tilespmem:s18+$0x10];
	v4 =	vadd.f32 v4, v11;
	v7 =	vadd.f32 v7, v9  }
0x12f: {  	v9 =	vld [tilespmem:s18+$0xFFFFFFF0];
	v11 =	vadd.f32 v13, v12;
	v8 =	vadd.f32 v8, v10;
	v10 =	vshll.u32 v6, $0x10  }
0x130: {  	v12 =	vld [tilespmem:s18+$0xFFFFFFD0];
	v3 =	vadd.f32 v3, v4;
	v2 =	vadd.f32 v2, v7;
	v4 =	vand.u32 $0xFFFF0000, v6  }
0x131: {  	v6 =	vld [tilespmem:s18+$0xFFFFFFB0];
	v7 =	vadd.f32 v10, v11;
	v4 =	vadd.f32 v4, v8;
	v8 =	vshll.u32 v5, $0x10  }
0x132: {  	v10 =	vld [tilespmem:s18+$0xFFFFFFC0];
	v11 =	vadd.f32 v1, v3;
	v13 =	vadd.f32 v0, v2;
	v0 =	vand.u32 $0xFFFF0000, v5  }
0x133: {  	s17 =	sadd.s32 $0x5, s17;
	v5 =	vadd.f32 v8, v7;
	v16 =	vadd.f32 v0, v4  }
0x134: {  	p0 =	slt.u32 s17, $0x4B;
	v1 =	vshll.u32 v15, $0x10;
	v0 =	vand.u32 $0xFFFF0000, v15;
	v17 =	vld [tilespmem:s18+$0xFFFFFFE0]  }
0x135: {  	v3 =	vshll.u32 v14, $0x10;
	v2 =	vand.u32 $0xFFFF0000, v14;
	v4 =	vshll.u32 v9, $0x10  }
.Ltmp8:
0x136: {  	v7 =	vand.u32 $0xFFFF0000, v9;
	v14 =	vshll.u32 v12, $0x10;
	v15 =	vand.u32 $0xFFFF0000, v12;
	v8 =	vld [tilespmem:s18+$0x0];
	(pc) =	sbr.rel @p0 .LBB2_19-.Ltmp8, $4  }
0x137: {  	v9 =	vshll.u32 v6, $0x10;
	v6 =	vand.u32 $0xFFFF0000, v6;
	v12 =	vshll.u32 v10, $0x10  }
0x138: {  	v9 =	vadd.f32 v9, v11;
	v18 =	vadd.f32 v6, v13;
	v10 =	vand.u32 $0xFFFF0000, v10;
	v6 =	vld [tilespmem:s18+$0x20]  }
0x139: {  	v12 =	vadd.f32 v12, v5;
	v10 =	vadd.f32 v10, v16;
	v13 =	vshll.u32 v17, $0x10  }
0x13a: {  	v11 =	vadd.f32 v14, v9;
	v9 =	vadd.f32 v15, v18;
	v14 =	vand.u32 $0xFFFF0000, v17;
	v5 =	vld [tilespmem:s18+$0x40];
	s18 =	sadd.s32 $0xA0, s18  }
0x13b: {  	p0 =	seq.s32 s15, $0x1F  }
0x13c: {  	s17 =	sadd.s32 @!p0 $0x320, s16;
	s18 =	simm.s32 @!p0 $0x50;
	s19 =	simm.s32 @!p0 $0x6400  }
0x13d: {  	[tilespmem:s19], [sflag:$0x1] =	stream.indirect.gather @!p0 [hbm4b:s3+s18], $0x20, s17, s18, $0xb8;
	[tilespmem:$0x8000] =	vst v63  }
0x13e: {  	_ =	swait.ge [sflag:s12], $0xA00  }
0x13f: {  	[sflag:s12] =	ssyncset.done $0x0  }
0x140: {  	s31 =	simm.s32 $0x6E50;
	[sflag:s12] =	ssyncadd.s32 $0xFFFFF600  }
0x141: {  	v12 =	vadd.f32 v13, v12;
	v13 =	vld [tilespmem:s31+$0x30]  }
0x142: {  	v10 =	vadd.f32 v14, v10;
	v14 =	vshll.u32 v8, $0x10;
	v4 =	vadd.f32 v4, v11;
	v11 =	vld [tilespmem:s31+$0x10]  }
0x143: {  	v8 =	vand.u32 $0xFFFF0000, v8;
	v7 =	vadd.f32 v7, v9;
	v9 =	vadd.f32 v14, v12;
	v12 =	vld [tilespmem:s31+$0xFFFFFFF0]  }
0x144: {  	v8 =	vadd.f32 v8, v10;
	v10 =	vshll.u32 v6, $0x10;
	v3 =	vadd.f32 v3, v4;
	v14 =	vld [tilespmem:s31+$0xFFFFFFD0]  }
0x145: {  	v2 =	vadd.f32 v2, v7;
	v4 =	vand.u32 $0xFFFF0000, v6;
	v6 =	vadd.f32 v10, v9;
	v7 =	vld [tilespmem:s31+$0xFFFFFFB0]  }
0x146: {  	v4 =	vadd.f32 v4, v8;
	v8 =	vshll.u32 v5, $0x10;
	v9 =	vadd.f32 v1, v3;
	v10 =	vld [tilespmem:s31+$0xFFFFFFC0]  }
0x147: {  	v15 =	vadd.f32 v0, v2;
	v0 =	vand.u32 $0xFFFF0000, v5;
	v5 =	vadd.f32 v8, v6  }
0x148: {  	v16 =	vadd.f32 v0, v4;
	v17 =	vld [tilespmem:s31+$0xFFFFFFE0];
	v0 =	vshll.u32 v13, $0x10;
	v1 =	vand.u32 $0xFFFF0000, v13  }
0x149: {  	v4 =	vshll.u32 v12, $0x10;
	v2 =	vshll.u32 v11, $0x10;
	v3 =	vand.u32 $0xFFFF0000, v11  }
0x14a: {  	v8 =	vand.u32 $0xFFFF0000, v12;
	v6 =	vshll.u32 v7, $0x10;
	v12 =	vand.u32 $0xFFFF0000, v7;
	v7 =	vld [tilespmem:s31+$0x0]  }
0x14b: {  	v11 =	vshll.u32 v14, $0x10;
	v14 =	vand.u32 $0xFFFF0000, v14;
	v13 =	vshll.u32 v10, $0x10  }
0x14c: {  	v18 =	vadd.f32 v6, v9;
	v12 =	vadd.f32 v12, v15;
	v9 =	vand.u32 $0xFFFF0000, v10;
	v6 =	vld [tilespmem:s31+$0x20]  }
0x14d: {  	v10 =	vadd.f32 v13, v5;
	v13 =	vshll.u32 v17, $0x10;
	v9 =	vadd.f32 v9, v16  }
0x14e: {  	s17 =	simm.s32 $0x0;
	s18 =	simm.s32 $0x6EF0;
	v5 =	vld [tilespmem:s31+$0x40];
	v11 =	vadd.f32 v11, v18;
	v12 =	vadd.f32 v14, v12;
	v14 =	vand.u32 $0xFFFF0000, v17  }
.LBB2_21:
0x14f: {  	v15 =	vld [tilespmem:s18+$0x30];
	v10 =	vadd.f32 v13, v10;
	v9 =	vadd.f32 v14, v9;
	v13 =	vshll.u32 v7, $0x10  }
0x150: {  	v7 =	vand.u32 $0xFFFF0000, v7;
	v14 =	vld [tilespmem:s18+$0x10];
	v4 =	vadd.f32 v4, v11;
	v8 =	vadd.f32 v8, v12  }
0x151: {  	v11 =	vld [tilespmem:s18+$0xFFFFFFF0];
	v10 =	vadd.f32 v13, v10;
	v7 =	vadd.f32 v7, v9;
	v9 =	vshll.u32 v6, $0x10  }
0x152: {  	v12 =	vld [tilespmem:s18+$0xFFFFFFD0];
	v2 =	vadd.f32 v2, v4;
	v3 =	vadd.f32 v3, v8;
	v4 =	vand.u32 $0xFFFF0000, v6  }
0x153: {  	v6 =	vld [tilespmem:s18+$0xFFFFFFB0];
	v8 =	vadd.f32 v9, v10;
	v4 =	vadd.f32 v4, v7;
	v7 =	vshll.u32 v5, $0x10  }
0x154: {  	v9 =	vld [tilespmem:s18+$0xFFFFFFC0];
	v10 =	vadd.f32 v0, v2;
	v13 =	vadd.f32 v1, v3;
	v0 =	vand.u32 $0xFFFF0000, v5  }
0x155: {  	s17 =	sadd.s32 $0x5, s17;
	v5 =	vadd.f32 v7, v8;
	v16 =	vadd.f32 v0, v4  }
0x156: {  	p1 =	slt.u32 s17, $0x41;
	v1 =	vand.u32 $0xFFFF0000, v15;
	v0 =	vshll.u32 v15, $0x10;
	v17 =	vld [tilespmem:s18+$0xFFFFFFE0]  }
0x157: {  	v2 =	vshll.u32 v14, $0x10;
	v3 =	vand.u32 $0xFFFF0000, v14;
	v4 =	vshll.u32 v11, $0x10  }
.Ltmp9:
0x158: {  	v8 =	vand.u32 $0xFFFF0000, v11;
	v14 =	vshll.u32 v12, $0x10;
	v12 =	vand.u32 $0xFFFF0000, v12;
	v7 =	vld [tilespmem:s18+$0x0];
	(pc) =	sbr.rel @p1 .LBB2_21-.Ltmp9, $4  }
0x159: {  	v11 =	vshll.u32 v6, $0x10;
	v6 =	vand.u32 $0xFFFF0000, v6;
	v15 =	vshll.u32 v9, $0x10  }
0x15a: {  	v11 =	vadd.f32 v11, v10;
	v18 =	vadd.f32 v6, v13;
	v9 =	vand.u32 $0xFFFF0000, v9;
	v6 =	vld [tilespmem:s18+$0x20]  }
0x15b: {  	v10 =	vadd.f32 v15, v5;
	v9 =	vadd.f32 v9, v16;
	v13 =	vshll.u32 v17, $0x10  }
0x15c: {  	v11 =	vadd.f32 v14, v11;
	v12 =	vadd.f32 v12, v18;
	v14 =	vand.u32 $0xFFFF0000, v17;
	v5 =	vld [tilespmem:s18+$0x40];
	s18 =	sadd.s32 $0xA0, s18  }
0x15d: {  	v10 =	vadd.f32 v13, v10  }
0x15e: {  	v47 =	vshll.u32 v7, $0x10;
	v4 =	vadd.f32 v4, v11;
	v8 =	vadd.f32 v8, v12  }
0x15f: {  	v9 =	vadd.f32 v14, v9;
	v48 =	vand.u32 $0xFFFF0000, v7;
	v10 =	vadd.f32 v47, v10  }
0x160: {  	v49 =	vshll.u32 v6, $0x10;
	v2 =	vadd.f32 v2, v4;
	v3 =	vadd.f32 v3, v8  }
0x161: {  	v50 =	vadd.f32 v48, v9;
	v51 =	vadd.f32 v49, v10  }
0x162: {  	v52 =	vand.u32 $0xFFFF0000, v6;
	v0 =	vadd.f32 v0, v2;
	v1 =	vadd.f32 v1, v3  }
0x163: {  	v53 =	vadd.f32 v52, v50;
	v54 =	vshll.u32 v5, $0x10  }
0x164: {  	v3 =	vadd.f32 v54, v51;
	v55 =	vmul.f32 v0, v0;
	v56 =	vmul.f32 v1, v1  }
0x165: {  	v57 =	vand.u32 $0xFFFF0000, v5  }
0x166: {  	v2 =	vadd.f32 v57, v53;
	v58 =	vmul.f32 v3, v3;
	v4 =	vadd.f32 v56, v55;
	_ =	sdelay $0x1  }
0x167: {  	v59 =	vmul.f32 v2, v2;
	v4 =	vadd.f32 v58, v4;
	_ =	sdelay $0x1  }
0x168: {  	v4 =	vadd.f32 v59, v4;
	_ =	sdelay $0x1  }
0x169: {  	(xrf2) =	vadd.scan.msk.f32 $0xffff, v4;
	_ =	sdelay $0x9  }
0x16a: {  	v4, _, _ =	vpop (xrf2)  }
0x16b: {  	v4 =	vadd.f32 $0.0e+00, v4;
	_ =	sdelay $0x1  }
0x16c: {  	v4 =	vmax.f32 v4, $6.241000170e-19  }
0x16d: {  	v4 =	vbroadcast v4, $0xF;
	_ =	sdelay $0x1  }
0x16e: {  	v60 =	vshra.s32 v4, $0x1;
	v4 =	vmul.f32 $5.000000000e-01, v4  }
0x16f: {  	v5 =	vsub.s32 $0x5F3759DF, v60  }
0x170: {  	v61 =	vmul.f32 v5, v4;
	_ =	sdelay $0x1  }
0x171: {  	v6 =	vmul.f32 v5, v61;
	_ =	sdelay $0x1  }
0x172: {  	v6 =	vsub.f32 $1.500000000e+00, v6;
	_ =	sdelay $0x1  }
0x173: {  	v5 =	vmul.f32 v5, v6;
	_ =	sdelay $0x1  }
0x174: {  	v6 =	vmul.f32 v5, v4;
	_ =	sdelay $0x1  }
0x175: {  	v6 =	vmul.f32 v6, v5;
	_ =	sdelay $0x1  }
0x176: {  	v6 =	vsub.f32 $1.500000000e+00, v6;
	_ =	sdelay $0x1  }
0x177: {  	v5 =	vmul.f32 v6, v5;
	_ =	sdelay $0x1  }
0x178: {  	v4 =	vmul.f32 v5, v4;
	_ =	sdelay $0x1  }
0x179: {  	v4 =	vmul.f32 v4, v5;
	_ =	sdelay $0x1  }
0x17a: {  	v4 =	vsub.f32 $1.500000000e+00, v4  }
0x17b: {  	s16 =	sadd.s32 @!p0 $0x370, s16;
	s17 =	simm.s32 @!p0 $0x50  }
0x17c: {  	s18 =	simm.s32 @!p0 $0x6E00;
	s31 =	sshll.u32 s15, $0x6;
	s15 =	sadd.s32 $0x1, s15;
	v4 =	vmul.f32 v4, v5  }
0x17d: {  	[tilespmem:s18], [sflag:$0x2] =	stream.indirect.gather @!p0 [hbm4b:s3+s17], $0x20, s16, s17, $0xb8;
	[tilespmem:$0x8000] =	vst v63  }
0x17e: {  	p0 =	sne.s32 s15, $0x20;
	v0 =	vmul.f32 v4, v0  }
.Ltmp10:
0x17f: {  	s16 =	sand.u32 $0x3FFFFFC0, s31;
	v1 =	vmul.f32 v4, v1;
	(pc) =	sbr.rel @p0 .LBB2_2-.Ltmp10, $4  }
0x180: {  	v62 =	vmul.f32 v4, v3;
	[tilespmem:s16+$0x7800] =	vst v0  }
0x181: {  	v63 =	vmul.f32 v4, v2;
	[tilespmem:s16+$0x7810] =	vst v1  }
0x182: {  	[tilespmem:s16+$0x7820] =	vst v62  }
0x183: {  	[tilespmem:s16+$0x7830] =	vst v63  }
0x184: {  	s14 =	sadd.s32 $0x1, s14  }
0x185: {  	p0 =	sne.s32 s14, s6  }
.Ltmp11:
0x186: {  	_ = 	snop;
	(pc) =	sbr.rel @p0 .LBB2_1-.Ltmp11, $4  }
0x187: {  	[hbm4b:s5+s2] =	stream.linear.scatter [tilespmem:s13], [sflag:$0x3], $0x800, $0x38;
	[tilespmem:$0x8000] =	vst v63  }
0x188: {  	_ =	swait.ge [sflag:s7], $0x800  }
0x189: {  	[sflag:s7] =	ssyncset.done $0x0  }
0x18a: {  	[sflag:s7] =	ssyncadd.s32 $0xFFFFF800  }
0x18b: {  	_ =	sfence.sel $0x180000  }
0x18c: {  	[bflag:$0x0] =	sbarrier.arrive $0xFFFF  }
0x18d: {  	p0 =	sne.s32 s0, $0x0;
	_ =	strace $0x9000004A  }
0x18e: {  	s0 =	sadd.s32 @!p0 $0x100000, s1;
	[bflag:$0x2] =	sbarrier.arrive $0xFFFF  }
0x18f: {  	[sflag:s0] =	ssyncadd.tile.s32 @!p0 $0x1;
	_ =	shalt  }
.Lfunc_end2:
_tile_overlayer_lowered:
.L_overlay_start_2:
0x190: {  	(tag) =	ssettag $0x2  }
0x191: {  	s0 =	rddreg [dreg:$0x0];
	s2 =	stileid.u32  }
0x192: {  	s1 =	rddreg [dreg:$0x1];
	p0 =	sne.s32 s2, $0x0  }
0x193: {  	s3 =	rddreg [dreg:$0x2];
	[bflag:$0x3] =	sbarrier.arrive $0xFFFF;
	s2 =	simm.s32 @!p0 $0x1C03  }
0x194: {  	[timem:s3], [sflag:s2] =	dma.local @!p0 [hbm:s0], s1  }
0x195: {  	s0 =	simm.s32 @!p0 $0x3  }
0x196: {  	_ =	swait.ge @!p0 [sflag:s0], s1  }
0x197: {  	s1 =	ssub.s32 @!p0 $0x0, s1;
	[sflag:s0] =	ssyncset.done @!p0 $0x0  }
0x198: {  	[sflag:s0] =	ssyncadd.s32 @!p0 s1  }
0x199: {  	[bflag:$0x3] =	sbarrier.arrive $0xFFFF  }
0x19a: {  	_ =	shalt  }

</sc_bundles>
